<compile_context>
chip_gen: v7x
topology: tpu7x:2x2x1
jax: 0.10.2.dev20260603
libtpu: 0.0.44.dev20260713+nightly
codegen_flags: <defaults>
</compile_context>

<pallas_src>
import functools

import jax
import jax.numpy as jnp
from jax import lax
from jax.experimental import pallas as pl
from jax.experimental.pallas import tpu as pltpu
from jax.experimental.pallas import tpu_sc as plsc

NU = 1_000_000
NI = 100_000
D = 32
F = 16
B = 16384
NC = 2
NS = 16
NW = NC * NS
BPW = B // NW
UPW = NU // NW
IPW = NI // NW
UPW_PAD = ((UPW + 15) // 16) * 16
IPW_PAD = ((IPW + 15) // 16) * 16
CH = 512
NCH = B // CH
PSH = 14
PMASK = (1 << PSH) - 1
INVALID = 0x7FFFFFFF



def _scan_side(ids_v, tab, lp, li, n_loc, n_pad, lo, out_pos, out_id, wid):
    lane = lax.iota(jnp.int32, 16)

    def init_body(j, _):
        tab[pl.ds(j * 16, 16)] = jnp.full((16,), -1, jnp.int32)
        return 0

    lax.fori_loop(0, n_pad // 16, init_body, 0)

    def scan_body(v, _):
        ids16 = ids_v[pl.ds(v * 16, 16)]
        pos16 = lane + v * 16
        lid = ids16 - lo
        m = (lid >= 0) & (lid < n_loc)
        comb = jnp.where(m, (lid << PSH) | pos16, jnp.int32(INVALID))
        ck, _cv = plsc.sort_key_val(comb, pos16)
        lid_s = lax.shift_right_logical(ck, PSH)
        pos_s = ck & PMASK
        valid = ck != jnp.int32(INVALID)
        nxt = jnp.take_along_axis(
            lid_s, jnp.minimum(lane + 1, 15), axis=0, mode="promise_in_bounds"
        )
        win = valid & ((lid_s != nxt) | (lane == 15))
        plsc.store_scatter(tab, [jnp.where(win, lid_s, 0)], pos_s, mask=win)
        return 0

    lax.fori_loop(0, B // 16, scan_body, 0)

    def comp_body(j, carry):
        off, lastc = carry
        pv = tab[pl.ds(j * 16, 16)]
        m = pv >= 0
        cs = plsc.cumsum(jnp.where(m, jnp.int32(1), jnp.int32(0)))
        tot = jnp.max(cs)
        dest = jnp.where(m, off + cs - 1, 0)
        lidv = lane + j * 16
        plsc.store_scatter(
            lp, [lax.shift_right_logical(dest, 9), dest & (CH - 1)], pv, mask=m
        )
        plsc.store_scatter(
            li, [lax.shift_right_logical(dest, 9), dest & (CH - 1)], lidv + lo,
            mask=m,
        )
        packed = jnp.max(jnp.where(m, (lidv << PSH) | pv, jnp.int32(-1)))
        lastc = jnp.where(packed >= 0, packed, lastc)
        return off + tot, lastc

    cnt, lastc = lax.fori_loop(
        0, n_pad // 16, comp_body, (jnp.int32(0), jnp.int32(0))
    )
    cntp = (cnt + (CH - 1)) & jnp.int32(~(CH - 1))
    lastpos = lastc & PMASK
    lastgid = lax.shift_right_logical(lastc, PSH) + lo
    zeros16 = jnp.zeros((16,), jnp.int32)

    def pad_body(j, _):
        dest = cnt + lane + j * 16
        m = dest < cntp
        destc = jnp.where(m, dest, 0)
        idxs = [lax.shift_right_logical(destc, 9), destc & (CH - 1)]
        plsc.store_scatter(lp, idxs, zeros16 + lastpos, mask=m)
        plsc.store_scatter(li, idxs, zeros16 + lastgid, mask=m)
        return 0

    lax.fori_loop(0, CH // 16, pad_body, 0)
    pltpu.sync_copy(lp, out_pos.at[wid])
    pltpu.sync_copy(li, out_id.at[wid])
    return cntp


def _gather_scan_body(
    uids_h, iids_h, cu4_h, ci4_h, ult_h, ilt_h,
    pk_u, pk_i, ult_g, ilt_g, u_pos, u_id, i_pos, i_id, cnts,
    ids_v, idx_s, sidx_s, tab, lp, li, pk_s, tvec, cstage, sem,
):
    wid = lax.axis_index("s") * NC + lax.axis_index("c")
    base = wid * BPW
    lane = lax.iota(jnp.int32, 16)

    def side(ids_h, src4_h, lt_h, lt_g, pk_g):
        pltpu.sync_copy(ids_h, ids_v)
        pltpu.sync_copy(ids_h.at[pl.ds(base, BPW)], idx_s)

        def sidx_body(v, _):
            ids16 = idx_s[pl.ds(v * 16, 16)]
            sidx_s[pl.ds(v * 16, 16)] = lax.shift_right_logical(ids16, 1)
            return 0

        lax.fori_loop(0, BPW // 16, sidx_body, 0)

        def chunk(c, _):
            pltpu.async_copy(
                src4_h.at[sidx_s.at[pl.ds(c * 256, 256)]], pk_s, sem
            ).wait()
            pltpu.sync_copy(pk_s, pk_g.at[pl.ds(base + c * 256, 256)])
            return 0

        lax.fori_loop(0, BPW // 256, chunk, 0)
        pltpu.async_copy(lt_h.at[idx_s], tvec, sem).wait()
        pltpu.sync_copy(tvec, lt_g.at[pl.ds(base, BPW)])

    side(uids_h, cu4_h, ult_h, ult_g, pk_u)
    cu = _scan_side(ids_v, tab, lp, li, UPW, UPW_PAD, wid * UPW, u_pos, u_id, wid)

    side(iids_h, ci4_h, ilt_h, ilt_g, pk_i)
    ci = _scan_side(ids_v, tab, lp, li, IPW, IPW_PAD, wid * IPW, i_pos, i_id, wid)

    cv = jnp.where(lane == 0, cu, jnp.where(lane == 1, ci, 0))
    cstage[...] = cv
    pltpu.sync_copy(cstage.at[pl.ds(0, 8)], cnts.at[wid])


@functools.cache
def _make_gather_scan():
  return pl.kernel(
    _gather_scan_body,
    out_type=(
        jax.ShapeDtypeStruct((B, 4 * D), jnp.float32),
        jax.ShapeDtypeStruct((B, 4 * D), jnp.float32),
        jax.ShapeDtypeStruct((B,), jnp.float32),
        jax.ShapeDtypeStruct((B,), jnp.float32),
        jax.ShapeDtypeStruct((NW, NCH, CH), jnp.int32),
        jax.ShapeDtypeStruct((NW, NCH, CH), jnp.int32),
        jax.ShapeDtypeStruct((NW, NCH, CH), jnp.int32),
        jax.ShapeDtypeStruct((NW, NCH, CH), jnp.int32),
        jax.ShapeDtypeStruct((NW, 8), jnp.int32),
    ),
    mesh=plsc.VectorSubcoreMesh(
        core_axis_name="c", subcore_axis_name="s", num_cores=NC
    ),
    compiler_params=pltpu.CompilerParams(
        needs_layout_passes=False, use_tc_tiling_on_sc=False
    ),
    scratch_types=[
        pltpu.VMEM((B,), jnp.int32),
        pltpu.VMEM((BPW,), jnp.int32),
        pltpu.VMEM((BPW,), jnp.int32),
        pltpu.VMEM((UPW_PAD,), jnp.int32),
        pltpu.VMEM((NCH, CH), jnp.int32),
        pltpu.VMEM((NCH, CH), jnp.int32),
        pltpu.VMEM((256, 4 * D), jnp.float32),
        pltpu.VMEM((BPW,), jnp.float32),
        pltpu.VMEM((16,), jnp.int32),
        pltpu.SemaphoreType.DMA,
    ],
  )


def _scatter_body(
    nu_h, ni_h, ts_h, u_pos, u_id, i_pos, i_id, cnts,
    ue_ref, ie_ref, ut_ref, it_ref,
    upos, uidl, ipos, iidl, rows, tvec, cstage, sem,
):
    wid = lax.axis_index("s") * NC + lax.axis_index("c")
    lane = lax.iota(jnp.int32, 16)
    pltpu.sync_copy(u_pos.at[wid], upos)
    pltpu.sync_copy(u_id.at[wid], uidl)
    pltpu.sync_copy(i_pos.at[wid], ipos)
    pltpu.sync_copy(i_id.at[wid], iidl)
    pltpu.sync_copy(cnts.at[wid], cstage.at[pl.ds(0, 8)])
    cv = cstage[...]
    cu = jnp.max(jnp.where(lane == 0, cv, 0))
    ci = jnp.max(jnp.where(lane == 1, cv, 0))

    def chunk(c, _):
        @pl.when(c * CH < cu)
        def _():
            pltpu.async_copy(nu_h.at[upos.at[c]], rows, sem).wait()
            pltpu.async_copy(rows, ue_ref.at[uidl.at[c]], sem).wait()
            pltpu.async_copy(ts_h.at[upos.at[c]], tvec, sem).wait()
            pltpu.async_copy(tvec, ut_ref.at[uidl.at[c]], sem).wait()

        @pl.when(c * CH < ci)
        def _():
            pltpu.async_copy(ni_h.at[ipos.at[c]], rows, sem).wait()
            pltpu.async_copy(rows, ie_ref.at[iidl.at[c]], sem).wait()
            pltpu.async_copy(ts_h.at[ipos.at[c]], tvec, sem).wait()
            pltpu.async_copy(tvec, it_ref.at[iidl.at[c]], sem).wait()

        return 0

    lax.fori_loop(0, NCH, chunk, 0)


@functools.cache
def _make_scatter():
  return pl.kernel(
    _scatter_body,
    out_type=(),
    mesh=plsc.VectorSubcoreMesh(
        core_axis_name="c", subcore_axis_name="s", num_cores=NC
    ),
    compiler_params=pltpu.CompilerParams(
        needs_layout_passes=False, use_tc_tiling_on_sc=False
    ),
    scratch_types=[
        pltpu.VMEM((NCH, CH), jnp.int32),
        pltpu.VMEM((NCH, CH), jnp.int32),
        pltpu.VMEM((NCH, CH), jnp.int32),
        pltpu.VMEM((NCH, CH), jnp.int32),
        pltpu.VMEM((CH, D), jnp.float32),
        pltpu.VMEM((CH,), jnp.float32),
        pltpu.VMEM((16,), jnp.int32),
        pltpu.SemaphoreType.DMA,
    ],
  )


def _dense_body(
    pk_u, pk_i, uodd, iodd, ult, ilt, ts, feat,
    mue_u, mie_u, mus_u, mis_u, mf_u, vdu_u, vdi_u, b_u,
    mie_i, mue_i, mis_i, mus_i, mf_i, vdi_i, vdu_i, b_i,
    wtu, wti, nu_ref, ni_ref,
):
    hi = jax.lax.Precision.HIGHEST
    uo = uodd[...] > 0
    ue = jnp.where(uo, pk_u[:, 2 * D:3 * D], pk_u[:, 0:D])
    us_ = jnp.where(uo, pk_u[:, 3 * D:4 * D], pk_u[:, D:2 * D])
    io = iodd[...] > 0
    ie = jnp.where(io, pk_i[:, 2 * D:3 * D], pk_i[:, 0:D])
    is_ = jnp.where(io, pk_i[:, 3 * D:4 * D], pk_i[:, D:2 * D])
    du = ts[...] - ult[...]
    di = ts[...] - ilt[...]
    duf = jnp.log1p(jnp.maximum(du, 0.0))
    dif = jnp.log1p(jnp.maximum(di, 0.0))
    uep = ue * (1.0 + du * wtu[...])
    iep = ie * (1.0 + di * wti[...])
    pu = (
        jnp.dot(uep, mue_u[...], precision=hi)
        + jnp.dot(iep, mie_u[...], precision=hi)
        + jnp.dot(us_, mus_u[...], precision=hi)
        + jnp.dot(is_, mis_u[...], precision=hi)
        + jnp.dot(feat[...], mf_u[...], precision=hi)
        + duf * vdu_u[...]
        + dif * vdi_u[...]
        + b_u[...]
    )
    pi = (
        jnp.dot(iep, mie_i[...], precision=hi)
        + jnp.dot(uep, mue_i[...], precision=hi)
        + jnp.dot(is_, mis_i[...], precision=hi)
        + jnp.dot(us_, mus_i[...], precision=hi)
        + jnp.dot(feat[...], mf_i[...], precision=hi)
        + dif * vdi_i[...]
        + duf * vdu_i[...]
        + b_i[...]
    )
    nu = jnp.tanh(pu)
    ni = jnp.tanh(pi)
    nu = nu / jnp.maximum(jnp.sqrt(jnp.sum(nu * nu, axis=1, keepdims=True)), 1e-12)
    ni = ni / jnp.maximum(jnp.sqrt(jnp.sum(ni * ni, axis=1, keepdims=True)), 1e-12)
    nu_ref[...] = nu
    ni_ref[...] = ni


_BS = 1024
_bspec = lambda n: pl.BlockSpec((_BS, n), lambda i: (i, 0))
_wspec = lambda m, n: pl.BlockSpec((m, n), lambda i: (0, 0))

_dense = pl.pallas_call(
    _dense_body,
    grid=(B // _BS,),
    in_specs=[
        _bspec(4 * D), _bspec(4 * D), _bspec(1), _bspec(1),
        _bspec(1), _bspec(1), _bspec(1), _bspec(F),
        _wspec(D, D), _wspec(D, D), _wspec(D, D), _wspec(D, D),
        _wspec(F, D), _wspec(1, D), _wspec(1, D), _wspec(1, D),
        _wspec(D, D), _wspec(D, D), _wspec(D, D), _wspec(D, D),
        _wspec(F, D), _wspec(1, D), _wspec(1, D), _wspec(1, D),
        _wspec(1, D), _wspec(1, D),
    ],
    out_specs=(_bspec(D), _bspec(D)),
    out_shape=(
        jax.ShapeDtypeStruct((B, D), jnp.float32),
        jax.ShapeDtypeStruct((B, D), jnp.float32),
    ),
)


def kernel(user_ids, item_ids, timestamps, features, user_embeddings,
           item_embeddings, user_last_time, item_last_time, user_static,
           item_static, Wt_u, Wt_i, Wih_u, Whh_u, bih_u, bhh_u, Wih_i, Whh_i,
           bih_i, bhh_i):
    uids = user_ids.astype(jnp.int32)
    iids = item_ids.astype(jnp.int32)
    cu4 = jnp.concatenate(
        [user_embeddings, user_static], axis=1).reshape(NU // 2, 4 * D)
    ci4 = jnp.concatenate(
        [item_embeddings, item_static], axis=1).reshape(NI // 2, 4 * D)
    (pk_u, pk_i, ult_g, ilt_g,
     u_pos, u_id, i_pos, i_id, cnts) = _make_gather_scan()(
        uids, iids, cu4, ci4, user_last_time, item_last_time)

    mue_u = (Wih_u[:, 0:D] + Whh_u).T
    mie_u = Wih_u[:, D:2 * D].T
    mus_u = Wih_u[:, 2 * D:3 * D].T
    mis_u = Wih_u[:, 3 * D:4 * D].T
    mf_u = Wih_u[:, 4 * D:4 * D + F].T
    vdu_u = Wih_u[:, 4 * D + F][None, :]
    vdi_u = Wih_u[:, 4 * D + F + 1][None, :]
    b_u = (bih_u + bhh_u)[None, :]
    mie_i = (Wih_i[:, 0:D] + Whh_i).T
    mue_i = Wih_i[:, D:2 * D].T
    mis_i = Wih_i[:, 2 * D:3 * D].T
    mus_i = Wih_i[:, 3 * D:4 * D].T
    mf_i = Wih_i[:, 4 * D:4 * D + F].T
    vdi_i = Wih_i[:, 4 * D + F][None, :]
    vdu_i = Wih_i[:, 4 * D + F + 1][None, :]
    b_i = (bih_i + bhh_i)[None, :]

    new_u, new_i = _dense(
        pk_u, pk_i, (uids & 1)[:, None], (iids & 1)[:, None],
        ult_g[:, None], ilt_g[:, None],
        timestamps[:, None], features,
        mue_u, mie_u, mus_u, mis_u, mf_u, vdu_u, vdi_u, b_u,
        mie_i, mue_i, mis_i, mus_i, mf_i, vdi_i, vdu_i, b_i,
        Wt_u[:, 0][None, :], Wt_i[:, 0][None, :],
    )

    upd_ue = jax.new_ref(user_embeddings)
    upd_ie = jax.new_ref(item_embeddings)
    upd_ut = jax.new_ref(user_last_time)
    upd_it = jax.new_ref(item_last_time)
    _make_scatter()(new_u, new_i, timestamps, u_pos, u_id, i_pos, i_id, cnts,
                    upd_ue, upd_ie, upd_ut, upd_it)
    return (new_u, new_i, jax.freeze(upd_ue), jax.freeze(upd_ie),
            jax.freeze(upd_ut), jax.freeze(upd_it))

# --- scband reference (transcript-rebuilt; emitter-appended) ---
"""Pipeline reference for scband-jodiernn-84035330114084 (READ-ONLY COPY).

The authoritative reference and input builder live on the scoring server;
editing this copy changes nothing except your own understanding.
"""

import jax, jax.numpy as jnp
import numpy as np

NUM_USERS = 1000000
NUM_ITEMS = 100000
D = 32
F = 16
B = 16384
RNN_IN = 2 * D + 2 * D + F + 2


def _l2norm(x):
    n = jnp.sqrt(jnp.sum(x * x, axis=-1, keepdims=True))
    return x / jnp.maximum(n, 1e-12)


def setup_inputs(seed: int = 0) -> dict:
    key = jax.random.key(seed)
    ks = jax.random.split(key, 24)
    user_ids = jax.random.randint(ks[0], (B,), 0, NUM_USERS)
    item_ids = jax.random.randint(ks[1], (B,), 0, NUM_ITEMS)
    timestamps = jax.random.uniform(ks[2], (B,), dtype=jnp.float32) * 1000.0 + 500.0
    features = jax.random.normal(ks[3], (B, F), dtype=jnp.float32)
    user_embeddings = jax.random.normal(ks[4], (NUM_USERS, D), dtype=jnp.float32) * 0.1
    item_embeddings = jax.random.normal(ks[5], (NUM_ITEMS, D), dtype=jnp.float32) * 0.1
    user_last_time = jax.random.uniform(ks[6], (NUM_USERS,), dtype=jnp.float32) * 500.0
    item_last_time = jax.random.uniform(ks[7], (NUM_ITEMS,), dtype=jnp.float32) * 500.0
    user_static = jax.random.normal(ks[8], (NUM_USERS, D), dtype=jnp.float32) * 0.1
    item_static = jax.random.normal(ks[9], (NUM_ITEMS, D), dtype=jnp.float32) * 0.1
    Wt_u = jax.random.normal(ks[10], (D, 1), dtype=jnp.float32) * 0.1
    Wt_i = jax.random.normal(ks[11], (D, 1), dtype=jnp.float32) * 0.1
    s_in = 1.0 / np.sqrt(RNN_IN)
    s_h = 1.0 / np.sqrt(D)
    Wih_u = jax.random.normal(ks[12], (D, RNN_IN), dtype=jnp.float32) * s_in
    Whh_u = jax.random.normal(ks[13], (D, D), dtype=jnp.float32) * s_h
    bih_u = jnp.zeros((D,), dtype=jnp.float32)
    bhh_u = jnp.zeros((D,), dtype=jnp.float32)
    Wih_i = jax.random.normal(ks[14], (D, RNN_IN), dtype=jnp.float32) * s_in
    Whh_i = jax.random.normal(ks[15], (D, D), dtype=jnp.float32) * s_h
    bih_i = jnp.zeros((D,), dtype=jnp.float32)
    bhh_i = jnp.zeros((D,), dtype=jnp.float32)
    return {
        'user_ids': user_ids, 'item_ids': item_ids, 'timestamps': timestamps, 'features': features,
        'user_embeddings': user_embeddings, 'item_embeddings': item_embeddings,
        'user_last_time': user_last_time, 'item_last_time': item_last_time,
        'user_static': user_static, 'item_static': item_static,
        'Wt_u': Wt_u, 'Wt_i': Wt_i,
        'Wih_u': Wih_u, 'Whh_u': Whh_u, 'bih_u': bih_u, 'bhh_u': bhh_u,
        'Wih_i': Wih_i, 'Whh_i': Whh_i, 'bih_i': bih_i, 'bhh_i': bhh_i,
    }


def reference(user_ids, item_ids, timestamps, features,
              user_embeddings, item_embeddings, user_last_time, item_last_time,
              user_static, item_static, Wt_u, Wt_i,
              Wih_u, Whh_u, bih_u, bhh_u, Wih_i, Whh_i, bih_i, bhh_i):
    # gather dynamic state (detached in torch; pure reads here)
    user_emb = jnp.take(user_embeddings, user_ids, axis=0)
    item_emb = jnp.take(item_embeddings, item_ids, axis=0)
    delta_u = (timestamps - jnp.take(user_last_time, user_ids, axis=0))[:, None]
    delta_i = (timestamps - jnp.take(item_last_time, item_ids, axis=0))[:, None]
    du_feat = jnp.log1p(jnp.clip(delta_u, 0.0, None))
    di_feat = jnp.log1p(jnp.clip(delta_i, 0.0, None))
    # time projection: emb * (1 + Linear(delta))
    user_emb = user_emb * (1.0 + delta_u @ Wt_u.T)
    item_emb = item_emb * (1.0 + delta_i @ Wt_i.T)
    us = jnp.take(user_static, user_ids, axis=0)
    its = jnp.take(item_static, item_ids, axis=0)
    u_in = jnp.concatenate([user_emb, item_emb, us, its, features, du_feat, di_feat], axis=-1)
    i_in = jnp.concatenate([item_emb, user_emb, its, us, features, di_feat, du_feat], axis=-1)
    # RNNCell (tanh): h' = tanh(x@Wih^T + bih + h@Whh^T + bhh)
    new_u = jnp.tanh(u_in @ Wih_u.T + bih_u + user_emb @ Whh_u.T + bhh_u)
    new_i = jnp.tanh(i_in @ Wih_i.T + bih_i + item_emb @ Whh_i.T + bhh_i)
    new_u = _l2norm(new_u)
    new_i = _l2norm(new_i)
    # scatter-overwrite the runtime state buffers (functional equivalent of torch in-place buffer writes)
    upd_user_emb = user_embeddings.at[user_ids].set(jax.lax.stop_gradient(new_u))
    upd_item_emb = item_embeddings.at[item_ids].set(jax.lax.stop_gradient(new_i))
    upd_user_t = user_last_time.at[user_ids].set(jax.lax.stop_gradient(timestamps))
    upd_item_t = item_last_time.at[item_ids].set(jax.lax.stop_gradient(timestamps))
    return (new_u, new_i, upd_user_emb, upd_item_emb, upd_user_t, upd_item_t)

if __name__ == "__main__":
    import jax
    _d = setup_inputs()
    print(jax.jit(kernel)(*tuple(_d.values())))

</pallas_src>

<mosaic_0001>
#map = affine_map<(d0, d1) -> (0)>
#map1 = affine_map<(d0, d1) -> (0, 0)>
#map2 = affine_map<(d0, d1) -> (0, 0, 0)>
module attributes {stable_mosaic.version = 14 : i64} {
  func.func @_gather_scan_body(%arg0: i32, %arg1: i32, %arg2: memref<16384xi32, #tpu.memory_space<hbm>>, %arg3: memref<16384xi32, #tpu.memory_space<hbm>>, %arg4: memref<500000x128xf32, #tpu.memory_space<hbm>>, %arg5: memref<50000x128xf32, #tpu.memory_space<hbm>>, %arg6: memref<1000000xf32, #tpu.memory_space<hbm>>, %arg7: memref<100000xf32, #tpu.memory_space<hbm>>, %arg8: memref<16384x128xf32, #tpu.memory_space<hbm>>, %arg9: memref<16384x128xf32, #tpu.memory_space<hbm>>, %arg10: memref<16384xf32, #tpu.memory_space<hbm>>, %arg11: memref<16384xf32, #tpu.memory_space<hbm>>, %arg12: memref<32x32x512xi32, #tpu.memory_space<hbm>>, %arg13: memref<32x32x512xi32, #tpu.memory_space<hbm>>, %arg14: memref<32x32x512xi32, #tpu.memory_space<hbm>>, %arg15: memref<32x32x512xi32, #tpu.memory_space<hbm>>, %arg16: memref<32x8xi32, #tpu.memory_space<hbm>>, %arg17: memref<16384xi32, #tpu.memory_space<vmem>>, %arg18: memref<512xi32, #tpu.memory_space<vmem>>, %arg19: memref<512xi32, #tpu.memory_space<vmem>>, %arg20: memref<31264xi32, #tpu.memory_space<vmem>>, %arg21: memref<32x512xi32, #tpu.memory_space<vmem>>, %arg22: memref<32x512xi32, #tpu.memory_space<vmem>>, %arg23: memref<256x128xf32, #tpu.memory_space<vmem>>, %arg24: memref<512xf32, #tpu.memory_space<vmem>>, %arg25: memref<16xi32, #tpu.memory_space<vmem>>, %arg26: memref<!tpu.dma_semaphore, #tpu.memory_space<semaphore_mem>>) attributes {dimension_semantics = [#tpu.dimension_semantics<core_parallel>, #tpu.dimension_semantics<subcore_parallel>], iteration_bounds = array<i64: 2, 16>, scalar_prefetch = 0 : i64, scratch_operands = 10 : i64, tpu.core_type = #tpu.core_type<sc_vector_subcore>, window_params = [{transform_indices = #map}, {transform_indices = #map}, {transform_indices = #map1}, {transform_indices = #map1}, {transform_indices = #map}, {transform_indices = #map}, {transform_indices = #map1}, {transform_indices = #map1}, {transform_indices = #map}, {transform_indices = #map}, {transform_indices = #map2}, {transform_indices = #map2}, {transform_indices = #map2}, {transform_indices = #map2}, {transform_indices = #map1}]} {
    %mul3A = arith.constant 2 : i32
    %mul3A_0 = arith.muli %arg1, %mul3A : i32
    %add3A = arith.addi %mul3A_0, %arg0 : i32
    %mul3A_1 = arith.constant 512 : i32
    %mul3A_2 = arith.muli %add3A, %mul3A_1 : i32
    %iota3A = tpu.iota {dimensions = array<i32: 0>} : vector<16xi32>
    "tpu.region"() ({
      %run_scoped3A = tpu.sem_alloc : memref<!tpu.dma_semaphore, #tpu.memory_space<semaphore_mem>>
      tpu.enqueue_dma source(%arg2 : memref<16384xi32, #tpu.memory_space<hbm>>) target(%arg17 : memref<16384xi32, #tpu.memory_space<vmem>>) target_semaphore(%run_scoped3A : memref<!tpu.dma_semaphore, #tpu.memory_space<semaphore_mem>>)
      tpu.wait_dma2 semaphore(%run_scoped3A : memref<!tpu.dma_semaphore, #tpu.memory_space<semaphore_mem>>) src(%arg2 : memref<16384xi32, #tpu.memory_space<hbm>>) dst(%arg17 : memref<16384xi32, #tpu.memory_space<vmem>>)
      tpu.yield
    }) : () -> ()
    "tpu.region"() ({
      %run_scoped3A = tpu.sem_alloc : memref<!tpu.dma_semaphore, #tpu.memory_space<semaphore_mem>>
      %dma_start3A_129 = tpu.memref_slice %arg2[%mul3A_2] : memref<16384xi32, #tpu.memory_space<hbm>> -> memref<512xi32, #tpu.memory_space<hbm>>
      %dma_start3A_130 = tpu.memref_slice %arg2[%mul3A_2] : memref<16384xi32, #tpu.memory_space<hbm>> -> memref<512xi32, #tpu.memory_space<hbm>>
      tpu.enqueue_dma source(%dma_start3A_130 : memref<512xi32, #tpu.memory_space<hbm>>) target(%arg18 : memref<512xi32, #tpu.memory_space<vmem>>) target_semaphore(%run_scoped3A : memref<!tpu.dma_semaphore, #tpu.memory_space<semaphore_mem>>)
      %dma_wait3A_131 = tpu.memref_slice %arg2[%mul3A_2] : memref<16384xi32, #tpu.memory_space<hbm>> -> memref<512xi32, #tpu.memory_space<hbm>>
      %dma_wait3A_132 = tpu.memref_slice %arg2[%mul3A_2] : memref<16384xi32, #tpu.memory_space<hbm>> -> memref<512xi32, #tpu.memory_space<hbm>>
      tpu.wait_dma2 semaphore(%run_scoped3A : memref<!tpu.dma_semaphore, #tpu.memory_space<semaphore_mem>>) src(%dma_wait3A_132 : memref<512xi32, #tpu.memory_space<hbm>>) dst(%arg18 : memref<512xi32, #tpu.memory_space<vmem>>)
      tpu.yield
    }) : () -> ()
    %scan3A = arith.constant 0 : i32
    %scan3A_3 = arith.constant 0 : i32
    %scan3A_4 = arith.constant 32 : i32
    %scan3A_5 = arith.addi %scan3A_3, %scan3A_4 : i32
    %scan3A_6 = arith.constant 1 : i32
    %scan3A_7 = scf.for %scan3A_129 = %scan3A_3 to %scan3A_5 step %scan3A_6 iter_args(%scan3A_130 = %scan3A) -> (i32)  : i32 {
      %mul3A_131 = arith.constant 16 : i32
      %mul3A_132 = arith.muli %scan3A_129, %mul3A_131 : i32
      %get3A = arith.index_cast %mul3A_132 : i32 to index
      %get3A_133 = tpu.vector_load %arg18[%get3A] {strides = array<i32>} : memref<512xi32, #tpu.memory_space<vmem>>, vector<16xi32>,
      %shift_right_logical3A_134 = arith.constant 1 : i32
      %shift_right_logical3A_135 = vector.broadcast %shift_right_logical3A_134 : i32 to vector<16xi32>
      %shift_right_logical3A_136 = arith.shrui %get3A_133, %shift_right_logical3A_135 : vector<16xi32>
      %mul3A_137 = arith.constant 16 : i32
      %mul3A_138 = arith.muli %scan3A_129, %mul3A_137 : i32
      %swap3A_139 = arith.index_cast %mul3A_138 : i32 to index
      %swap3A_140 = tpu.vector_load %arg19[%swap3A_139] {strides = array<i32>} : memref<512xi32, #tpu.memory_space<vmem>>, vector<16xi32>,
      tpu.vector_store %arg19[%swap3A_139], %shift_right_logical3A_136 {strides = array<i32>} : memref<512xi32, #tpu.memory_space<vmem>>, vector<16xi32>,
      %scan3A_141 = arith.constant 0 : i32
      scf.yield %scan3A_141 : i32
    }
    %scan3A_8 = arith.constant 32 : i32
    %scan3A_9 = arith.constant 0 : i32
    %scan3A_10 = arith.constant 0 : i32
    %scan3A_11 = arith.constant 2 : i32
    %scan3A_12 = arith.addi %scan3A_10, %scan3A_11 : i32
    %scan3A_13 = arith.constant 1 : i32
    %scan3A_14 = scf.for %scan3A_129 = %scan3A_10 to %scan3A_12 step %scan3A_13 iter_args(%scan3A_130 = %scan3A_9) -> (i32)  : i32 {
      %mul3A_131 = arith.constant 256 : i32
      %mul3A_132 = arith.muli %scan3A_129, %mul3A_131 : i32
      %dma_start3A_133 = tpu.memref_slice %arg19[%mul3A_132] : memref<512xi32, #tpu.memory_space<vmem>> -> memref<256xi32, #tpu.memory_space<vmem>>
      %dma_start3A_134 = arith.constant 0 : i32
      %dma_start3A_135 = arith.constant 0 : i32
      %dma_start3A_136 = tpu.memref_slice %arg4[%dma_start3A_134, %dma_start3A_135] : memref<500000x128xf32, #tpu.memory_space<hbm>> -> memref<500000x128xf32, #tpu.memory_space<hbm>>
      tpu.enqueue_indirect_dma source(%dma_start3A_136 : memref<500000x128xf32, #tpu.memory_space<hbm>>) target(%arg23 : memref<256x128xf32, #tpu.memory_space<vmem>>) offsets(%dma_start3A_133 : memref<256xi32, #tpu.memory_space<vmem>>) semaphore(%arg26 : memref<!tpu.dma_semaphore, #tpu.memory_space<semaphore_mem>>)
      %dma_wait3A_137 = tpu.memref_slice %arg19[%mul3A_132] : memref<512xi32, #tpu.memory_space<vmem>> -> memref<256xi32, #tpu.memory_space<vmem>>
      %dma_wait3A_138 = arith.constant 0 : i32
      %dma_wait3A_139 = arith.constant 0 : i32
      %dma_wait3A_140 = tpu.memref_slice %arg4[%dma_wait3A_138, %dma_wait3A_139] : memref<500000x128xf32, #tpu.memory_space<hbm>> -> memref<500000x128xf32, #tpu.memory_space<hbm>>
      tpu.wait_indirect_dma semaphore(%arg26 : memref<!tpu.dma_semaphore, #tpu.memory_space<semaphore_mem>>) src(%dma_wait3A_140 : memref<500000x128xf32, #tpu.memory_space<hbm>>) dst(%arg23 : memref<256x128xf32, #tpu.memory_space<vmem>>)
      %mul3A_141 = arith.constant 256 : i32
      %mul3A_142 = arith.muli %scan3A_129, %mul3A_141 : i32
      %add3A_143 = arith.addi %mul3A_2, %mul3A_142 : i32
      "tpu.region"() ({
        %run_scoped3A = tpu.sem_alloc : memref<!tpu.dma_semaphore, #tpu.memory_space<semaphore_mem>>
        %dma_start3A_145 = arith.constant 0 : i32
        %dma_start3A_146 = tpu.memref_slice %arg8[%add3A_143, %dma_start3A_145] : memref<16384x128xf32, #tpu.memory_space<hbm>> -> memref<256x128xf32, #tpu.memory_space<hbm>>
        %dma_start3A_147 = arith.constant 0 : i32
        %dma_start3A_148 = tpu.memref_slice %arg8[%add3A_143, %dma_start3A_147] : memref<16384x128xf32, #tpu.memory_space<hbm>> -> memref<256x128xf32, #tpu.memory_space<hbm>>
        tpu.enqueue_dma source(%arg23 : memref<256x128xf32, #tpu.memory_space<vmem>>) target(%dma_start3A_148 : memref<256x128xf32, #tpu.memory_space<hbm>>) target_semaphore(%run_scoped3A : memref<!tpu.dma_semaphore, #tpu.memory_space<semaphore_mem>>)
        %dma_wait3A_149 = arith.constant 0 : i32
        %dma_wait3A_150 = tpu.memref_slice %arg8[%add3A_143, %dma_wait3A_149] : memref<16384x128xf32, #tpu.memory_space<hbm>> -> memref<256x128xf32, #tpu.memory_space<hbm>>
        %dma_wait3A_151 = arith.constant 0 : i32
        %dma_wait3A_152 = tpu.memref_slice %arg8[%add3A_143, %dma_wait3A_151] : memref<16384x128xf32, #tpu.memory_space<hbm>> -> memref<256x128xf32, #tpu.memory_space<hbm>>
        tpu.wait_dma2 semaphore(%run_scoped3A : memref<!tpu.dma_semaphore, #tpu.memory_space<semaphore_mem>>) src(%arg23 : memref<256x128xf32, #tpu.memory_space<vmem>>) dst(%dma_wait3A_152 : memref<256x128xf32, #tpu.memory_space<hbm>>)
        tpu.yield
      }) : () -> ()
      %scan3A_144 = arith.constant 0 : i32
      scf.yield %scan3A_144 : i32
    }
    %scan3A_15 = arith.constant 2 : i32
    %dma_start3A = arith.constant 0 : i32
    %dma_start3A_16 = tpu.memref_slice %arg6[%dma_start3A] : memref<1000000xf32, #tpu.memory_space<hbm>> -> memref<1000000xf32, #tpu.memory_space<hbm>>
    tpu.enqueue_indirect_dma source(%dma_start3A_16 : memref<1000000xf32, #tpu.memory_space<hbm>>) target(%arg24 : memref<512xf32, #tpu.memory_space<vmem>>) offsets(%arg18 : memref<512xi32, #tpu.memory_space<vmem>>) semaphore(%arg26 : memref<!tpu.dma_semaphore, #tpu.memory_space<semaphore_mem>>)
    %dma_wait3A = arith.constant 0 : i32
    %dma_wait3A_17 = tpu.memref_slice %arg6[%dma_wait3A] : memref<1000000xf32, #tpu.memory_space<hbm>> -> memref<1000000xf32, #tpu.memory_space<hbm>>
    tpu.wait_indirect_dma semaphore(%arg26 : memref<!tpu.dma_semaphore, #tpu.memory_space<semaphore_mem>>) src(%dma_wait3A_17 : memref<1000000xf32, #tpu.memory_space<hbm>>) dst(%arg24 : memref<512xf32, #tpu.memory_space<vmem>>)
    "tpu.region"() ({
      %run_scoped3A = tpu.sem_alloc : memref<!tpu.dma_semaphore, #tpu.memory_space<semaphore_mem>>
      %dma_start3A_129 = tpu.memref_slice %arg10[%mul3A_2] : memref<16384xf32, #tpu.memory_space<hbm>> -> memref<512xf32, #tpu.memory_space<hbm>>
      %dma_start3A_130 = tpu.memref_slice %arg10[%mul3A_2] : memref<16384xf32, #tpu.memory_space<hbm>> -> memref<512xf32, #tpu.memory_space<hbm>>
      tpu.enqueue_dma source(%arg24 : memref<512xf32, #tpu.memory_space<vmem>>) target(%dma_start3A_130 : memref<512xf32, #tpu.memory_space<hbm>>) target_semaphore(%run_scoped3A : memref<!tpu.dma_semaphore, #tpu.memory_space<semaphore_mem>>)
      %dma_wait3A_131 = tpu.memref_slice %arg10[%mul3A_2] : memref<16384xf32, #tpu.memory_space<hbm>> -> memref<512xf32, #tpu.memory_space<hbm>>
      %dma_wait3A_132 = tpu.memref_slice %arg10[%mul3A_2] : memref<16384xf32, #tpu.memory_space<hbm>> -> memref<512xf32, #tpu.memory_space<hbm>>
      tpu.wait_dma2 semaphore(%run_scoped3A : memref<!tpu.dma_semaphore, #tpu.memory_space<semaphore_mem>>) src(%arg24 : memref<512xf32, #tpu.memory_space<vmem>>) dst(%dma_wait3A_132 : memref<512xf32, #tpu.memory_space<hbm>>)
      tpu.yield
    }) : () -> ()
    %mul3A_18 = arith.constant 31250 : i32
    %mul3A_19 = arith.muli %add3A, %mul3A_18 : i32
    %iota3A_20 = tpu.iota {dimensions = array<i32: 0>} : vector<16xi32>
    %scan3A_21 = arith.constant 0 : i32
    %scan3A_22 = arith.constant 0 : i32
    %scan3A_23 = arith.constant 1954 : i32
    %scan3A_24 = arith.addi %scan3A_22, %scan3A_23 : i32
    %scan3A_25 = arith.constant 1 : i32
    %scan3A_26 = scf.for %scan3A_129 = %scan3A_22 to %scan3A_24 step %scan3A_25 iter_args(%scan3A_130 = %scan3A_21) -> (i32)  : i32 {
      %broadcast_in_dim3A_131 = arith.constant -1 : i32
      %broadcast_in_dim3A_132 = vector.broadcast %broadcast_in_dim3A_131 : i32 to vector<16xi32>
      %mul3A_133 = arith.constant 16 : i32
      %mul3A_134 = arith.muli %scan3A_129, %mul3A_133 : i32
      %swap3A_135 = arith.index_cast %mul3A_134 : i32 to index
      %swap3A_136 = tpu.vector_load %arg20[%swap3A_135] {strides = array<i32>} : memref<31264xi32, #tpu.memory_space<vmem>>, vector<16xi32>,
      tpu.vector_store %arg20[%swap3A_135], %broadcast_in_dim3A_132 {strides = array<i32>} : memref<31264xi32, #tpu.memory_space<vmem>>, vector<16xi32>,
      %scan3A_137 = arith.constant 0 : i32
      scf.yield %scan3A_137 : i32
    }
    %scan3A_27 = arith.constant 1954 : i32
    %scan3A_28 = arith.constant 0 : i32
    %scan3A_29 = arith.constant 0 : i32
    %scan3A_30 = arith.constant 1024 : i32
    %scan3A_31 = arith.addi %scan3A_29, %scan3A_30 : i32
    %scan3A_32 = arith.constant 1 : i32
    %scan3A_33 = scf.for %scan3A_129 = %scan3A_29 to %scan3A_31 step %scan3A_32 iter_args(%scan3A_130 = %scan3A_28) -> (i32)  : i32 {
      %mul3A_131 = arith.constant 16 : i32
      %mul3A_132 = arith.muli %scan3A_129, %mul3A_131 : i32
      %get3A = arith.index_cast %mul3A_132 : i32 to index
      %get3A_133 = tpu.vector_load %arg17[%get3A] {strides = array<i32>} : memref<16384xi32, #tpu.memory_space<vmem>>, vector<16xi32>,
      %mul3A_134 = arith.constant 16 : i32
      %mul3A_135 = arith.muli %scan3A_129, %mul3A_134 : i32
      %add3A_136 = vector.broadcast %mul3A_135 : i32 to vector<16xi32>
      %add3A_137 = arith.addi %iota3A_20, %add3A_136 : vector<16xi32>
      %sub3A = vector.broadcast %mul3A_19 : i32 to vector<16xi32>
      %sub3A_138 = arith.subi %get3A_133, %sub3A : vector<16xi32>
      %ge3A = arith.constant 0 : i32
      %ge3A_139 = vector.broadcast %ge3A : i32 to vector<16xi32>
      %ge3A_140 = arith.cmpi sge, %sub3A_138, %ge3A_139 : vector<16xi32>
      %lt3A = arith.constant 31250 : i32
      %lt3A_141 = vector.broadcast %lt3A : i32 to vector<16xi32>
      %lt3A_142 = arith.cmpi slt, %sub3A_138, %lt3A_141 : vector<16xi32>
      %and3A_143 = arith.andi %ge3A_140, %lt3A_142 : vector<16xi1>
      %shift_left3A = arith.constant 14 : i32
      %shift_left3A_144 = vector.broadcast %shift_left3A : i32 to vector<16xi32>
      %shift_left3A_145 = arith.shli %sub3A_138, %shift_left3A_144 : vector<16xi32>
      %or3A = arith.ori %shift_left3A_145, %add3A_137 : vector<16xi32>
      %jit3A_146 = arith.constant 2147483647 : i32
      %broadcast_in_dim3A_147 = vector.broadcast %jit3A_146 : i32 to vector<16xi32>
      %select_n3A_148 = arith.select %and3A_143, %or3A, %broadcast_in_dim3A_147 : vector<16xi1>, vector<16xi32>
      %masked_sort3A = arith.constant dense<true> : vector<16xi1>
      %masked_sort3A_149 = arith.constant -2147483648 : i32
      %masked_sort3A_150 = vector.broadcast %masked_sort3A_149 : i32 to vector<16xi32>
      %masked_sort3A_151 = arith.xori %select_n3A_148, %masked_sort3A_150 : vector<16xi32>
      %masked_sort3A_152, %masked_sort3A_153, %masked_sort3A_154 = tpu.sort %masked_sort3A_151, %add3A_137 masked %masked_sort3A : (vector<16xi32>, vector<16xi32>, vector<16xi1>) -> (vector<16xi1>, vector<16xi32>, vector<16xi32>)
      %masked_sort3A_155 = arith.xori %masked_sort3A_153, %masked_sort3A_150 : vector<16xi32>
      %shift_right_logical3A_156 = arith.constant 14 : i32
      %shift_right_logical3A_157 = vector.broadcast %shift_right_logical3A_156 : i32 to vector<16xi32>
      %shift_right_logical3A_158 = arith.shrui %masked_sort3A_155, %shift_right_logical3A_157 : vector<16xi32>
      %and3A_159 = arith.constant 16383 : i32
      %and3A_160 = vector.broadcast %and3A_159 : i32 to vector<16xi32>
      %and3A_161 = arith.andi %masked_sort3A_155, %and3A_160 : vector<16xi32>
      %ne3A = arith.constant 2147483647 : i32
      %ne3A_162 = vector.broadcast %ne3A : i32 to vector<16xi32>
      %ne3A_163 = arith.cmpi ne, %masked_sort3A_155, %ne3A_162 : vector<16xi32>
      %add3A_164 = arith.constant 1 : i32
      %add3A_165 = vector.broadcast %add3A_164 : i32 to vector<16xi32>
      %add3A_166 = arith.addi %iota3A_20, %add3A_165 : vector<16xi32>
      %min3A = arith.constant 15 : i32
      %min3A_167 = vector.broadcast %min3A : i32 to vector<16xi32>
      %min3A_168 = arith.minsi %add3A_166, %min3A_167 : vector<16xi32>
      %reshape3A = vector.shape_cast %min3A_168 : vector<16xi32> to vector<16x1xi32>
      %gather3A = vector.shape_cast %reshape3A : vector<16x1xi32> to vector<16xi32>
      %gather3A_169 = tpu.dynamic_gather %shift_right_logical3A_158[%gather3A] in [0] : vector<16xi32>, vector<16xi32> -> vector<16xi32>
      %ne3A_170 = arith.cmpi ne, %shift_right_logical3A_158, %gather3A_169 : vector<16xi32>
      %eq3A_171 = arith.constant 15 : i32
      %eq3A_172 = vector.broadcast %eq3A_171 : i32 to vector<16xi32>
      %eq3A_173 = arith.cmpi eq, %iota3A_20, %eq3A_172 : vector<16xi32>
      %or3A_174 = arith.ori %ne3A_170, %eq3A_173 : vector<16xi1>
      %and3A_175 = arith.andi %ne3A_163, %or3A_174 : vector<16xi1>
      %jit3A_176 = arith.constant 0 : i32
      %broadcast_in_dim3A_177 = vector.broadcast %jit3A_176 : i32 to vector<16xi32>
      %select_n3A_178 = arith.select %and3A_175, %shift_right_logical3A_158, %broadcast_in_dim3A_177 : vector<16xi1>, vector<16xi32>
      tpu.vector_store_idx %arg20[%select_n3A_178], %and3A_161 masked %and3A_175 : memref<31264xi32, #tpu.memory_space<vmem>>[vector<16xi32>], vector<16xi32>, vector<16xi1>
      %scan3A_179 = arith.constant 0 : i32
      scf.yield %scan3A_179 : i32
    }
    %scan3A_34 = arith.constant 1024 : i32
    %scan3A_35 = arith.constant 0 : i32
    %scan3A_36 = arith.constant 0 : i32
    %scan3A_37 = arith.constant 0 : i32
    %scan3A_38 = arith.constant 1954 : i32
    %scan3A_39 = arith.addi %scan3A_37, %scan3A_38 : i32
    %scan3A_40 = arith.constant 1 : i32
    %scan3A_41:2 = scf.for %scan3A_129 = %scan3A_37 to %scan3A_39 step %scan3A_40 iter_args(%scan3A_130 = %scan3A_35, %scan3A_131 = %scan3A_36) -> (i32, i32)  : i32 {
      %mul3A_132 = arith.constant 16 : i32
      %mul3A_133 = arith.muli %scan3A_129, %mul3A_132 : i32
      %get3A = arith.index_cast %mul3A_133 : i32 to index
      %get3A_134 = tpu.vector_load %arg20[%get3A] {strides = array<i32>} : memref<31264xi32, #tpu.memory_space<vmem>>, vector<16xi32>,
      %ge3A = arith.constant 0 : i32
      %ge3A_135 = vector.broadcast %ge3A : i32 to vector<16xi32>
      %ge3A_136 = arith.cmpi sge, %get3A_134, %ge3A_135 : vector<16xi32>
      %jit3A_137 = arith.constant 1 : i32
      %jit3A_138 = arith.constant 0 : i32
      %broadcast_in_dim3A_139 = vector.broadcast %jit3A_137 : i32 to vector<16xi32>
      %broadcast_in_dim3A_140 = vector.broadcast %jit3A_138 : i32 to vector<16xi32>
      %select_n3A_141 = arith.select %ge3A_136, %broadcast_in_dim3A_139, %broadcast_in_dim3A_140 : vector<16xi1>, vector<16xi32>
      %broadcast_in_dim3A_142 = arith.constant true
      %broadcast_in_dim3A_143 = vector.broadcast %broadcast_in_dim3A_142 : i1 to vector<16xi1>
      %masked_cumsum3A = tpu.scan <sum>, %select_n3A_141 masked %broadcast_in_dim3A_143 : vector<16xi32>, vector<16xi1> -> vector<16xi32>
      %reduce_max3A = arith.constant true
      %reduce_max3A_144 = vector.broadcast %reduce_max3A : i1 to vector<16xi1>
      %reduce_max3A_145 = arith.constant -2147483648 : i32
      %reduce_max3A_146 = vector.broadcast %reduce_max3A_145 : i32 to vector<16xi32>
      %reduce_max3A_147 = arith.xori %masked_cumsum3A, %reduce_max3A_146 : vector<16xi32>
      %reduce_max3A_148 = tpu.scan <max>, %reduce_max3A_147 masked %reduce_max3A_144 : vector<16xi32>, vector<16xi1> -> vector<16xi32>
      %reduce_max3A_149 = arith.xori %reduce_max3A_148, %reduce_max3A_146 : vector<16xi32>
      %reduce_max3A_150 = vector.extract %reduce_max3A_149[15] : i32 from vector<16xi32>
      %add3A_151 = vector.broadcast %scan3A_130 : i32 to vector<16xi32>
      %add3A_152 = arith.addi %add3A_151, %masked_cumsum3A : vector<16xi32>
      %sub3A = arith.constant 1 : i32
      %sub3A_153 = vector.broadcast %sub3A : i32 to vector<16xi32>
      %sub3A_154 = arith.subi %add3A_152, %sub3A_153 : vector<16xi32>
      %jit3A_155 = arith.constant 0 : i32
      %broadcast_in_dim3A_156 = vector.broadcast %jit3A_155 : i32 to vector<16xi32>
      %select_n3A_157 = arith.select %ge3A_136, %sub3A_154, %broadcast_in_dim3A_156 : vector<16xi1>, vector<16xi32>
      %mul3A_158 = arith.constant 16 : i32
      %mul3A_159 = arith.muli %scan3A_129, %mul3A_158 : i32
      %add3A_160 = vector.broadcast %mul3A_159 : i32 to vector<16xi32>
      %add3A_161 = arith.addi %iota3A_20, %add3A_160 : vector<16xi32>
      %shift_right_logical3A_162 = arith.constant 9 : i32
      %shift_right_logical3A_163 = vector.broadcast %shift_right_logical3A_162 : i32 to vector<16xi32>
      %shift_right_logical3A_164 = arith.shrui %select_n3A_157, %shift_right_logical3A_163 : vector<16xi32>
      %and3A_165 = arith.constant 511 : i32
      %and3A_166 = vector.broadcast %and3A_165 : i32 to vector<16xi32>
      %and3A_167 = arith.andi %select_n3A_157, %and3A_166 : vector<16xi32>
      tpu.vector_store_idx %arg21[%shift_right_logical3A_164, %and3A_167], %get3A_134 masked %ge3A_136 : memref<32x512xi32, #tpu.memory_space<vmem>>[vector<16xi32>, vector<16xi32>], vector<16xi32>, vector<16xi1>
      %shift_right_logical3A_168 = arith.constant 9 : i32
      %shift_right_logical3A_169 = vector.broadcast %shift_right_logical3A_168 : i32 to vector<16xi32>
      %shift_right_logical3A_170 = arith.shrui %select_n3A_157, %shift_right_logical3A_169 : vector<16xi32>
      %and3A_171 = arith.constant 511 : i32
      %and3A_172 = vector.broadcast %and3A_171 : i32 to vector<16xi32>
      %and3A_173 = arith.andi %select_n3A_157, %and3A_172 : vector<16xi32>
      %add3A_174 = vector.broadcast %mul3A_19 : i32 to vector<16xi32>
      %add3A_175 = arith.addi %add3A_161, %add3A_174 : vector<16xi32>
      tpu.vector_store_idx %arg22[%shift_right_logical3A_170, %and3A_173], %add3A_175 masked %ge3A_136 : memref<32x512xi32, #tpu.memory_space<vmem>>[vector<16xi32>, vector<16xi32>], vector<16xi32>, vector<16xi1>
      %shift_left3A = arith.constant 14 : i32
      %shift_left3A_176 = vector.broadcast %shift_left3A : i32 to vector<16xi32>
      %shift_left3A_177 = arith.shli %add3A_161, %shift_left3A_176 : vector<16xi32>
      %or3A = arith.ori %shift_left3A_177, %get3A_134 : vector<16xi32>
      %jit3A_178 = arith.constant -1 : i32
      %broadcast_in_dim3A_179 = vector.broadcast %jit3A_178 : i32 to vector<16xi32>
      %select_n3A_180 = arith.select %ge3A_136, %or3A, %broadcast_in_dim3A_179 : vector<16xi1>, vector<16xi32>
      %reduce_max3A_181 = arith.constant true
      %reduce_max3A_182 = vector.broadcast %reduce_max3A_181 : i1 to vector<16xi1>
      %reduce_max3A_183 = arith.constant -2147483648 : i32
      %reduce_max3A_184 = vector.broadcast %reduce_max3A_183 : i32 to vector<16xi32>
      %reduce_max3A_185 = arith.xori %select_n3A_180, %reduce_max3A_184 : vector<16xi32>
      %reduce_max3A_186 = tpu.scan <max>, %reduce_max3A_185 masked %reduce_max3A_182 : vector<16xi32>, vector<16xi1> -> vector<16xi32>
      %reduce_max3A_187 = arith.xori %reduce_max3A_186, %reduce_max3A_184 : vector<16xi32>
      %reduce_max3A_188 = vector.extract %reduce_max3A_187[15] : i32 from vector<16xi32>
      %ge3A_189 = arith.constant 0 : i32
      %ge3A_190 = arith.cmpi sge, %reduce_max3A_188, %ge3A_189 : i32
      %select_n3A_191 = arith.select %ge3A_190, %reduce_max3A_188, %scan3A_131 : i32
      %add3A_192 = arith.addi %scan3A_130, %reduce_max3A_150 : i32
      scf.yield %add3A_192, %select_n3A_191 : i32, i32
    }
    %scan3A_42 = arith.constant 1954 : i32
    %add3A_43 = arith.constant 511 : i32
    %add3A_44 = arith.addi %scan3A_41#0, %add3A_43 : i32
    %and3A = arith.constant -512 : i32
    %and3A_45 = arith.andi %add3A_44, %and3A : i32
    %and3A_46 = arith.constant 16383 : i32
    %and3A_47 = arith.andi %scan3A_41#1, %and3A_46 : i32
    %shift_right_logical3A = arith.constant 14 : i32
    %shift_right_logical3A_48 = arith.shrui %scan3A_41#1, %shift_right_logical3A : i32
    %add3A_49 = arith.addi %shift_right_logical3A_48, %mul3A_19 : i32
    %broadcast_in_dim3A = arith.constant 0 : i32
    %broadcast_in_dim3A_50 = vector.broadcast %broadcast_in_dim3A : i32 to vector<16xi32>
    %scan3A_51 = arith.constant 0 : i32
    %scan3A_52 = arith.constant 0 : i32
    %scan3A_53 = arith.constant 32 : i32
    %scan3A_54 = arith.addi %scan3A_52, %scan3A_53 : i32
    %scan3A_55 = arith.constant 1 : i32
    %scan3A_56 = scf.for %scan3A_129 = %scan3A_52 to %scan3A_54 step %scan3A_55 iter_args(%scan3A_130 = %scan3A_51) -> (i32)  : i32 {
      %add3A_131 = vector.broadcast %scan3A_41#0 : i32 to vector<16xi32>
      %add3A_132 = arith.addi %add3A_131, %iota3A_20 : vector<16xi32>
      %mul3A_133 = arith.constant 16 : i32
      %mul3A_134 = arith.muli %scan3A_129, %mul3A_133 : i32
      %add3A_135 = vector.broadcast %mul3A_134 : i32 to vector<16xi32>
      %add3A_136 = arith.addi %add3A_132, %add3A_135 : vector<16xi32>
      %lt3A = vector.broadcast %and3A_45 : i32 to vector<16xi32>
      %lt3A_137 = arith.cmpi slt, %add3A_136, %lt3A : vector<16xi32>
      %jit3A_138 = arith.constant 0 : i32
      %broadcast_in_dim3A_139 = vector.broadcast %jit3A_138 : i32 to vector<16xi32>
      %select_n3A_140 = arith.select %lt3A_137, %add3A_136, %broadcast_in_dim3A_139 : vector<16xi1>, vector<16xi32>
      %shift_right_logical3A_141 = arith.constant 9 : i32
      %shift_right_logical3A_142 = vector.broadcast %shift_right_logical3A_141 : i32 to vector<16xi32>
      %shift_right_logical3A_143 = arith.shrui %select_n3A_140, %shift_right_logical3A_142 : vector<16xi32>
      %and3A_144 = arith.constant 511 : i32
      %and3A_145 = vector.broadcast %and3A_144 : i32 to vector<16xi32>
      %and3A_146 = arith.andi %select_n3A_140, %and3A_145 : vector<16xi32>
      %add3A_147 = vector.broadcast %and3A_47 : i32 to vector<16xi32>
      %add3A_148 = arith.addi %broadcast_in_dim3A_50, %add3A_147 : vector<16xi32>
      tpu.vector_store_idx %arg21[%shift_right_logical3A_143, %and3A_146], %add3A_148 masked %lt3A_137 : memref<32x512xi32, #tpu.memory_space<vmem>>[vector<16xi32>, vector<16xi32>], vector<16xi32>, vector<16xi1>
      %add3A_149 = vector.broadcast %add3A_49 : i32 to vector<16xi32>
      %add3A_150 = arith.addi %broadcast_in_dim3A_50, %add3A_149 : vector<16xi32>
      tpu.vector_store_idx %arg22[%shift_right_logical3A_143, %and3A_146], %add3A_150 masked %lt3A_137 : memref<32x512xi32, #tpu.memory_space<vmem>>[vector<16xi32>, vector<16xi32>], vector<16xi32>, vector<16xi1>
      %scan3A_151 = arith.constant 0 : i32
      scf.yield %scan3A_151 : i32
    }
    %scan3A_57 = arith.constant 32 : i32
    "tpu.region"() ({
      %run_scoped3A = tpu.sem_alloc : memref<!tpu.dma_semaphore, #tpu.memory_space<semaphore_mem>>
      %dma_start3A_129 = arith.constant 0 : i32
      %dma_start3A_130 = arith.constant 0 : i32
      %dma_start3A_131 = tpu.memref_slice %arg12[%add3A, %dma_start3A_129, %dma_start3A_130] : memref<32x32x512xi32, #tpu.memory_space<hbm>> -> memref<1x32x512xi32, #tpu.memory_space<hbm>>
      %dma_start3A_132 = tpu.memref_squeeze %dma_start3A_131 : memref<1x32x512xi32, #tpu.memory_space<hbm>> -> memref<32x512xi32, #tpu.memory_space<hbm>>
      %dma_start3A_133 = arith.constant 0 : i32
      %dma_start3A_134 = arith.constant 0 : i32
      %dma_start3A_135 = tpu.memref_slice %arg12[%add3A, %dma_start3A_133, %dma_start3A_134] : memref<32x32x512xi32, #tpu.memory_space<hbm>> -> memref<1x32x512xi32, #tpu.memory_space<hbm>>
      %dma_start3A_136 = tpu.memref_squeeze %dma_start3A_135 : memref<1x32x512xi32, #tpu.memory_space<hbm>> -> memref<32x512xi32, #tpu.memory_space<hbm>>
      tpu.enqueue_dma source(%arg21 : memref<32x512xi32, #tpu.memory_space<vmem>>) target(%dma_start3A_136 : memref<32x512xi32, #tpu.memory_space<hbm>>) target_semaphore(%run_scoped3A : memref<!tpu.dma_semaphore, #tpu.memory_space<semaphore_mem>>)
      %dma_wait3A_137 = arith.constant 0 : i32
      %dma_wait3A_138 = arith.constant 0 : i32
      %dma_wait3A_139 = tpu.memref_slice %arg12[%add3A, %dma_wait3A_137, %dma_wait3A_138] : memref<32x32x512xi32, #tpu.memory_space<hbm>> -> memref<1x32x512xi32, #tpu.memory_space<hbm>>
      %dma_wait3A_140 = tpu.memref_squeeze %dma_wait3A_139 : memref<1x32x512xi32, #tpu.memory_space<hbm>> -> memref<32x512xi32, #tpu.memory_space<hbm>>
      %dma_wait3A_141 = arith.constant 0 : i32
      %dma_wait3A_142 = arith.constant 0 : i32
      %dma_wait3A_143 = tpu.memref_slice %arg12[%add3A, %dma_wait3A_141, %dma_wait3A_142] : memref<32x32x512xi32, #tpu.memory_space<hbm>> -> memref<1x32x512xi32, #tpu.memory_space<hbm>>
      %dma_wait3A_144 = tpu.memref_squeeze %dma_wait3A_143 : memref<1x32x512xi32, #tpu.memory_space<hbm>> -> memref<32x512xi32, #tpu.memory_space<hbm>>
      tpu.wait_dma2 semaphore(%run_scoped3A : memref<!tpu.dma_semaphore, #tpu.memory_space<semaphore_mem>>) src(%arg21 : memref<32x512xi32, #tpu.memory_space<vmem>>) dst(%dma_wait3A_144 : memref<32x512xi32, #tpu.memory_space<hbm>>)
      tpu.yield
    }) : () -> ()
    "tpu.region"() ({
      %run_scoped3A = tpu.sem_alloc : memref<!tpu.dma_semaphore, #tpu.memory_space<semaphore_mem>>
      %dma_start3A_129 = arith.constant 0 : i32
      %dma_start3A_130 = arith.constant 0 : i32
      %dma_start3A_131 = tpu.memref_slice %arg13[%add3A, %dma_start3A_129, %dma_start3A_130] : memref<32x32x512xi32, #tpu.memory_space<hbm>> -> memref<1x32x512xi32, #tpu.memory_space<hbm>>
      %dma_start3A_132 = tpu.memref_squeeze %dma_start3A_131 : memref<1x32x512xi32, #tpu.memory_space<hbm>> -> memref<32x512xi32, #tpu.memory_space<hbm>>
      %dma_start3A_133 = arith.constant 0 : i32
      %dma_start3A_134 = arith.constant 0 : i32
      %dma_start3A_135 = tpu.memref_slice %arg13[%add3A, %dma_start3A_133, %dma_start3A_134] : memref<32x32x512xi32, #tpu.memory_space<hbm>> -> memref<1x32x512xi32, #tpu.memory_space<hbm>>
      %dma_start3A_136 = tpu.memref_squeeze %dma_start3A_135 : memref<1x32x512xi32, #tpu.memory_space<hbm>> -> memref<32x512xi32, #tpu.memory_space<hbm>>
      tpu.enqueue_dma source(%arg22 : memref<32x512xi32, #tpu.memory_space<vmem>>) target(%dma_start3A_136 : memref<32x512xi32, #tpu.memory_space<hbm>>) target_semaphore(%run_scoped3A : memref<!tpu.dma_semaphore, #tpu.memory_space<semaphore_mem>>)
      %dma_wait3A_137 = arith.constant 0 : i32
      %dma_wait3A_138 = arith.constant 0 : i32
      %dma_wait3A_139 = tpu.memref_slice %arg13[%add3A, %dma_wait3A_137, %dma_wait3A_138] : memref<32x32x512xi32, #tpu.memory_space<hbm>> -> memref<1x32x512xi32, #tpu.memory_space<hbm>>
      %dma_wait3A_140 = tpu.memref_squeeze %dma_wait3A_139 : memref<1x32x512xi32, #tpu.memory_space<hbm>> -> memref<32x512xi32, #tpu.memory_space<hbm>>
      %dma_wait3A_141 = arith.constant 0 : i32
      %dma_wait3A_142 = arith.constant 0 : i32
      %dma_wait3A_143 = tpu.memref_slice %arg13[%add3A, %dma_wait3A_141, %dma_wait3A_142] : memref<32x32x512xi32, #tpu.memory_space<hbm>> -> memref<1x32x512xi32, #tpu.memory_space<hbm>>
      %dma_wait3A_144 = tpu.memref_squeeze %dma_wait3A_143 : memref<1x32x512xi32, #tpu.memory_space<hbm>> -> memref<32x512xi32, #tpu.memory_space<hbm>>
      tpu.wait_dma2 semaphore(%run_scoped3A : memref<!tpu.dma_semaphore, #tpu.memory_space<semaphore_mem>>) src(%arg22 : memref<32x512xi32, #tpu.memory_space<vmem>>) dst(%dma_wait3A_144 : memref<32x512xi32, #tpu.memory_space<hbm>>)
      tpu.yield
    }) : () -> ()
    "tpu.region"() ({
      %run_scoped3A = tpu.sem_alloc : memref<!tpu.dma_semaphore, #tpu.memory_space<semaphore_mem>>
      tpu.enqueue_dma source(%arg3 : memref<16384xi32, #tpu.memory_space<hbm>>) target(%arg17 : memref<16384xi32, #tpu.memory_space<vmem>>) target_semaphore(%run_scoped3A : memref<!tpu.dma_semaphore, #tpu.memory_space<semaphore_mem>>)
      tpu.wait_dma2 semaphore(%run_scoped3A : memref<!tpu.dma_semaphore, #tpu.memory_space<semaphore_mem>>) src(%arg3 : memref<16384xi32, #tpu.memory_space<hbm>>) dst(%arg17 : memref<16384xi32, #tpu.memory_space<vmem>>)
      tpu.yield
    }) : () -> ()
    "tpu.region"() ({
      %run_scoped3A = tpu.sem_alloc : memref<!tpu.dma_semaphore, #tpu.memory_space<semaphore_mem>>
      %dma_start3A_129 = tpu.memref_slice %arg3[%mul3A_2] : memref<16384xi32, #tpu.memory_space<hbm>> -> memref<512xi32, #tpu.memory_space<hbm>>
      %dma_start3A_130 = tpu.memref_slice %arg3[%mul3A_2] : memref<16384xi32, #tpu.memory_space<hbm>> -> memref<512xi32, #tpu.memory_space<hbm>>
      tpu.enqueue_dma source(%dma_start3A_130 : memref<512xi32, #tpu.memory_space<hbm>>) target(%arg18 : memref<512xi32, #tpu.memory_space<vmem>>) target_semaphore(%run_scoped3A : memref<!tpu.dma_semaphore, #tpu.memory_space<semaphore_mem>>)
      %dma_wait3A_131 = tpu.memref_slice %arg3[%mul3A_2] : memref<16384xi32, #tpu.memory_space<hbm>> -> memref<512xi32, #tpu.memory_space<hbm>>
      %dma_wait3A_132 = tpu.memref_slice %arg3[%mul3A_2] : memref<16384xi32, #tpu.memory_space<hbm>> -> memref<512xi32, #tpu.memory_space<hbm>>
      tpu.wait_dma2 semaphore(%run_scoped3A : memref<!tpu.dma_semaphore, #tpu.memory_space<semaphore_mem>>) src(%dma_wait3A_132 : memref<512xi32, #tpu.memory_space<hbm>>) dst(%arg18 : memref<512xi32, #tpu.memory_space<vmem>>)
      tpu.yield
    }) : () -> ()
    %scan3A_58 = arith.constant 0 : i32
    %scan3A_59 = arith.constant 0 : i32
    %scan3A_60 = arith.constant 32 : i32
    %scan3A_61 = arith.addi %scan3A_59, %scan3A_60 : i32
    %scan3A_62 = arith.constant 1 : i32
    %scan3A_63 = scf.for %scan3A_129 = %scan3A_59 to %scan3A_61 step %scan3A_62 iter_args(%scan3A_130 = %scan3A_58) -> (i32)  : i32 {
      %mul3A_131 = arith.constant 16 : i32
      %mul3A_132 = arith.muli %scan3A_129, %mul3A_131 : i32
      %get3A = arith.index_cast %mul3A_132 : i32 to index
      %get3A_133 = tpu.vector_load %arg18[%get3A] {strides = array<i32>} : memref<512xi32, #tpu.memory_space<vmem>>, vector<16xi32>,
      %shift_right_logical3A_134 = arith.constant 1 : i32
      %shift_right_logical3A_135 = vector.broadcast %shift_right_logical3A_134 : i32 to vector<16xi32>
      %shift_right_logical3A_136 = arith.shrui %get3A_133, %shift_right_logical3A_135 : vector<16xi32>
      %mul3A_137 = arith.constant 16 : i32
      %mul3A_138 = arith.muli %scan3A_129, %mul3A_137 : i32
      %swap3A_139 = arith.index_cast %mul3A_138 : i32 to index
      %swap3A_140 = tpu.vector_load %arg19[%swap3A_139] {strides = array<i32>} : memref<512xi32, #tpu.memory_space<vmem>>, vector<16xi32>,
      tpu.vector_store %arg19[%swap3A_139], %shift_right_logical3A_136 {strides = array<i32>} : memref<512xi32, #tpu.memory_space<vmem>>, vector<16xi32>,
      %scan3A_141 = arith.constant 0 : i32
      scf.yield %scan3A_141 : i32
    }
    %scan3A_64 = arith.constant 32 : i32
    %scan3A_65 = arith.constant 0 : i32
    %scan3A_66 = arith.constant 0 : i32
    %scan3A_67 = arith.constant 2 : i32
    %scan3A_68 = arith.addi %scan3A_66, %scan3A_67 : i32
    %scan3A_69 = arith.constant 1 : i32
    %scan3A_70 = scf.for %scan3A_129 = %scan3A_66 to %scan3A_68 step %scan3A_69 iter_args(%scan3A_130 = %scan3A_65) -> (i32)  : i32 {
      %mul3A_131 = arith.constant 256 : i32
      %mul3A_132 = arith.muli %scan3A_129, %mul3A_131 : i32
      %dma_start3A_133 = tpu.memref_slice %arg19[%mul3A_132] : memref<512xi32, #tpu.memory_space<vmem>> -> memref<256xi32, #tpu.memory_space<vmem>>
      %dma_start3A_134 = arith.constant 0 : i32
      %dma_start3A_135 = arith.constant 0 : i32
      %dma_start3A_136 = tpu.memref_slice %arg5[%dma_start3A_134, %dma_start3A_135] : memref<50000x128xf32, #tpu.memory_space<hbm>> -> memref<50000x128xf32, #tpu.memory_space<hbm>>
      tpu.enqueue_indirect_dma source(%dma_start3A_136 : memref<50000x128xf32, #tpu.memory_space<hbm>>) target(%arg23 : memref<256x128xf32, #tpu.memory_space<vmem>>) offsets(%dma_start3A_133 : memref<256xi32, #tpu.memory_space<vmem>>) semaphore(%arg26 : memref<!tpu.dma_semaphore, #tpu.memory_space<semaphore_mem>>)
      %dma_wait3A_137 = tpu.memref_slice %arg19[%mul3A_132] : memref<512xi32, #tpu.memory_space<vmem>> -> memref<256xi32, #tpu.memory_space<vmem>>
      %dma_wait3A_138 = arith.constant 0 : i32
      %dma_wait3A_139 = arith.constant 0 : i32
      %dma_wait3A_140 = tpu.memref_slice %arg5[%dma_wait3A_138, %dma_wait3A_139] : memref<50000x128xf32, #tpu.memory_space<hbm>> -> memref<50000x128xf32, #tpu.memory_space<hbm>>
      tpu.wait_indirect_dma semaphore(%arg26 : memref<!tpu.dma_semaphore, #tpu.memory_space<semaphore_mem>>) src(%dma_wait3A_140 : memref<50000x128xf32, #tpu.memory_space<hbm>>) dst(%arg23 : memref<256x128xf32, #tpu.memory_space<vmem>>)
      %mul3A_141 = arith.constant 256 : i32
      %mul3A_142 = arith.muli %scan3A_129, %mul3A_141 : i32
      %add3A_143 = arith.addi %mul3A_2, %mul3A_142 : i32
      "tpu.region"() ({
        %run_scoped3A = tpu.sem_alloc : memref<!tpu.dma_semaphore, #tpu.memory_space<semaphore_mem>>
        %dma_start3A_145 = arith.constant 0 : i32
        %dma_start3A_146 = tpu.memref_slice %arg9[%add3A_143, %dma_start3A_145] : memref<16384x128xf32, #tpu.memory_space<hbm>> -> memref<256x128xf32, #tpu.memory_space<hbm>>
        %dma_start3A_147 = arith.constant 0 : i32
        %dma_start3A_148 = tpu.memref_slice %arg9[%add3A_143, %dma_start3A_147] : memref<16384x128xf32, #tpu.memory_space<hbm>> -> memref<256x128xf32, #tpu.memory_space<hbm>>
        tpu.enqueue_dma source(%arg23 : memref<256x128xf32, #tpu.memory_space<vmem>>) target(%dma_start3A_148 : memref<256x128xf32, #tpu.memory_space<hbm>>) target_semaphore(%run_scoped3A : memref<!tpu.dma_semaphore, #tpu.memory_space<semaphore_mem>>)
        %dma_wait3A_149 = arith.constant 0 : i32
        %dma_wait3A_150 = tpu.memref_slice %arg9[%add3A_143, %dma_wait3A_149] : memref<16384x128xf32, #tpu.memory_space<hbm>> -> memref<256x128xf32, #tpu.memory_space<hbm>>
        %dma_wait3A_151 = arith.constant 0 : i32
        %dma_wait3A_152 = tpu.memref_slice %arg9[%add3A_143, %dma_wait3A_151] : memref<16384x128xf32, #tpu.memory_space<hbm>> -> memref<256x128xf32, #tpu.memory_space<hbm>>
        tpu.wait_dma2 semaphore(%run_scoped3A : memref<!tpu.dma_semaphore, #tpu.memory_space<semaphore_mem>>) src(%arg23 : memref<256x128xf32, #tpu.memory_space<vmem>>) dst(%dma_wait3A_152 : memref<256x128xf32, #tpu.memory_space<hbm>>)
        tpu.yield
      }) : () -> ()
      %scan3A_144 = arith.constant 0 : i32
      scf.yield %scan3A_144 : i32
    }
    %scan3A_71 = arith.constant 2 : i32
    %dma_start3A_72 = arith.constant 0 : i32
    %dma_start3A_73 = tpu.memref_slice %arg7[%dma_start3A_72] : memref<100000xf32, #tpu.memory_space<hbm>> -> memref<100000xf32, #tpu.memory_space<hbm>>
    tpu.enqueue_indirect_dma source(%dma_start3A_73 : memref<100000xf32, #tpu.memory_space<hbm>>) target(%arg24 : memref<512xf32, #tpu.memory_space<vmem>>) offsets(%arg18 : memref<512xi32, #tpu.memory_space<vmem>>) semaphore(%arg26 : memref<!tpu.dma_semaphore, #tpu.memory_space<semaphore_mem>>)
    %dma_wait3A_74 = arith.constant 0 : i32
    %dma_wait3A_75 = tpu.memref_slice %arg7[%dma_wait3A_74] : memref<100000xf32, #tpu.memory_space<hbm>> -> memref<100000xf32, #tpu.memory_space<hbm>>
    tpu.wait_indirect_dma semaphore(%arg26 : memref<!tpu.dma_semaphore, #tpu.memory_space<semaphore_mem>>) src(%dma_wait3A_75 : memref<100000xf32, #tpu.memory_space<hbm>>) dst(%arg24 : memref<512xf32, #tpu.memory_space<vmem>>)
    "tpu.region"() ({
      %run_scoped3A = tpu.sem_alloc : memref<!tpu.dma_semaphore, #tpu.memory_space<semaphore_mem>>
      %dma_start3A_129 = tpu.memref_slice %arg11[%mul3A_2] : memref<16384xf32, #tpu.memory_space<hbm>> -> memref<512xf32, #tpu.memory_space<hbm>>
      %dma_start3A_130 = tpu.memref_slice %arg11[%mul3A_2] : memref<16384xf32, #tpu.memory_space<hbm>> -> memref<512xf32, #tpu.memory_space<hbm>>
      tpu.enqueue_dma source(%arg24 : memref<512xf32, #tpu.memory_space<vmem>>) target(%dma_start3A_130 : memref<512xf32, #tpu.memory_space<hbm>>) target_semaphore(%run_scoped3A : memref<!tpu.dma_semaphore, #tpu.memory_space<semaphore_mem>>)
      %dma_wait3A_131 = tpu.memref_slice %arg11[%mul3A_2] : memref<16384xf32, #tpu.memory_space<hbm>> -> memref<512xf32, #tpu.memory_space<hbm>>
      %dma_wait3A_132 = tpu.memref_slice %arg11[%mul3A_2] : memref<16384xf32, #tpu.memory_space<hbm>> -> memref<512xf32, #tpu.memory_space<hbm>>
      tpu.wait_dma2 semaphore(%run_scoped3A : memref<!tpu.dma_semaphore, #tpu.memory_space<semaphore_mem>>) src(%arg24 : memref<512xf32, #tpu.memory_space<vmem>>) dst(%dma_wait3A_132 : memref<512xf32, #tpu.memory_space<hbm>>)
      tpu.yield
    }) : () -> ()
    %mul3A_76 = arith.constant 3125 : i32
    %mul3A_77 = arith.muli %add3A, %mul3A_76 : i32
    %iota3A_78 = tpu.iota {dimensions = array<i32: 0>} : vector<16xi32>
    %scan3A_79 = arith.constant 0 : i32
    %scan3A_80 = arith.constant 0 : i32
    %scan3A_81 = arith.constant 196 : i32
    %scan3A_82 = arith.addi %scan3A_80, %scan3A_81 : i32
    %scan3A_83 = arith.constant 1 : i32
    %scan3A_84 = scf.for %scan3A_129 = %scan3A_80 to %scan3A_82 step %scan3A_83 iter_args(%scan3A_130 = %scan3A_79) -> (i32)  : i32 {
      %broadcast_in_dim3A_131 = arith.constant -1 : i32
      %broadcast_in_dim3A_132 = vector.broadcast %broadcast_in_dim3A_131 : i32 to vector<16xi32>
      %mul3A_133 = arith.constant 16 : i32
      %mul3A_134 = arith.muli %scan3A_129, %mul3A_133 : i32
      %swap3A_135 = arith.index_cast %mul3A_134 : i32 to index
      %swap3A_136 = tpu.vector_load %arg20[%swap3A_135] {strides = array<i32>} : memref<31264xi32, #tpu.memory_space<vmem>>, vector<16xi32>,
      tpu.vector_store %arg20[%swap3A_135], %broadcast_in_dim3A_132 {strides = array<i32>} : memref<31264xi32, #tpu.memory_space<vmem>>, vector<16xi32>,
      %scan3A_137 = arith.constant 0 : i32
      scf.yield %scan3A_137 : i32
    }
    %scan3A_85 = arith.constant 196 : i32
    %scan3A_86 = arith.constant 0 : i32
    %scan3A_87 = arith.constant 0 : i32
    %scan3A_88 = arith.constant 1024 : i32
    %scan3A_89 = arith.addi %scan3A_87, %scan3A_88 : i32
    %scan3A_90 = arith.constant 1 : i32
    %scan3A_91 = scf.for %scan3A_129 = %scan3A_87 to %scan3A_89 step %scan3A_90 iter_args(%scan3A_130 = %scan3A_86) -> (i32)  : i32 {
      %mul3A_131 = arith.constant 16 : i32
      %mul3A_132 = arith.muli %scan3A_129, %mul3A_131 : i32
      %get3A = arith.index_cast %mul3A_132 : i32 to index
      %get3A_133 = tpu.vector_load %arg17[%get3A] {strides = array<i32>} : memref<16384xi32, #tpu.memory_space<vmem>>, vector<16xi32>,
      %mul3A_134 = arith.constant 16 : i32
      %mul3A_135 = arith.muli %scan3A_129, %mul3A_134 : i32
      %add3A_136 = vector.broadcast %mul3A_135 : i32 to vector<16xi32>
      %add3A_137 = arith.addi %iota3A_78, %add3A_136 : vector<16xi32>
      %sub3A = vector.broadcast %mul3A_77 : i32 to vector<16xi32>
      %sub3A_138 = arith.subi %get3A_133, %sub3A : vector<16xi32>
      %ge3A = arith.constant 0 : i32
      %ge3A_139 = vector.broadcast %ge3A : i32 to vector<16xi32>
      %ge3A_140 = arith.cmpi sge, %sub3A_138, %ge3A_139 : vector<16xi32>
      %lt3A = arith.constant 3125 : i32
      %lt3A_141 = vector.broadcast %lt3A : i32 to vector<16xi32>
      %lt3A_142 = arith.cmpi slt, %sub3A_138, %lt3A_141 : vector<16xi32>
      %and3A_143 = arith.andi %ge3A_140, %lt3A_142 : vector<16xi1>
      %shift_left3A = arith.constant 14 : i32
      %shift_left3A_144 = vector.broadcast %shift_left3A : i32 to vector<16xi32>
      %shift_left3A_145 = arith.shli %sub3A_138, %shift_left3A_144 : vector<16xi32>
      %or3A = arith.ori %shift_left3A_145, %add3A_137 : vector<16xi32>
      %jit3A_146 = arith.constant 2147483647 : i32
      %broadcast_in_dim3A_147 = vector.broadcast %jit3A_146 : i32 to vector<16xi32>
      %select_n3A_148 = arith.select %and3A_143, %or3A, %broadcast_in_dim3A_147 : vector<16xi1>, vector<16xi32>
      %masked_sort3A = arith.constant dense<true> : vector<16xi1>
      %masked_sort3A_149 = arith.constant -2147483648 : i32
      %masked_sort3A_150 = vector.broadcast %masked_sort3A_149 : i32 to vector<16xi32>
      %masked_sort3A_151 = arith.xori %select_n3A_148, %masked_sort3A_150 : vector<16xi32>
      %masked_sort3A_152, %masked_sort3A_153, %masked_sort3A_154 = tpu.sort %masked_sort3A_151, %add3A_137 masked %masked_sort3A : (vector<16xi32>, vector<16xi32>, vector<16xi1>) -> (vector<16xi1>, vector<16xi32>, vector<16xi32>)
      %masked_sort3A_155 = arith.xori %masked_sort3A_153, %masked_sort3A_150 : vector<16xi32>
      %shift_right_logical3A_156 = arith.constant 14 : i32
      %shift_right_logical3A_157 = vector.broadcast %shift_right_logical3A_156 : i32 to vector<16xi32>
      %shift_right_logical3A_158 = arith.shrui %masked_sort3A_155, %shift_right_logical3A_157 : vector<16xi32>
      %and3A_159 = arith.constant 16383 : i32
      %and3A_160 = vector.broadcast %and3A_159 : i32 to vector<16xi32>
      %and3A_161 = arith.andi %masked_sort3A_155, %and3A_160 : vector<16xi32>
      %ne3A = arith.constant 2147483647 : i32
      %ne3A_162 = vector.broadcast %ne3A : i32 to vector<16xi32>
      %ne3A_163 = arith.cmpi ne, %masked_sort3A_155, %ne3A_162 : vector<16xi32>
      %add3A_164 = arith.constant 1 : i32
      %add3A_165 = vector.broadcast %add3A_164 : i32 to vector<16xi32>
      %add3A_166 = arith.addi %iota3A_78, %add3A_165 : vector<16xi32>
      %min3A = arith.constant 15 : i32
      %min3A_167 = vector.broadcast %min3A : i32 to vector<16xi32>
      %min3A_168 = arith.minsi %add3A_166, %min3A_167 : vector<16xi32>
      %reshape3A = vector.shape_cast %min3A_168 : vector<16xi32> to vector<16x1xi32>
      %gather3A = vector.shape_cast %reshape3A : vector<16x1xi32> to vector<16xi32>
      %gather3A_169 = tpu.dynamic_gather %shift_right_logical3A_158[%gather3A] in [0] : vector<16xi32>, vector<16xi32> -> vector<16xi32>
      %ne3A_170 = arith.cmpi ne, %shift_right_logical3A_158, %gather3A_169 : vector<16xi32>
      %eq3A_171 = arith.constant 15 : i32
      %eq3A_172 = vector.broadcast %eq3A_171 : i32 to vector<16xi32>
      %eq3A_173 = arith.cmpi eq, %iota3A_78, %eq3A_172 : vector<16xi32>
      %or3A_174 = arith.ori %ne3A_170, %eq3A_173 : vector<16xi1>
      %and3A_175 = arith.andi %ne3A_163, %or3A_174 : vector<16xi1>
      %jit3A_176 = arith.constant 0 : i32
      %broadcast_in_dim3A_177 = vector.broadcast %jit3A_176 : i32 to vector<16xi32>
      %select_n3A_178 = arith.select %and3A_175, %shift_right_logical3A_158, %broadcast_in_dim3A_177 : vector<16xi1>, vector<16xi32>
      tpu.vector_store_idx %arg20[%select_n3A_178], %and3A_161 masked %and3A_175 : memref<31264xi32, #tpu.memory_space<vmem>>[vector<16xi32>], vector<16xi32>, vector<16xi1>
      %scan3A_179 = arith.constant 0 : i32
      scf.yield %scan3A_179 : i32
    }
    %scan3A_92 = arith.constant 1024 : i32
    %scan3A_93 = arith.constant 0 : i32
    %scan3A_94 = arith.constant 0 : i32
    %scan3A_95 = arith.constant 0 : i32
    %scan3A_96 = arith.constant 196 : i32
    %scan3A_97 = arith.addi %scan3A_95, %scan3A_96 : i32
    %scan3A_98 = arith.constant 1 : i32
    %scan3A_99:2 = scf.for %scan3A_129 = %scan3A_95 to %scan3A_97 step %scan3A_98 iter_args(%scan3A_130 = %scan3A_93, %scan3A_131 = %scan3A_94) -> (i32, i32)  : i32 {
      %mul3A_132 = arith.constant 16 : i32
      %mul3A_133 = arith.muli %scan3A_129, %mul3A_132 : i32
      %get3A = arith.index_cast %mul3A_133 : i32 to index
      %get3A_134 = tpu.vector_load %arg20[%get3A] {strides = array<i32>} : memref<31264xi32, #tpu.memory_space<vmem>>, vector<16xi32>,
      %ge3A = arith.constant 0 : i32
      %ge3A_135 = vector.broadcast %ge3A : i32 to vector<16xi32>
      %ge3A_136 = arith.cmpi sge, %get3A_134, %ge3A_135 : vector<16xi32>
      %jit3A_137 = arith.constant 1 : i32
      %jit3A_138 = arith.constant 0 : i32
      %broadcast_in_dim3A_139 = vector.broadcast %jit3A_137 : i32 to vector<16xi32>
      %broadcast_in_dim3A_140 = vector.broadcast %jit3A_138 : i32 to vector<16xi32>
      %select_n3A_141 = arith.select %ge3A_136, %broadcast_in_dim3A_139, %broadcast_in_dim3A_140 : vector<16xi1>, vector<16xi32>
      %broadcast_in_dim3A_142 = arith.constant true
      %broadcast_in_dim3A_143 = vector.broadcast %broadcast_in_dim3A_142 : i1 to vector<16xi1>
      %masked_cumsum3A = tpu.scan <sum>, %select_n3A_141 masked %broadcast_in_dim3A_143 : vector<16xi32>, vector<16xi1> -> vector<16xi32>
      %reduce_max3A = arith.constant true
      %reduce_max3A_144 = vector.broadcast %reduce_max3A : i1 to vector<16xi1>
      %reduce_max3A_145 = arith.constant -2147483648 : i32
      %reduce_max3A_146 = vector.broadcast %reduce_max3A_145 : i32 to vector<16xi32>
      %reduce_max3A_147 = arith.xori %masked_cumsum3A, %reduce_max3A_146 : vector<16xi32>
      %reduce_max3A_148 = tpu.scan <max>, %reduce_max3A_147 masked %reduce_max3A_144 : vector<16xi32>, vector<16xi1> -> vector<16xi32>
      %reduce_max3A_149 = arith.xori %reduce_max3A_148, %reduce_max3A_146 : vector<16xi32>
      %reduce_max3A_150 = vector.extract %reduce_max3A_149[15] : i32 from vector<16xi32>
      %add3A_151 = vector.broadcast %scan3A_130 : i32 to vector<16xi32>
      %add3A_152 = arith.addi %add3A_151, %masked_cumsum3A : vector<16xi32>
      %sub3A = arith.constant 1 : i32
      %sub3A_153 = vector.broadcast %sub3A : i32 to vector<16xi32>
      %sub3A_154 = arith.subi %add3A_152, %sub3A_153 : vector<16xi32>
      %jit3A_155 = arith.constant 0 : i32
      %broadcast_in_dim3A_156 = vector.broadcast %jit3A_155 : i32 to vector<16xi32>
      %select_n3A_157 = arith.select %ge3A_136, %sub3A_154, %broadcast_in_dim3A_156 : vector<16xi1>, vector<16xi32>
      %mul3A_158 = arith.constant 16 : i32
      %mul3A_159 = arith.muli %scan3A_129, %mul3A_158 : i32
      %add3A_160 = vector.broadcast %mul3A_159 : i32 to vector<16xi32>
      %add3A_161 = arith.addi %iota3A_78, %add3A_160 : vector<16xi32>
      %shift_right_logical3A_162 = arith.constant 9 : i32
      %shift_right_logical3A_163 = vector.broadcast %shift_right_logical3A_162 : i32 to vector<16xi32>
      %shift_right_logical3A_164 = arith.shrui %select_n3A_157, %shift_right_logical3A_163 : vector<16xi32>
      %and3A_165 = arith.constant 511 : i32
      %and3A_166 = vector.broadcast %and3A_165 : i32 to vector<16xi32>
      %and3A_167 = arith.andi %select_n3A_157, %and3A_166 : vector<16xi32>
      tpu.vector_store_idx %arg21[%shift_right_logical3A_164, %and3A_167], %get3A_134 masked %ge3A_136 : memref<32x512xi32, #tpu.memory_space<vmem>>[vector<16xi32>, vector<16xi32>], vector<16xi32>, vector<16xi1>
      %shift_right_logical3A_168 = arith.constant 9 : i32
      %shift_right_logical3A_169 = vector.broadcast %shift_right_logical3A_168 : i32 to vector<16xi32>
      %shift_right_logical3A_170 = arith.shrui %select_n3A_157, %shift_right_logical3A_169 : vector<16xi32>
      %and3A_171 = arith.constant 511 : i32
      %and3A_172 = vector.broadcast %and3A_171 : i32 to vector<16xi32>
      %and3A_173 = arith.andi %select_n3A_157, %and3A_172 : vector<16xi32>
      %add3A_174 = vector.broadcast %mul3A_77 : i32 to vector<16xi32>
      %add3A_175 = arith.addi %add3A_161, %add3A_174 : vector<16xi32>
      tpu.vector_store_idx %arg22[%shift_right_logical3A_170, %and3A_173], %add3A_175 masked %ge3A_136 : memref<32x512xi32, #tpu.memory_space<vmem>>[vector<16xi32>, vector<16xi32>], vector<16xi32>, vector<16xi1>
      %shift_left3A = arith.constant 14 : i32
      %shift_left3A_176 = vector.broadcast %shift_left3A : i32 to vector<16xi32>
      %shift_left3A_177 = arith.shli %add3A_161, %shift_left3A_176 : vector<16xi32>
      %or3A = arith.ori %shift_left3A_177, %get3A_134 : vector<16xi32>
      %jit3A_178 = arith.constant -1 : i32
      %broadcast_in_dim3A_179 = vector.broadcast %jit3A_178 : i32 to vector<16xi32>
      %select_n3A_180 = arith.select %ge3A_136, %or3A, %broadcast_in_dim3A_179 : vector<16xi1>, vector<16xi32>
      %reduce_max3A_181 = arith.constant true
      %reduce_max3A_182 = vector.broadcast %reduce_max3A_181 : i1 to vector<16xi1>
      %reduce_max3A_183 = arith.constant -2147483648 : i32
      %reduce_max3A_184 = vector.broadcast %reduce_max3A_183 : i32 to vector<16xi32>
      %reduce_max3A_185 = arith.xori %select_n3A_180, %reduce_max3A_184 : vector<16xi32>
      %reduce_max3A_186 = tpu.scan <max>, %reduce_max3A_185 masked %reduce_max3A_182 : vector<16xi32>, vector<16xi1> -> vector<16xi32>
      %reduce_max3A_187 = arith.xori %reduce_max3A_186, %reduce_max3A_184 : vector<16xi32>
      %reduce_max3A_188 = vector.extract %reduce_max3A_187[15] : i32 from vector<16xi32>
      %ge3A_189 = arith.constant 0 : i32
      %ge3A_190 = arith.cmpi sge, %reduce_max3A_188, %ge3A_189 : i32
      %select_n3A_191 = arith.select %ge3A_190, %reduce_max3A_188, %scan3A_131 : i32
      %add3A_192 = arith.addi %scan3A_130, %reduce_max3A_150 : i32
      scf.yield %add3A_192, %select_n3A_191 : i32, i32
    }
    %scan3A_100 = arith.constant 196 : i32
    %add3A_101 = arith.constant 511 : i32
    %add3A_102 = arith.addi %scan3A_99#0, %add3A_101 : i32
    %and3A_103 = arith.constant -512 : i32
    %and3A_104 = arith.andi %add3A_102, %and3A_103 : i32
    %and3A_105 = arith.constant 16383 : i32
    %and3A_106 = arith.andi %scan3A_99#1, %and3A_105 : i32
    %shift_right_logical3A_107 = arith.constant 14 : i32
    %shift_right_logical3A_108 = arith.shrui %scan3A_99#1, %shift_right_logical3A_107 : i32
    %add3A_109 = arith.addi %shift_right_logical3A_108, %mul3A_77 : i32
    %broadcast_in_dim3A_110 = arith.constant 0 : i32
    %broadcast_in_dim3A_111 = vector.broadcast %broadcast_in_dim3A_110 : i32 to vector<16xi32>
    %scan3A_112 = arith.constant 0 : i32
    %scan3A_113 = arith.constant 0 : i32
    %scan3A_114 = arith.constant 32 : i32
    %scan3A_115 = arith.addi %scan3A_113, %scan3A_114 : i32
    %scan3A_116 = arith.constant 1 : i32
    %scan3A_117 = scf.for %scan3A_129 = %scan3A_113 to %scan3A_115 step %scan3A_116 iter_args(%scan3A_130 = %scan3A_112) -> (i32)  : i32 {
      %add3A_131 = vector.broadcast %scan3A_99#0 : i32 to vector<16xi32>
      %add3A_132 = arith.addi %add3A_131, %iota3A_78 : vector<16xi32>
      %mul3A_133 = arith.constant 16 : i32
      %mul3A_134 = arith.muli %scan3A_129, %mul3A_133 : i32
      %add3A_135 = vector.broadcast %mul3A_134 : i32 to vector<16xi32>
      %add3A_136 = arith.addi %add3A_132, %add3A_135 : vector<16xi32>
      %lt3A = vector.broadcast %and3A_104 : i32 to vector<16xi32>
      %lt3A_137 = arith.cmpi slt, %add3A_136, %lt3A : vector<16xi32>
      %jit3A_138 = arith.constant 0 : i32
      %broadcast_in_dim3A_139 = vector.broadcast %jit3A_138 : i32 to vector<16xi32>
      %select_n3A_140 = arith.select %lt3A_137, %add3A_136, %broadcast_in_dim3A_139 : vector<16xi1>, vector<16xi32>
      %shift_right_logical3A_141 = arith.constant 9 : i32
      %shift_right_logical3A_142 = vector.broadcast %shift_right_logical3A_141 : i32 to vector<16xi32>
      %shift_right_logical3A_143 = arith.shrui %select_n3A_140, %shift_right_logical3A_142 : vector<16xi32>
      %and3A_144 = arith.constant 511 : i32
      %and3A_145 = vector.broadcast %and3A_144 : i32 to vector<16xi32>
      %and3A_146 = arith.andi %select_n3A_140, %and3A_145 : vector<16xi32>
      %add3A_147 = vector.broadcast %and3A_106 : i32 to vector<16xi32>
      %add3A_148 = arith.addi %broadcast_in_dim3A_111, %add3A_147 : vector<16xi32>
      tpu.vector_store_idx %arg21[%shift_right_logical3A_143, %and3A_146], %add3A_148 masked %lt3A_137 : memref<32x512xi32, #tpu.memory_space<vmem>>[vector<16xi32>, vector<16xi32>], vector<16xi32>, vector<16xi1>
      %add3A_149 = vector.broadcast %add3A_109 : i32 to vector<16xi32>
      %add3A_150 = arith.addi %broadcast_in_dim3A_111, %add3A_149 : vector<16xi32>
      tpu.vector_store_idx %arg22[%shift_right_logical3A_143, %and3A_146], %add3A_150 masked %lt3A_137 : memref<32x512xi32, #tpu.memory_space<vmem>>[vector<16xi32>, vector<16xi32>], vector<16xi32>, vector<16xi1>
      %scan3A_151 = arith.constant 0 : i32
      scf.yield %scan3A_151 : i32
    }
    %scan3A_118 = arith.constant 32 : i32
    "tpu.region"() ({
      %run_scoped3A = tpu.sem_alloc : memref<!tpu.dma_semaphore, #tpu.memory_space<semaphore_mem>>
      %dma_start3A_129 = arith.constant 0 : i32
      %dma_start3A_130 = arith.constant 0 : i32
      %dma_start3A_131 = tpu.memref_slice %arg14[%add3A, %dma_start3A_129, %dma_start3A_130] : memref<32x32x512xi32, #tpu.memory_space<hbm>> -> memref<1x32x512xi32, #tpu.memory_space<hbm>>
      %dma_start3A_132 = tpu.memref_squeeze %dma_start3A_131 : memref<1x32x512xi32, #tpu.memory_space<hbm>> -> memref<32x512xi32, #tpu.memory_space<hbm>>
      %dma_start3A_133 = arith.constant 0 : i32
      %dma_start3A_134 = arith.constant 0 : i32
      %dma_start3A_135 = tpu.memref_slice %arg14[%add3A, %dma_start3A_133, %dma_start3A_134] : memref<32x32x512xi32, #tpu.memory_space<hbm>> -> memref<1x32x512xi32, #tpu.memory_space<hbm>>
      %dma_start3A_136 = tpu.memref_squeeze %dma_start3A_135 : memref<1x32x512xi32, #tpu.memory_space<hbm>> -> memref<32x512xi32, #tpu.memory_space<hbm>>
      tpu.enqueue_dma source(%arg21 : memref<32x512xi32, #tpu.memory_space<vmem>>) target(%dma_start3A_136 : memref<32x512xi32, #tpu.memory_space<hbm>>) target_semaphore(%run_scoped3A : memref<!tpu.dma_semaphore, #tpu.memory_space<semaphore_mem>>)
      %dma_wait3A_137 = arith.constant 0 : i32
      %dma_wait3A_138 = arith.constant 0 : i32
      %dma_wait3A_139 = tpu.memref_slice %arg14[%add3A, %dma_wait3A_137, %dma_wait3A_138] : memref<32x32x512xi32, #tpu.memory_space<hbm>> -> memref<1x32x512xi32, #tpu.memory_space<hbm>>
      %dma_wait3A_140 = tpu.memref_squeeze %dma_wait3A_139 : memref<1x32x512xi32, #tpu.memory_space<hbm>> -> memref<32x512xi32, #tpu.memory_space<hbm>>
      %dma_wait3A_141 = arith.constant 0 : i32
      %dma_wait3A_142 = arith.constant 0 : i32
      %dma_wait3A_143 = tpu.memref_slice %arg14[%add3A, %dma_wait3A_141, %dma_wait3A_142] : memref<32x32x512xi32, #tpu.memory_space<hbm>> -> memref<1x32x512xi32, #tpu.memory_space<hbm>>
      %dma_wait3A_144 = tpu.memref_squeeze %dma_wait3A_143 : memref<1x32x512xi32, #tpu.memory_space<hbm>> -> memref<32x512xi32, #tpu.memory_space<hbm>>
      tpu.wait_dma2 semaphore(%run_scoped3A : memref<!tpu.dma_semaphore, #tpu.memory_space<semaphore_mem>>) src(%arg21 : memref<32x512xi32, #tpu.memory_space<vmem>>) dst(%dma_wait3A_144 : memref<32x512xi32, #tpu.memory_space<hbm>>)
      tpu.yield
    }) : () -> ()
    "tpu.region"() ({
      %run_scoped3A = tpu.sem_alloc : memref<!tpu.dma_semaphore, #tpu.memory_space<semaphore_mem>>
      %dma_start3A_129 = arith.constant 0 : i32
      %dma_start3A_130 = arith.constant 0 : i32
      %dma_start3A_131 = tpu.memref_slice %arg15[%add3A, %dma_start3A_129, %dma_start3A_130] : memref<32x32x512xi32, #tpu.memory_space<hbm>> -> memref<1x32x512xi32, #tpu.memory_space<hbm>>
      %dma_start3A_132 = tpu.memref_squeeze %dma_start3A_131 : memref<1x32x512xi32, #tpu.memory_space<hbm>> -> memref<32x512xi32, #tpu.memory_space<hbm>>
      %dma_start3A_133 = arith.constant 0 : i32
      %dma_start3A_134 = arith.constant 0 : i32
      %dma_start3A_135 = tpu.memref_slice %arg15[%add3A, %dma_start3A_133, %dma_start3A_134] : memref<32x32x512xi32, #tpu.memory_space<hbm>> -> memref<1x32x512xi32, #tpu.memory_space<hbm>>
      %dma_start3A_136 = tpu.memref_squeeze %dma_start3A_135 : memref<1x32x512xi32, #tpu.memory_space<hbm>> -> memref<32x512xi32, #tpu.memory_space<hbm>>
      tpu.enqueue_dma source(%arg22 : memref<32x512xi32, #tpu.memory_space<vmem>>) target(%dma_start3A_136 : memref<32x512xi32, #tpu.memory_space<hbm>>) target_semaphore(%run_scoped3A : memref<!tpu.dma_semaphore, #tpu.memory_space<semaphore_mem>>)
      %dma_wait3A_137 = arith.constant 0 : i32
      %dma_wait3A_138 = arith.constant 0 : i32
      %dma_wait3A_139 = tpu.memref_slice %arg15[%add3A, %dma_wait3A_137, %dma_wait3A_138] : memref<32x32x512xi32, #tpu.memory_space<hbm>> -> memref<1x32x512xi32, #tpu.memory_space<hbm>>
      %dma_wait3A_140 = tpu.memref_squeeze %dma_wait3A_139 : memref<1x32x512xi32, #tpu.memory_space<hbm>> -> memref<32x512xi32, #tpu.memory_space<hbm>>
      %dma_wait3A_141 = arith.constant 0 : i32
      %dma_wait3A_142 = arith.constant 0 : i32
      %dma_wait3A_143 = tpu.memref_slice %arg15[%add3A, %dma_wait3A_141, %dma_wait3A_142] : memref<32x32x512xi32, #tpu.memory_space<hbm>> -> memref<1x32x512xi32, #tpu.memory_space<hbm>>
      %dma_wait3A_144 = tpu.memref_squeeze %dma_wait3A_143 : memref<1x32x512xi32, #tpu.memory_space<hbm>> -> memref<32x512xi32, #tpu.memory_space<hbm>>
      tpu.wait_dma2 semaphore(%run_scoped3A : memref<!tpu.dma_semaphore, #tpu.memory_space<semaphore_mem>>) src(%arg22 : memref<32x512xi32, #tpu.memory_space<vmem>>) dst(%dma_wait3A_144 : memref<32x512xi32, #tpu.memory_space<hbm>>)
      tpu.yield
    }) : () -> ()
    %eq3A = arith.constant 0 : i32
    %eq3A_119 = vector.broadcast %eq3A : i32 to vector<16xi32>
    %eq3A_120 = arith.cmpi eq, %iota3A, %eq3A_119 : vector<16xi32>
    %eq3A_121 = arith.constant 1 : i32
    %eq3A_122 = vector.broadcast %eq3A_121 : i32 to vector<16xi32>
    %eq3A_123 = arith.cmpi eq, %iota3A, %eq3A_122 : vector<16xi32>
    %jit3A = arith.constant 0 : i32
    %broadcast_in_dim3A_124 = vector.broadcast %and3A_104 : i32 to vector<16xi32>
    %broadcast_in_dim3A_125 = vector.broadcast %jit3A : i32 to vector<16xi32>
    %select_n3A = arith.select %eq3A_123, %broadcast_in_dim3A_124, %broadcast_in_dim3A_125 : vector<16xi1>, vector<16xi32>
    %broadcast_in_dim3A_126 = vector.broadcast %and3A_45 : i32 to vector<16xi32>
    %select_n3A_127 = arith.select %eq3A_120, %broadcast_in_dim3A_126, %select_n3A : vector<16xi1>, vector<16xi32>
    %swap3A = arith.constant 0 : index
    %swap3A_128 = tpu.vector_load %arg25[%swap3A] {strides = array<i32>} : memref<16xi32, #tpu.memory_space<vmem>>, vector<16xi32>,
    tpu.vector_store %arg25[%swap3A], %select_n3A_127 {strides = array<i32>} : memref<16xi32, #tpu.memory_space<vmem>>, vector<16xi32>,
    "tpu.region"() ({
      %run_scoped3A = tpu.sem_alloc : memref<!tpu.dma_semaphore, #tpu.memory_space<semaphore_mem>>
      %dma_start3A_129 = arith.constant 0 : i32
      %dma_start3A_130 = tpu.memref_slice %arg25[%dma_start3A_129] : memref<16xi32, #tpu.memory_space<vmem>> -> memref<8xi32, #tpu.memory_space<vmem>>
      %dma_start3A_131 = arith.constant 0 : i32
      %dma_start3A_132 = tpu.memref_slice %arg16[%add3A, %dma_start3A_131] : memref<32x8xi32, #tpu.memory_space<hbm>> -> memref<1x8xi32, #tpu.memory_space<hbm>>
      %dma_start3A_133 = tpu.memref_squeeze %dma_start3A_132 : memref<1x8xi32, #tpu.memory_space<hbm>> -> memref<8xi32, #tpu.memory_space<hbm>>
      %dma_start3A_134 = arith.constant 0 : i32
      %dma_start3A_135 = tpu.memref_slice %arg16[%add3A, %dma_start3A_134] : memref<32x8xi32, #tpu.memory_space<hbm>> -> memref<1x8xi32, #tpu.memory_space<hbm>>
      %dma_start3A_136 = tpu.memref_squeeze %dma_start3A_135 : memref<1x8xi32, #tpu.memory_space<hbm>> -> memref<8xi32, #tpu.memory_space<hbm>>
      %dma_start3A_137 = arith.constant 0 : i32
      %dma_start3A_138 = tpu.memref_slice %arg25[%dma_start3A_137] : memref<16xi32, #tpu.memory_space<vmem>> -> memref<8xi32, #tpu.memory_space<vmem>>
      tpu.enqueue_dma source(%dma_start3A_138 : memref<8xi32, #tpu.memory_space<vmem>>) target(%dma_start3A_136 : memref<8xi32, #tpu.memory_space<hbm>>) target_semaphore(%run_scoped3A : memref<!tpu.dma_semaphore, #tpu.memory_space<semaphore_mem>>)
      %dma_wait3A_139 = arith.constant 0 : i32
      %dma_wait3A_140 = tpu.memref_slice %arg25[%dma_wait3A_139] : memref<16xi32, #tpu.memory_space<vmem>> -> memref<8xi32, #tpu.memory_space<vmem>>
      %dma_wait3A_141 = arith.constant 0 : i32
      %dma_wait3A_142 = tpu.memref_slice %arg16[%add3A, %dma_wait3A_141] : memref<32x8xi32, #tpu.memory_space<hbm>> -> memref<1x8xi32, #tpu.memory_space<hbm>>
      %dma_wait3A_143 = tpu.memref_squeeze %dma_wait3A_142 : memref<1x8xi32, #tpu.memory_space<hbm>> -> memref<8xi32, #tpu.memory_space<hbm>>
      %dma_wait3A_144 = arith.constant 0 : i32
      %dma_wait3A_145 = tpu.memref_slice %arg16[%add3A, %dma_wait3A_144] : memref<32x8xi32, #tpu.memory_space<hbm>> -> memref<1x8xi32, #tpu.memory_space<hbm>>
      %dma_wait3A_146 = tpu.memref_squeeze %dma_wait3A_145 : memref<1x8xi32, #tpu.memory_space<hbm>> -> memref<8xi32, #tpu.memory_space<hbm>>
      %dma_wait3A_147 = arith.constant 0 : i32
      %dma_wait3A_148 = tpu.memref_slice %arg25[%dma_wait3A_147] : memref<16xi32, #tpu.memory_space<vmem>> -> memref<8xi32, #tpu.memory_space<vmem>>
      tpu.wait_dma2 semaphore(%run_scoped3A : memref<!tpu.dma_semaphore, #tpu.memory_space<semaphore_mem>>) src(%dma_wait3A_148 : memref<8xi32, #tpu.memory_space<vmem>>) dst(%dma_wait3A_146 : memref<8xi32, #tpu.memory_space<hbm>>)
      tpu.yield
    }) : () -> ()
    return
  }
}

#map = affine_map<(d0, d1) -> (0, 0)>
#map1 = affine_map<(d0, d1) -> (0)>
#map2 = affine_map<(d0, d1) -> (0, 0, 0)>
module attributes {stable_mosaic.version = 14 : i64} {
  func.func @new_body(%arg0: i32, %arg1: i32, %arg2: memref<16384x32xf32, #tpu.memory_space<hbm>>, %arg3: memref<16384x32xf32, #tpu.memory_space<hbm>>, %arg4: memref<16384xf32, #tpu.memory_space<hbm>>, %arg5: memref<32x32x512xi32, #tpu.memory_space<hbm>>, %arg6: memref<32x32x512xi32, #tpu.memory_space<hbm>>, %arg7: memref<32x32x512xi32, #tpu.memory_space<hbm>>, %arg8: memref<32x32x512xi32, #tpu.memory_space<hbm>>, %arg9: memref<32x8xi32, #tpu.memory_space<hbm>>, %arg10: memref<1000000x32xf32, #tpu.memory_space<hbm>>, %arg11: memref<100000x32xf32, #tpu.memory_space<hbm>>, %arg12: memref<1000000xf32, #tpu.memory_space<hbm>>, %arg13: memref<100000xf32, #tpu.memory_space<hbm>>, %arg14: memref<1000000x32xf32, #tpu.memory_space<hbm>>, %arg15: memref<100000x32xf32, #tpu.memory_space<hbm>>, %arg16: memref<1000000xf32, #tpu.memory_space<hbm>>, %arg17: memref<100000xf32, #tpu.memory_space<hbm>>, %arg18: memref<32x512xi32, #tpu.memory_space<vmem>>, %arg19: memref<32x512xi32, #tpu.memory_space<vmem>>, %arg20: memref<32x512xi32, #tpu.memory_space<vmem>>, %arg21: memref<32x512xi32, #tpu.memory_space<vmem>>, %arg22: memref<512x32xf32, #tpu.memory_space<vmem>>, %arg23: memref<512xf32, #tpu.memory_space<vmem>>, %arg24: memref<16xi32, #tpu.memory_space<vmem>>, %arg25: memref<!tpu.dma_semaphore, #tpu.memory_space<semaphore_mem>>) attributes {dimension_semantics = [#tpu.dimension_semantics<core_parallel>, #tpu.dimension_semantics<subcore_parallel>], iteration_bounds = array<i64: 2, 16>, scalar_prefetch = 0 : i64, scratch_operands = 8 : i64, tpu.core_type = #tpu.core_type<sc_vector_subcore>, window_params = [{transform_indices = #map}, {transform_indices = #map}, {transform_indices = #map1}, {transform_indices = #map2}, {transform_indices = #map2}, {transform_indices = #map2}, {transform_indices = #map2}, {transform_indices = #map}, {transform_indices = #map}, {transform_indices = #map}, {transform_indices = #map1}, {transform_indices = #map1}, {transform_indices = #map}, {transform_indices = #map}, {transform_indices = #map1}, {transform_indices = #map1}]} {
    %mul3A = arith.constant 2 : i32
    %mul3A_0 = arith.muli %arg1, %mul3A : i32
    %add3A = arith.addi %mul3A_0, %arg0 : i32
    %iota3A = tpu.iota {dimensions = array<i32: 0>} : vector<16xi32>
    "tpu.region"() ({
      %run_scoped3A = tpu.sem_alloc : memref<!tpu.dma_semaphore, #tpu.memory_space<semaphore_mem>>
      %dma_start3A = arith.constant 0 : i32
      %dma_start3A_31 = arith.constant 0 : i32
      %dma_start3A_32 = tpu.memref_slice %arg5[%add3A, %dma_start3A, %dma_start3A_31] : memref<32x32x512xi32, #tpu.memory_space<hbm>> -> memref<1x32x512xi32, #tpu.memory_space<hbm>>
      %dma_start3A_33 = tpu.memref_squeeze %dma_start3A_32 : memref<1x32x512xi32, #tpu.memory_space<hbm>> -> memref<32x512xi32, #tpu.memory_space<hbm>>
      %dma_start3A_34 = arith.constant 0 : i32
      %dma_start3A_35 = arith.constant 0 : i32
      %dma_start3A_36 = tpu.memref_slice %arg5[%add3A, %dma_start3A_34, %dma_start3A_35] : memref<32x32x512xi32, #tpu.memory_space<hbm>> -> memref<1x32x512xi32, #tpu.memory_space<hbm>>
      %dma_start3A_37 = tpu.memref_squeeze %dma_start3A_36 : memref<1x32x512xi32, #tpu.memory_space<hbm>> -> memref<32x512xi32, #tpu.memory_space<hbm>>
      tpu.enqueue_dma source(%dma_start3A_37 : memref<32x512xi32, #tpu.memory_space<hbm>>) target(%arg18 : memref<32x512xi32, #tpu.memory_space<vmem>>) target_semaphore(%run_scoped3A : memref<!tpu.dma_semaphore, #tpu.memory_space<semaphore_mem>>)
      %dma_wait3A = arith.constant 0 : i32
      %dma_wait3A_38 = arith.constant 0 : i32
      %dma_wait3A_39 = tpu.memref_slice %arg5[%add3A, %dma_wait3A, %dma_wait3A_38] : memref<32x32x512xi32, #tpu.memory_space<hbm>> -> memref<1x32x512xi32, #tpu.memory_space<hbm>>
      %dma_wait3A_40 = tpu.memref_squeeze %dma_wait3A_39 : memref<1x32x512xi32, #tpu.memory_space<hbm>> -> memref<32x512xi32, #tpu.memory_space<hbm>>
      %dma_wait3A_41 = arith.constant 0 : i32
      %dma_wait3A_42 = arith.constant 0 : i32
      %dma_wait3A_43 = tpu.memref_slice %arg5[%add3A, %dma_wait3A_41, %dma_wait3A_42] : memref<32x32x512xi32, #tpu.memory_space<hbm>> -> memref<1x32x512xi32, #tpu.memory_space<hbm>>
      %dma_wait3A_44 = tpu.memref_squeeze %dma_wait3A_43 : memref<1x32x512xi32, #tpu.memory_space<hbm>> -> memref<32x512xi32, #tpu.memory_space<hbm>>
      tpu.wait_dma2 semaphore(%run_scoped3A : memref<!tpu.dma_semaphore, #tpu.memory_space<semaphore_mem>>) src(%dma_wait3A_44 : memref<32x512xi32, #tpu.memory_space<hbm>>) dst(%arg18 : memref<32x512xi32, #tpu.memory_space<vmem>>)
      tpu.yield
    }) : () -> ()
    "tpu.region"() ({
      %run_scoped3A = tpu.sem_alloc : memref<!tpu.dma_semaphore, #tpu.memory_space<semaphore_mem>>
      %dma_start3A = arith.constant 0 : i32
      %dma_start3A_31 = arith.constant 0 : i32
      %dma_start3A_32 = tpu.memref_slice %arg6[%add3A, %dma_start3A, %dma_start3A_31] : memref<32x32x512xi32, #tpu.memory_space<hbm>> -> memref<1x32x512xi32, #tpu.memory_space<hbm>>
      %dma_start3A_33 = tpu.memref_squeeze %dma_start3A_32 : memref<1x32x512xi32, #tpu.memory_space<hbm>> -> memref<32x512xi32, #tpu.memory_space<hbm>>
      %dma_start3A_34 = arith.constant 0 : i32
      %dma_start3A_35 = arith.constant 0 : i32
      %dma_start3A_36 = tpu.memref_slice %arg6[%add3A, %dma_start3A_34, %dma_start3A_35] : memref<32x32x512xi32, #tpu.memory_space<hbm>> -> memref<1x32x512xi32, #tpu.memory_space<hbm>>
      %dma_start3A_37 = tpu.memref_squeeze %dma_start3A_36 : memref<1x32x512xi32, #tpu.memory_space<hbm>> -> memref<32x512xi32, #tpu.memory_space<hbm>>
      tpu.enqueue_dma source(%dma_start3A_37 : memref<32x512xi32, #tpu.memory_space<hbm>>) target(%arg19 : memref<32x512xi32, #tpu.memory_space<vmem>>) target_semaphore(%run_scoped3A : memref<!tpu.dma_semaphore, #tpu.memory_space<semaphore_mem>>)
      %dma_wait3A = arith.constant 0 : i32
      %dma_wait3A_38 = arith.constant 0 : i32
      %dma_wait3A_39 = tpu.memref_slice %arg6[%add3A, %dma_wait3A, %dma_wait3A_38] : memref<32x32x512xi32, #tpu.memory_space<hbm>> -> memref<1x32x512xi32, #tpu.memory_space<hbm>>
      %dma_wait3A_40 = tpu.memref_squeeze %dma_wait3A_39 : memref<1x32x512xi32, #tpu.memory_space<hbm>> -> memref<32x512xi32, #tpu.memory_space<hbm>>
      %dma_wait3A_41 = arith.constant 0 : i32
      %dma_wait3A_42 = arith.constant 0 : i32
      %dma_wait3A_43 = tpu.memref_slice %arg6[%add3A, %dma_wait3A_41, %dma_wait3A_42] : memref<32x32x512xi32, #tpu.memory_space<hbm>> -> memref<1x32x512xi32, #tpu.memory_space<hbm>>
      %dma_wait3A_44 = tpu.memref_squeeze %dma_wait3A_43 : memref<1x32x512xi32, #tpu.memory_space<hbm>> -> memref<32x512xi32, #tpu.memory_space<hbm>>
      tpu.wait_dma2 semaphore(%run_scoped3A : memref<!tpu.dma_semaphore, #tpu.memory_space<semaphore_mem>>) src(%dma_wait3A_44 : memref<32x512xi32, #tpu.memory_space<hbm>>) dst(%arg19 : memref<32x512xi32, #tpu.memory_space<vmem>>)
      tpu.yield
    }) : () -> ()
    "tpu.region"() ({
      %run_scoped3A = tpu.sem_alloc : memref<!tpu.dma_semaphore, #tpu.memory_space<semaphore_mem>>
      %dma_start3A = arith.constant 0 : i32
      %dma_start3A_31 = arith.constant 0 : i32
      %dma_start3A_32 = tpu.memref_slice %arg7[%add3A, %dma_start3A, %dma_start3A_31] : memref<32x32x512xi32, #tpu.memory_space<hbm>> -> memref<1x32x512xi32, #tpu.memory_space<hbm>>
      %dma_start3A_33 = tpu.memref_squeeze %dma_start3A_32 : memref<1x32x512xi32, #tpu.memory_space<hbm>> -> memref<32x512xi32, #tpu.memory_space<hbm>>
      %dma_start3A_34 = arith.constant 0 : i32
      %dma_start3A_35 = arith.constant 0 : i32
      %dma_start3A_36 = tpu.memref_slice %arg7[%add3A, %dma_start3A_34, %dma_start3A_35] : memref<32x32x512xi32, #tpu.memory_space<hbm>> -> memref<1x32x512xi32, #tpu.memory_space<hbm>>
      %dma_start3A_37 = tpu.memref_squeeze %dma_start3A_36 : memref<1x32x512xi32, #tpu.memory_space<hbm>> -> memref<32x512xi32, #tpu.memory_space<hbm>>
      tpu.enqueue_dma source(%dma_start3A_37 : memref<32x512xi32, #tpu.memory_space<hbm>>) target(%arg20 : memref<32x512xi32, #tpu.memory_space<vmem>>) target_semaphore(%run_scoped3A : memref<!tpu.dma_semaphore, #tpu.memory_space<semaphore_mem>>)
      %dma_wait3A = arith.constant 0 : i32
      %dma_wait3A_38 = arith.constant 0 : i32
      %dma_wait3A_39 = tpu.memref_slice %arg7[%add3A, %dma_wait3A, %dma_wait3A_38] : memref<32x32x512xi32, #tpu.memory_space<hbm>> -> memref<1x32x512xi32, #tpu.memory_space<hbm>>
      %dma_wait3A_40 = tpu.memref_squeeze %dma_wait3A_39 : memref<1x32x512xi32, #tpu.memory_space<hbm>> -> memref<32x512xi32, #tpu.memory_space<hbm>>
      %dma_wait3A_41 = arith.constant 0 : i32
      %dma_wait3A_42 = arith.constant 0 : i32
      %dma_wait3A_43 = tpu.memref_slice %arg7[%add3A, %dma_wait3A_41, %dma_wait3A_42] : memref<32x32x512xi32, #tpu.memory_space<hbm>> -> memref<1x32x512xi32, #tpu.memory_space<hbm>>
      %dma_wait3A_44 = tpu.memref_squeeze %dma_wait3A_43 : memref<1x32x512xi32, #tpu.memory_space<hbm>> -> memref<32x512xi32, #tpu.memory_space<hbm>>
      tpu.wait_dma2 semaphore(%run_scoped3A : memref<!tpu.dma_semaphore, #tpu.memory_space<semaphore_mem>>) src(%dma_wait3A_44 : memref<32x512xi32, #tpu.memory_space<hbm>>) dst(%arg20 : memref<32x512xi32, #tpu.memory_space<vmem>>)
      tpu.yield
    }) : () -> ()
    "tpu.region"() ({
      %run_scoped3A = tpu.sem_alloc : memref<!tpu.dma_semaphore, #tpu.memory_space<semaphore_mem>>
      %dma_start3A = arith.constant 0 : i32
      %dma_start3A_31 = arith.constant 0 : i32
      %dma_start3A_32 = tpu.memref_slice %arg8[%add3A, %dma_start3A, %dma_start3A_31] : memref<32x32x512xi32, #tpu.memory_space<hbm>> -> memref<1x32x512xi32, #tpu.memory_space<hbm>>
      %dma_start3A_33 = tpu.memref_squeeze %dma_start3A_32 : memref<1x32x512xi32, #tpu.memory_space<hbm>> -> memref<32x512xi32, #tpu.memory_space<hbm>>
      %dma_start3A_34 = arith.constant 0 : i32
      %dma_start3A_35 = arith.constant 0 : i32
      %dma_start3A_36 = tpu.memref_slice %arg8[%add3A, %dma_start3A_34, %dma_start3A_35] : memref<32x32x512xi32, #tpu.memory_space<hbm>> -> memref<1x32x512xi32, #tpu.memory_space<hbm>>
      %dma_start3A_37 = tpu.memref_squeeze %dma_start3A_36 : memref<1x32x512xi32, #tpu.memory_space<hbm>> -> memref<32x512xi32, #tpu.memory_space<hbm>>
      tpu.enqueue_dma source(%dma_start3A_37 : memref<32x512xi32, #tpu.memory_space<hbm>>) target(%arg21 : memref<32x512xi32, #tpu.memory_space<vmem>>) target_semaphore(%run_scoped3A : memref<!tpu.dma_semaphore, #tpu.memory_space<semaphore_mem>>)
      %dma_wait3A = arith.constant 0 : i32
      %dma_wait3A_38 = arith.constant 0 : i32
      %dma_wait3A_39 = tpu.memref_slice %arg8[%add3A, %dma_wait3A, %dma_wait3A_38] : memref<32x32x512xi32, #tpu.memory_space<hbm>> -> memref<1x32x512xi32, #tpu.memory_space<hbm>>
      %dma_wait3A_40 = tpu.memref_squeeze %dma_wait3A_39 : memref<1x32x512xi32, #tpu.memory_space<hbm>> -> memref<32x512xi32, #tpu.memory_space<hbm>>
      %dma_wait3A_41 = arith.constant 0 : i32
      %dma_wait3A_42 = arith.constant 0 : i32
      %dma_wait3A_43 = tpu.memref_slice %arg8[%add3A, %dma_wait3A_41, %dma_wait3A_42] : memref<32x32x512xi32, #tpu.memory_space<hbm>> -> memref<1x32x512xi32, #tpu.memory_space<hbm>>
      %dma_wait3A_44 = tpu.memref_squeeze %dma_wait3A_43 : memref<1x32x512xi32, #tpu.memory_space<hbm>> -> memref<32x512xi32, #tpu.memory_space<hbm>>
      tpu.wait_dma2 semaphore(%run_scoped3A : memref<!tpu.dma_semaphore, #tpu.memory_space<semaphore_mem>>) src(%dma_wait3A_44 : memref<32x512xi32, #tpu.memory_space<hbm>>) dst(%arg21 : memref<32x512xi32, #tpu.memory_space<vmem>>)
      tpu.yield
    }) : () -> ()
    "tpu.region"() ({
      %run_scoped3A = tpu.sem_alloc : memref<!tpu.dma_semaphore, #tpu.memory_space<semaphore_mem>>
      %dma_start3A = arith.constant 0 : i32
      %dma_start3A_31 = tpu.memref_slice %arg24[%dma_start3A] : memref<16xi32, #tpu.memory_space<vmem>> -> memref<8xi32, #tpu.memory_space<vmem>>
      %dma_start3A_32 = arith.constant 0 : i32
      %dma_start3A_33 = tpu.memref_slice %arg9[%add3A, %dma_start3A_32] : memref<32x8xi32, #tpu.memory_space<hbm>> -> memref<1x8xi32, #tpu.memory_space<hbm>>
      %dma_start3A_34 = tpu.memref_squeeze %dma_start3A_33 : memref<1x8xi32, #tpu.memory_space<hbm>> -> memref<8xi32, #tpu.memory_space<hbm>>
      %dma_start3A_35 = arith.constant 0 : i32
      %dma_start3A_36 = tpu.memref_slice %arg24[%dma_start3A_35] : memref<16xi32, #tpu.memory_space<vmem>> -> memref<8xi32, #tpu.memory_space<vmem>>
      %dma_start3A_37 = arith.constant 0 : i32
      %dma_start3A_38 = tpu.memref_slice %arg9[%add3A, %dma_start3A_37] : memref<32x8xi32, #tpu.memory_space<hbm>> -> memref<1x8xi32, #tpu.memory_space<hbm>>
      %dma_start3A_39 = tpu.memref_squeeze %dma_start3A_38 : memref<1x8xi32, #tpu.memory_space<hbm>> -> memref<8xi32, #tpu.memory_space<hbm>>
      tpu.enqueue_dma source(%dma_start3A_39 : memref<8xi32, #tpu.memory_space<hbm>>) target(%dma_start3A_36 : memref<8xi32, #tpu.memory_space<vmem>>) target_semaphore(%run_scoped3A : memref<!tpu.dma_semaphore, #tpu.memory_space<semaphore_mem>>)
      %dma_wait3A = arith.constant 0 : i32
      %dma_wait3A_40 = tpu.memref_slice %arg24[%dma_wait3A] : memref<16xi32, #tpu.memory_space<vmem>> -> memref<8xi32, #tpu.memory_space<vmem>>
      %dma_wait3A_41 = arith.constant 0 : i32
      %dma_wait3A_42 = tpu.memref_slice %arg9[%add3A, %dma_wait3A_41] : memref<32x8xi32, #tpu.memory_space<hbm>> -> memref<1x8xi32, #tpu.memory_space<hbm>>
      %dma_wait3A_43 = tpu.memref_squeeze %dma_wait3A_42 : memref<1x8xi32, #tpu.memory_space<hbm>> -> memref<8xi32, #tpu.memory_space<hbm>>
      %dma_wait3A_44 = arith.constant 0 : i32
      %dma_wait3A_45 = tpu.memref_slice %arg24[%dma_wait3A_44] : memref<16xi32, #tpu.memory_space<vmem>> -> memref<8xi32, #tpu.memory_space<vmem>>
      %dma_wait3A_46 = arith.constant 0 : i32
      %dma_wait3A_47 = tpu.memref_slice %arg9[%add3A, %dma_wait3A_46] : memref<32x8xi32, #tpu.memory_space<hbm>> -> memref<1x8xi32, #tpu.memory_space<hbm>>
      %dma_wait3A_48 = tpu.memref_squeeze %dma_wait3A_47 : memref<1x8xi32, #tpu.memory_space<hbm>> -> memref<8xi32, #tpu.memory_space<hbm>>
      tpu.wait_dma2 semaphore(%run_scoped3A : memref<!tpu.dma_semaphore, #tpu.memory_space<semaphore_mem>>) src(%dma_wait3A_48 : memref<8xi32, #tpu.memory_space<hbm>>) dst(%dma_wait3A_45 : memref<8xi32, #tpu.memory_space<vmem>>)
      tpu.yield
    }) : () -> ()
    %get3A = arith.constant 0 : index
    %get3A_1 = tpu.vector_load %arg24[%get3A] {strides = array<i32>} : memref<16xi32, #tpu.memory_space<vmem>>, vector<16xi32>,
    %eq3A = arith.constant 0 : i32
    %eq3A_2 = vector.broadcast %eq3A : i32 to vector<16xi32>
    %eq3A_3 = arith.cmpi eq, %iota3A, %eq3A_2 : vector<16xi32>
    %jit3A = arith.constant 0 : i32
    %broadcast_in_dim3A = vector.broadcast %jit3A : i32 to vector<16xi32>
    %select_n3A = arith.select %eq3A_3, %get3A_1, %broadcast_in_dim3A : vector<16xi1>, vector<16xi32>
    %reduce_max3A = arith.constant true
    %reduce_max3A_4 = vector.broadcast %reduce_max3A : i1 to vector<16xi1>
    %reduce_max3A_5 = arith.constant -2147483648 : i32
    %reduce_max3A_6 = vector.broadcast %reduce_max3A_5 : i32 to vector<16xi32>
    %reduce_max3A_7 = arith.xori %select_n3A, %reduce_max3A_6 : vector<16xi32>
    %reduce_max3A_8 = tpu.scan <max>, %reduce_max3A_7 masked %reduce_max3A_4 : vector<16xi32>, vector<16xi1> -> vector<16xi32>
    %reduce_max3A_9 = arith.xori %reduce_max3A_8, %reduce_max3A_6 : vector<16xi32>
    %reduce_max3A_10 = vector.extract %reduce_max3A_9[15] : i32 from vector<16xi32>
    %eq3A_11 = arith.constant 1 : i32
    %eq3A_12 = vector.broadcast %eq3A_11 : i32 to vector<16xi32>
    %eq3A_13 = arith.cmpi eq, %iota3A, %eq3A_12 : vector<16xi32>
    %jit3A_14 = arith.constant 0 : i32
    %broadcast_in_dim3A_15 = vector.broadcast %jit3A_14 : i32 to vector<16xi32>
    %select_n3A_16 = arith.select %eq3A_13, %get3A_1, %broadcast_in_dim3A_15 : vector<16xi1>, vector<16xi32>
    %reduce_max3A_17 = arith.constant true
    %reduce_max3A_18 = vector.broadcast %reduce_max3A_17 : i1 to vector<16xi1>
    %reduce_max3A_19 = arith.constant -2147483648 : i32
    %reduce_max3A_20 = vector.broadcast %reduce_max3A_19 : i32 to vector<16xi32>
    %reduce_max3A_21 = arith.xori %select_n3A_16, %reduce_max3A_20 : vector<16xi32>
    %reduce_max3A_22 = tpu.scan <max>, %reduce_max3A_21 masked %reduce_max3A_18 : vector<16xi32>, vector<16xi1> -> vector<16xi32>
    %reduce_max3A_23 = arith.xori %reduce_max3A_22, %reduce_max3A_20 : vector<16xi32>
    %reduce_max3A_24 = vector.extract %reduce_max3A_23[15] : i32 from vector<16xi32>
    %scan3A = arith.constant 0 : i32
    %scan3A_25 = arith.constant 0 : i32
    %scan3A_26 = arith.constant 32 : i32
    %scan3A_27 = arith.addi %scan3A_25, %scan3A_26 : i32
    %scan3A_28 = arith.constant 1 : i32
    %scan3A_29 = scf.for %scan3A_31 = %scan3A_25 to %scan3A_27 step %scan3A_28 iter_args(%scan3A_32 = %scan3A) -> (i32)  : i32 {
      %mul3A_33 = arith.constant 512 : i32
      %mul3A_34 = arith.muli %scan3A_31, %mul3A_33 : i32
      %lt3A = arith.cmpi slt, %mul3A_34, %reduce_max3A_10 : i32
      %convert_element_type3A = arith.extui %lt3A : i1 to i32
      %cond3A = arith.constant 0 : i32
      %cond3A_35 = arith.cmpi ne, %convert_element_type3A, %cond3A : i32
      scf.if %cond3A_35 {
        %dma_start3A = arith.constant 0 : i32
        %dma_start3A_43 = tpu.memref_slice %arg18[%scan3A_31, %dma_start3A] : memref<32x512xi32, #tpu.memory_space<vmem>> -> memref<1x512xi32, #tpu.memory_space<vmem>>
        %dma_start3A_44 = tpu.memref_squeeze %dma_start3A_43 : memref<1x512xi32, #tpu.memory_space<vmem>> -> memref<512xi32, #tpu.memory_space<vmem>>
        %dma_start3A_45 = arith.constant 0 : i32
        %dma_start3A_46 = arith.constant 0 : i32
        %dma_start3A_47 = tpu.memref_slice %arg2[%dma_start3A_45, %dma_start3A_46] : memref<16384x32xf32, #tpu.memory_space<hbm>> -> memref<16384x32xf32, #tpu.memory_space<hbm>>
        tpu.enqueue_indirect_dma source(%dma_start3A_47 : memref<16384x32xf32, #tpu.memory_space<hbm>>) target(%arg22 : memref<512x32xf32, #tpu.memory_space<vmem>>) offsets(%dma_start3A_44 : memref<512xi32, #tpu.memory_space<vmem>>) semaphore(%arg25 : memref<!tpu.dma_semaphore, #tpu.memory_space<semaphore_mem>>)
        %dma_wait3A = arith.constant 0 : i32
        %dma_wait3A_48 = tpu.memref_slice %arg18[%scan3A_31, %dma_wait3A] : memref<32x512xi32, #tpu.memory_space<vmem>> -> memref<1x512xi32, #tpu.memory_space<vmem>>
        %dma_wait3A_49 = tpu.memref_squeeze %dma_wait3A_48 : memref<1x512xi32, #tpu.memory_space<vmem>> -> memref<512xi32, #tpu.memory_space<vmem>>
        %dma_wait3A_50 = arith.constant 0 : i32
        %dma_wait3A_51 = arith.constant 0 : i32
        %dma_wait3A_52 = tpu.memref_slice %arg2[%dma_wait3A_50, %dma_wait3A_51] : memref<16384x32xf32, #tpu.memory_space<hbm>> -> memref<16384x32xf32, #tpu.memory_space<hbm>>
        tpu.wait_indirect_dma semaphore(%arg25 : memref<!tpu.dma_semaphore, #tpu.memory_space<semaphore_mem>>) src(%dma_wait3A_52 : memref<16384x32xf32, #tpu.memory_space<hbm>>) dst(%arg22 : memref<512x32xf32, #tpu.memory_space<vmem>>)
        %dma_start3A_53 = arith.constant 0 : i32
        %dma_start3A_54 = tpu.memref_slice %arg19[%scan3A_31, %dma_start3A_53] : memref<32x512xi32, #tpu.memory_space<vmem>> -> memref<1x512xi32, #tpu.memory_space<vmem>>
        %dma_start3A_55 = tpu.memref_squeeze %dma_start3A_54 : memref<1x512xi32, #tpu.memory_space<vmem>> -> memref<512xi32, #tpu.memory_space<vmem>>
        %dma_start3A_56 = arith.constant 0 : i32
        %dma_start3A_57 = arith.constant 0 : i32
        %dma_start3A_58 = tpu.memref_slice %arg10[%dma_start3A_56, %dma_start3A_57] : memref<1000000x32xf32, #tpu.memory_space<hbm>> -> memref<1000000x32xf32, #tpu.memory_space<hbm>>
        tpu.enqueue_indirect_dma source(%arg22 : memref<512x32xf32, #tpu.memory_space<vmem>>) target(%dma_start3A_58 : memref<1000000x32xf32, #tpu.memory_space<hbm>>) offsets(%dma_start3A_55 : memref<512xi32, #tpu.memory_space<vmem>>) semaphore(%arg25 : memref<!tpu.dma_semaphore, #tpu.memory_space<semaphore_mem>>)
        %dma_wait3A_59 = arith.constant 0 : i32
        %dma_wait3A_60 = tpu.memref_slice %arg19[%scan3A_31, %dma_wait3A_59] : memref<32x512xi32, #tpu.memory_space<vmem>> -> memref<1x512xi32, #tpu.memory_space<vmem>>
        %dma_wait3A_61 = tpu.memref_squeeze %dma_wait3A_60 : memref<1x512xi32, #tpu.memory_space<vmem>> -> memref<512xi32, #tpu.memory_space<vmem>>
        %dma_wait3A_62 = arith.constant 0 : i32
        %dma_wait3A_63 = arith.constant 0 : i32
        %dma_wait3A_64 = tpu.memref_slice %arg10[%dma_wait3A_62, %dma_wait3A_63] : memref<1000000x32xf32, #tpu.memory_space<hbm>> -> memref<1000000x32xf32, #tpu.memory_space<hbm>>
        tpu.wait_indirect_dma semaphore(%arg25 : memref<!tpu.dma_semaphore, #tpu.memory_space<semaphore_mem>>) src(%arg22 : memref<512x32xf32, #tpu.memory_space<vmem>>) dst(%dma_wait3A_64 : memref<1000000x32xf32, #tpu.memory_space<hbm>>)
        %dma_start3A_65 = arith.constant 0 : i32
        %dma_start3A_66 = tpu.memref_slice %arg18[%scan3A_31, %dma_start3A_65] : memref<32x512xi32, #tpu.memory_space<vmem>> -> memref<1x512xi32, #tpu.memory_space<vmem>>
        %dma_start3A_67 = tpu.memref_squeeze %dma_start3A_66 : memref<1x512xi32, #tpu.memory_space<vmem>> -> memref<512xi32, #tpu.memory_space<vmem>>
        %dma_start3A_68 = arith.constant 0 : i32
        %dma_start3A_69 = tpu.memref_slice %arg4[%dma_start3A_68] : memref<16384xf32, #tpu.memory_space<hbm>> -> memref<16384xf32, #tpu.memory_space<hbm>>
        tpu.enqueue_indirect_dma source(%dma_start3A_69 : memref<16384xf32, #tpu.memory_space<hbm>>) target(%arg23 : memref<512xf32, #tpu.memory_space<vmem>>) offsets(%dma_start3A_67 : memref<512xi32, #tpu.memory_space<vmem>>) semaphore(%arg25 : memref<!tpu.dma_semaphore, #tpu.memory_space<semaphore_mem>>)
        %dma_wait3A_70 = arith.constant 0 : i32
        %dma_wait3A_71 = tpu.memref_slice %arg18[%scan3A_31, %dma_wait3A_70] : memref<32x512xi32, #tpu.memory_space<vmem>> -> memref<1x512xi32, #tpu.memory_space<vmem>>
        %dma_wait3A_72 = tpu.memref_squeeze %dma_wait3A_71 : memref<1x512xi32, #tpu.memory_space<vmem>> -> memref<512xi32, #tpu.memory_space<vmem>>
        %dma_wait3A_73 = arith.constant 0 : i32
        %dma_wait3A_74 = tpu.memref_slice %arg4[%dma_wait3A_73] : memref<16384xf32, #tpu.memory_space<hbm>> -> memref<16384xf32, #tpu.memory_space<hbm>>
        tpu.wait_indirect_dma semaphore(%arg25 : memref<!tpu.dma_semaphore, #tpu.memory_space<semaphore_mem>>) src(%dma_wait3A_74 : memref<16384xf32, #tpu.memory_space<hbm>>) dst(%arg23 : memref<512xf32, #tpu.memory_space<vmem>>)
        %dma_start3A_75 = arith.constant 0 : i32
        %dma_start3A_76 = tpu.memref_slice %arg19[%scan3A_31, %dma_start3A_75] : memref<32x512xi32, #tpu.memory_space<vmem>> -> memref<1x512xi32, #tpu.memory_space<vmem>>
        %dma_start3A_77 = tpu.memref_squeeze %dma_start3A_76 : memref<1x512xi32, #tpu.memory_space<vmem>> -> memref<512xi32, #tpu.memory_space<vmem>>
        %dma_start3A_78 = arith.constant 0 : i32
        %dma_start3A_79 = tpu.memref_slice %arg12[%dma_start3A_78] : memref<1000000xf32, #tpu.memory_space<hbm>> -> memref<1000000xf32, #tpu.memory_space<hbm>>
        tpu.enqueue_indirect_dma source(%arg23 : memref<512xf32, #tpu.memory_space<vmem>>) target(%dma_start3A_79 : memref<1000000xf32, #tpu.memory_space<hbm>>) offsets(%dma_start3A_77 : memref<512xi32, #tpu.memory_space<vmem>>) semaphore(%arg25 : memref<!tpu.dma_semaphore, #tpu.memory_space<semaphore_mem>>)
        %dma_wait3A_80 = arith.constant 0 : i32
        %dma_wait3A_81 = tpu.memref_slice %arg19[%scan3A_31, %dma_wait3A_80] : memref<32x512xi32, #tpu.memory_space<vmem>> -> memref<1x512xi32, #tpu.memory_space<vmem>>
        %dma_wait3A_82 = tpu.memref_squeeze %dma_wait3A_81 : memref<1x512xi32, #tpu.memory_space<vmem>> -> memref<512xi32, #tpu.memory_space<vmem>>
        %dma_wait3A_83 = arith.constant 0 : i32
        %dma_wait3A_84 = tpu.memref_slice %arg12[%dma_wait3A_83] : memref<1000000xf32, #tpu.memory_space<hbm>> -> memref<1000000xf32, #tpu.memory_space<hbm>>
        tpu.wait_indirect_dma semaphore(%arg25 : memref<!tpu.dma_semaphore, #tpu.memory_space<semaphore_mem>>) src(%arg23 : memref<512xf32, #tpu.memory_space<vmem>>) dst(%dma_wait3A_84 : memref<1000000xf32, #tpu.memory_space<hbm>>)
      } else {
      }
      %mul3A_36 = arith.constant 512 : i32
      %mul3A_37 = arith.muli %scan3A_31, %mul3A_36 : i32
      %lt3A_38 = arith.cmpi slt, %mul3A_37, %reduce_max3A_24 : i32
      %convert_element_type3A_39 = arith.extui %lt3A_38 : i1 to i32
      %cond3A_40 = arith.constant 0 : i32
      %cond3A_41 = arith.cmpi ne, %convert_element_type3A_39, %cond3A_40 : i32
      scf.if %cond3A_41 {
        %dma_start3A = arith.constant 0 : i32
        %dma_start3A_43 = tpu.memref_slice %arg20[%scan3A_31, %dma_start3A] : memref<32x512xi32, #tpu.memory_space<vmem>> -> memref<1x512xi32, #tpu.memory_space<vmem>>
        %dma_start3A_44 = tpu.memref_squeeze %dma_start3A_43 : memref<1x512xi32, #tpu.memory_space<vmem>> -> memref<512xi32, #tpu.memory_space<vmem>>
        %dma_start3A_45 = arith.constant 0 : i32
        %dma_start3A_46 = arith.constant 0 : i32
        %dma_start3A_47 = tpu.memref_slice %arg3[%dma_start3A_45, %dma_start3A_46] : memref<16384x32xf32, #tpu.memory_space<hbm>> -> memref<16384x32xf32, #tpu.memory_space<hbm>>
        tpu.enqueue_indirect_dma source(%dma_start3A_47 : memref<16384x32xf32, #tpu.memory_space<hbm>>) target(%arg22 : memref<512x32xf32, #tpu.memory_space<vmem>>) offsets(%dma_start3A_44 : memref<512xi32, #tpu.memory_space<vmem>>) semaphore(%arg25 : memref<!tpu.dma_semaphore, #tpu.memory_space<semaphore_mem>>)
        %dma_wait3A = arith.constant 0 : i32
        %dma_wait3A_48 = tpu.memref_slice %arg20[%scan3A_31, %dma_wait3A] : memref<32x512xi32, #tpu.memory_space<vmem>> -> memref<1x512xi32, #tpu.memory_space<vmem>>
        %dma_wait3A_49 = tpu.memref_squeeze %dma_wait3A_48 : memref<1x512xi32, #tpu.memory_space<vmem>> -> memref<512xi32, #tpu.memory_space<vmem>>
        %dma_wait3A_50 = arith.constant 0 : i32
        %dma_wait3A_51 = arith.constant 0 : i32
        %dma_wait3A_52 = tpu.memref_slice %arg3[%dma_wait3A_50, %dma_wait3A_51] : memref<16384x32xf32, #tpu.memory_space<hbm>> -> memref<16384x32xf32, #tpu.memory_space<hbm>>
        tpu.wait_indirect_dma semaphore(%arg25 : memref<!tpu.dma_semaphore, #tpu.memory_space<semaphore_mem>>) src(%dma_wait3A_52 : memref<16384x32xf32, #tpu.memory_space<hbm>>) dst(%arg22 : memref<512x32xf32, #tpu.memory_space<vmem>>)
        %dma_start3A_53 = arith.constant 0 : i32
        %dma_start3A_54 = tpu.memref_slice %arg21[%scan3A_31, %dma_start3A_53] : memref<32x512xi32, #tpu.memory_space<vmem>> -> memref<1x512xi32, #tpu.memory_space<vmem>>
        %dma_start3A_55 = tpu.memref_squeeze %dma_start3A_54 : memref<1x512xi32, #tpu.memory_space<vmem>> -> memref<512xi32, #tpu.memory_space<vmem>>
        %dma_start3A_56 = arith.constant 0 : i32
        %dma_start3A_57 = arith.constant 0 : i32
        %dma_start3A_58 = tpu.memref_slice %arg11[%dma_start3A_56, %dma_start3A_57] : memref<100000x32xf32, #tpu.memory_space<hbm>> -> memref<100000x32xf32, #tpu.memory_space<hbm>>
        tpu.enqueue_indirect_dma source(%arg22 : memref<512x32xf32, #tpu.memory_space<vmem>>) target(%dma_start3A_58 : memref<100000x32xf32, #tpu.memory_space<hbm>>) offsets(%dma_start3A_55 : memref<512xi32, #tpu.memory_space<vmem>>) semaphore(%arg25 : memref<!tpu.dma_semaphore, #tpu.memory_space<semaphore_mem>>)
        %dma_wait3A_59 = arith.constant 0 : i32
        %dma_wait3A_60 = tpu.memref_slice %arg21[%scan3A_31, %dma_wait3A_59] : memref<32x512xi32, #tpu.memory_space<vmem>> -> memref<1x512xi32, #tpu.memory_space<vmem>>
        %dma_wait3A_61 = tpu.memref_squeeze %dma_wait3A_60 : memref<1x512xi32, #tpu.memory_space<vmem>> -> memref<512xi32, #tpu.memory_space<vmem>>
        %dma_wait3A_62 = arith.constant 0 : i32
        %dma_wait3A_63 = arith.constant 0 : i32
        %dma_wait3A_64 = tpu.memref_slice %arg11[%dma_wait3A_62, %dma_wait3A_63] : memref<100000x32xf32, #tpu.memory_space<hbm>> -> memref<100000x32xf32, #tpu.memory_space<hbm>>
        tpu.wait_indirect_dma semaphore(%arg25 : memref<!tpu.dma_semaphore, #tpu.memory_space<semaphore_mem>>) src(%arg22 : memref<512x32xf32, #tpu.memory_space<vmem>>) dst(%dma_wait3A_64 : memref<100000x32xf32, #tpu.memory_space<hbm>>)
        %dma_start3A_65 = arith.constant 0 : i32
        %dma_start3A_66 = tpu.memref_slice %arg20[%scan3A_31, %dma_start3A_65] : memref<32x512xi32, #tpu.memory_space<vmem>> -> memref<1x512xi32, #tpu.memory_space<vmem>>
        %dma_start3A_67 = tpu.memref_squeeze %dma_start3A_66 : memref<1x512xi32, #tpu.memory_space<vmem>> -> memref<512xi32, #tpu.memory_space<vmem>>
        %dma_start3A_68 = arith.constant 0 : i32
        %dma_start3A_69 = tpu.memref_slice %arg4[%dma_start3A_68] : memref<16384xf32, #tpu.memory_space<hbm>> -> memref<16384xf32, #tpu.memory_space<hbm>>
        tpu.enqueue_indirect_dma source(%dma_start3A_69 : memref<16384xf32, #tpu.memory_space<hbm>>) target(%arg23 : memref<512xf32, #tpu.memory_space<vmem>>) offsets(%dma_start3A_67 : memref<512xi32, #tpu.memory_space<vmem>>) semaphore(%arg25 : memref<!tpu.dma_semaphore, #tpu.memory_space<semaphore_mem>>)
        %dma_wait3A_70 = arith.constant 0 : i32
        %dma_wait3A_71 = tpu.memref_slice %arg20[%scan3A_31, %dma_wait3A_70] : memref<32x512xi32, #tpu.memory_space<vmem>> -> memref<1x512xi32, #tpu.memory_space<vmem>>
        %dma_wait3A_72 = tpu.memref_squeeze %dma_wait3A_71 : memref<1x512xi32, #tpu.memory_space<vmem>> -> memref<512xi32, #tpu.memory_space<vmem>>
        %dma_wait3A_73 = arith.constant 0 : i32
        %dma_wait3A_74 = tpu.memref_slice %arg4[%dma_wait3A_73] : memref<16384xf32, #tpu.memory_space<hbm>> -> memref<16384xf32, #tpu.memory_space<hbm>>
        tpu.wait_indirect_dma semaphore(%arg25 : memref<!tpu.dma_semaphore, #tpu.memory_space<semaphore_mem>>) src(%dma_wait3A_74 : memref<16384xf32, #tpu.memory_space<hbm>>) dst(%arg23 : memref<512xf32, #tpu.memory_space<vmem>>)
        %dma_start3A_75 = arith.constant 0 : i32
        %dma_start3A_76 = tpu.memref_slice %arg21[%scan3A_31, %dma_start3A_75] : memref<32x512xi32, #tpu.memory_space<vmem>> -> memref<1x512xi32, #tpu.memory_space<vmem>>
        %dma_start3A_77 = tpu.memref_squeeze %dma_start3A_76 : memref<1x512xi32, #tpu.memory_space<vmem>> -> memref<512xi32, #tpu.memory_space<vmem>>
        %dma_start3A_78 = arith.constant 0 : i32
        %dma_start3A_79 = tpu.memref_slice %arg13[%dma_start3A_78] : memref<100000xf32, #tpu.memory_space<hbm>> -> memref<100000xf32, #tpu.memory_space<hbm>>
        tpu.enqueue_indirect_dma source(%arg23 : memref<512xf32, #tpu.memory_space<vmem>>) target(%dma_start3A_79 : memref<100000xf32, #tpu.memory_space<hbm>>) offsets(%dma_start3A_77 : memref<512xi32, #tpu.memory_space<vmem>>) semaphore(%arg25 : memref<!tpu.dma_semaphore, #tpu.memory_space<semaphore_mem>>)
        %dma_wait3A_80 = arith.constant 0 : i32
        %dma_wait3A_81 = tpu.memref_slice %arg21[%scan3A_31, %dma_wait3A_80] : memref<32x512xi32, #tpu.memory_space<vmem>> -> memref<1x512xi32, #tpu.memory_space<vmem>>
        %dma_wait3A_82 = tpu.memref_squeeze %dma_wait3A_81 : memref<1x512xi32, #tpu.memory_space<vmem>> -> memref<512xi32, #tpu.memory_space<vmem>>
        %dma_wait3A_83 = arith.constant 0 : i32
        %dma_wait3A_84 = tpu.memref_slice %arg13[%dma_wait3A_83] : memref<100000xf32, #tpu.memory_space<hbm>> -> memref<100000xf32, #tpu.memory_space<hbm>>
        tpu.wait_indirect_dma semaphore(%arg25 : memref<!tpu.dma_semaphore, #tpu.memory_space<semaphore_mem>>) src(%arg23 : memref<512xf32, #tpu.memory_space<vmem>>) dst(%dma_wait3A_84 : memref<100000xf32, #tpu.memory_space<hbm>>)
      } else {
      }
      %scan3A_42 = arith.constant 0 : i32
      scf.yield %scan3A_42 : i32
    }
    %scan3A_30 = arith.constant 32 : i32
    return
  }
}

module attributes {stable_mosaic.version = 14 : i64} {
  func.func @_dense_body(%arg0: i32, %arg1: memref<1024x128xf32, #tpu.memory_space<vmem>>, %arg2: memref<1024x128xf32, #tpu.memory_space<vmem>>, %arg3: memref<1024x1xi32, #tpu.memory_space<vmem>>, %arg4: memref<1024x1xi32, #tpu.memory_space<vmem>>, %arg5: memref<1024x1xf32, #tpu.memory_space<vmem>>, %arg6: memref<1024x1xf32, #tpu.memory_space<vmem>>, %arg7: memref<1024x1xf32, #tpu.memory_space<vmem>>, %arg8: memref<1024x16xf32, #tpu.memory_space<vmem>>, %arg9: memref<32x32xf32, #tpu.memory_space<vmem>>, %arg10: memref<32x32xf32, #tpu.memory_space<vmem>>, %arg11: memref<32x32xf32, #tpu.memory_space<vmem>>, %arg12: memref<32x32xf32, #tpu.memory_space<vmem>>, %arg13: memref<16x32xf32, #tpu.memory_space<vmem>>, %arg14: memref<1x32xf32, #tpu.memory_space<vmem>>, %arg15: memref<1x32xf32, #tpu.memory_space<vmem>>, %arg16: memref<1x32xf32, #tpu.memory_space<vmem>>, %arg17: memref<32x32xf32, #tpu.memory_space<vmem>>, %arg18: memref<32x32xf32, #tpu.memory_space<vmem>>, %arg19: memref<32x32xf32, #tpu.memory_space<vmem>>, %arg20: memref<32x32xf32, #tpu.memory_space<vmem>>, %arg21: memref<16x32xf32, #tpu.memory_space<vmem>>, %arg22: memref<1x32xf32, #tpu.memory_space<vmem>>, %arg23: memref<1x32xf32, #tpu.memory_space<vmem>>, %arg24: memref<1x32xf32, #tpu.memory_space<vmem>>, %arg25: memref<1x32xf32, #tpu.memory_space<vmem>>, %arg26: memref<1x32xf32, #tpu.memory_space<vmem>>, %arg27: memref<1024x32xf32, #tpu.memory_space<vmem>>, %arg28: memref<1024x32xf32, #tpu.memory_space<vmem>>) attributes {dimension_semantics = [#tpu.dimension_semantics<arbitrary>], iteration_bounds = array<i64: 16>, scalar_prefetch = 0 : i64, scratch_operands = 0 : i64, tpu.core_type = #tpu.core_type<tc>, window_params = [{transform_indices = @transform_0, window_bounds = array<i64: 1024, 128>}, {transform_indices = @transform_1, window_bounds = array<i64: 1024, 128>}, {transform_indices = @transform_2, window_bounds = array<i64: 1024, 1>}, {transform_indices = @transform_3, window_bounds = array<i64: 1024, 1>}, {transform_indices = @transform_4, window_bounds = array<i64: 1024, 1>}, {transform_indices = @transform_5, window_bounds = array<i64: 1024, 1>}, {transform_indices = @transform_6, window_bounds = array<i64: 1024, 1>}, {transform_indices = @transform_7, window_bounds = array<i64: 1024, 16>}, {pipeline_mode = #tpu.pipeline_mode<synchronous>, transform_indices = @transform_8, window_bounds = array<i64: 32, 32>}, {pipeline_mode = #tpu.pipeline_mode<synchronous>, transform_indices = @transform_9, window_bounds = array<i64: 32, 32>}, {pipeline_mode = #tpu.pipeline_mode<synchronous>, transform_indices = @transform_10, window_bounds = array<i64: 32, 32>}, {pipeline_mode = #tpu.pipeline_mode<synchronous>, transform_indices = @transform_11, window_bounds = array<i64: 32, 32>}, {pipeline_mode = #tpu.pipeline_mode<synchronous>, transform_indices = @transform_12, window_bounds = array<i64: 16, 32>}, {pipeline_mode = #tpu.pipeline_mode<synchronous>, transform_indices = @transform_13, window_bounds = array<i64: 1, 32>}, {pipeline_mode = #tpu.pipeline_mode<synchronous>, transform_indices = @transform_14, window_bounds = array<i64: 1, 32>}, {pipeline_mode = #tpu.pipeline_mode<synchronous>, transform_indices = @transform_15, window_bounds = array<i64: 1, 32>}, {pipeline_mode = #tpu.pipeline_mode<synchronous>, transform_indices = @transform_16, window_bounds = array<i64: 32, 32>}, {pipeline_mode = #tpu.pipeline_mode<synchronous>, transform_indices = @transform_17, window_bounds = array<i64: 32, 32>}, {pipeline_mode = #tpu.pipeline_mode<synchronous>, transform_indices = @transform_18, window_bounds = array<i64: 32, 32>}, {pipeline_mode = #tpu.pipeline_mode<synchronous>, transform_indices = @transform_19, window_bounds = array<i64: 32, 32>}, {pipeline_mode = #tpu.pipeline_mode<synchronous>, transform_indices = @transform_20, window_bounds = array<i64: 16, 32>}, {pipeline_mode = #tpu.pipeline_mode<synchronous>, transform_indices = @transform_21, window_bounds = array<i64: 1, 32>}, {pipeline_mode = #tpu.pipeline_mode<synchronous>, transform_indices = @transform_22, window_bounds = array<i64: 1, 32>}, {pipeline_mode = #tpu.pipeline_mode<synchronous>, transform_indices = @transform_23, window_bounds = array<i64: 1, 32>}, {pipeline_mode = #tpu.pipeline_mode<synchronous>, transform_indices = @transform_24, window_bounds = array<i64: 1, 32>}, {pipeline_mode = #tpu.pipeline_mode<synchronous>, transform_indices = @transform_25, window_bounds = array<i64: 1, 32>}, {transform_indices = @transform_26, window_bounds = array<i64: 1024, 32>}, {transform_indices = @transform_27, window_bounds = array<i64: 1024, 32>}]} {
    %get3A = arith.constant 0 : index
    %get3A_0 = arith.constant 0 : index
    %get3A_1 = vector.load %arg3[%get3A, %get3A_0] : memref<1024x1xi32, #tpu.memory_space<vmem>>, vector<1024x1xi32>
    %gt3A = arith.constant 0 : i32
    %gt3A_2 = vector.broadcast %gt3A : i32 to vector<1024x1xi32>
    %gt3A_3 = arith.cmpi sgt, %get3A_1, %gt3A_2 : vector<1024x1xi32>
    %get3A_4 = arith.constant 0 : index
    %get3A_5 = arith.constant 64 : index
    %get3A_6 = vector.load %arg1[%get3A_4, %get3A_5] : memref<1024x128xf32, #tpu.memory_space<vmem>>, vector<1024x32xf32>
    %get3A_7 = arith.constant 0 : index
    %get3A_8 = arith.constant 0 : index
    %get3A_9 = vector.load %arg1[%get3A_7, %get3A_8] : memref<1024x128xf32, #tpu.memory_space<vmem>>, vector<1024x32xf32>
    %broadcast_in_dim3A = vector.shape_cast %gt3A_3 : vector<1024x1xi1> to vector<1024x1xi1>
    %broadcast_in_dim3A_10 = vector.broadcast %broadcast_in_dim3A : vector<1024x1xi1> to vector<1024x32xi1>
    %select_n3A = arith.select %broadcast_in_dim3A_10, %get3A_6, %get3A_9 : vector<1024x32xi1>, vector<1024x32xf32>
    %get3A_11 = arith.constant 0 : index
    %get3A_12 = arith.constant 96 : index
    %get3A_13 = vector.load %arg1[%get3A_11, %get3A_12] : memref<1024x128xf32, #tpu.memory_space<vmem>>, vector<1024x32xf32>
    %get3A_14 = arith.constant 0 : index
    %get3A_15 = arith.constant 32 : index
    %get3A_16 = vector.load %arg1[%get3A_14, %get3A_15] : memref<1024x128xf32, #tpu.memory_space<vmem>>, vector<1024x32xf32>
    %broadcast_in_dim3A_17 = vector.shape_cast %gt3A_3 : vector<1024x1xi1> to vector<1024x1xi1>
    %broadcast_in_dim3A_18 = vector.broadcast %broadcast_in_dim3A_17 : vector<1024x1xi1> to vector<1024x32xi1>
    %select_n3A_19 = arith.select %broadcast_in_dim3A_18, %get3A_13, %get3A_16 : vector<1024x32xi1>, vector<1024x32xf32>
    %get3A_20 = arith.constant 0 : index
    %get3A_21 = arith.constant 0 : index
    %get3A_22 = vector.load %arg4[%get3A_20, %get3A_21] : memref<1024x1xi32, #tpu.memory_space<vmem>>, vector<1024x1xi32>
    %gt3A_23 = arith.constant 0 : i32
    %gt3A_24 = vector.broadcast %gt3A_23 : i32 to vector<1024x1xi32>
    %gt3A_25 = arith.cmpi sgt, %get3A_22, %gt3A_24 : vector<1024x1xi32>
    %get3A_26 = arith.constant 0 : index
    %get3A_27 = arith.constant 64 : index
    %get3A_28 = vector.load %arg2[%get3A_26, %get3A_27] : memref<1024x128xf32, #tpu.memory_space<vmem>>, vector<1024x32xf32>
    %get3A_29 = arith.constant 0 : index
    %get3A_30 = arith.constant 0 : index
    %get3A_31 = vector.load %arg2[%get3A_29, %get3A_30] : memref<1024x128xf32, #tpu.memory_space<vmem>>, vector<1024x32xf32>
    %broadcast_in_dim3A_32 = vector.shape_cast %gt3A_25 : vector<1024x1xi1> to vector<1024x1xi1>
    %broadcast_in_dim3A_33 = vector.broadcast %broadcast_in_dim3A_32 : vector<1024x1xi1> to vector<1024x32xi1>
    %select_n3A_34 = arith.select %broadcast_in_dim3A_33, %get3A_28, %get3A_31 : vector<1024x32xi1>, vector<1024x32xf32>
    %get3A_35 = arith.constant 0 : index
    %get3A_36 = arith.constant 96 : index
    %get3A_37 = vector.load %arg2[%get3A_35, %get3A_36] : memref<1024x128xf32, #tpu.memory_space<vmem>>, vector<1024x32xf32>
    %get3A_38 = arith.constant 0 : index
    %get3A_39 = arith.constant 32 : index
    %get3A_40 = vector.load %arg2[%get3A_38, %get3A_39] : memref<1024x128xf32, #tpu.memory_space<vmem>>, vector<1024x32xf32>
    %broadcast_in_dim3A_41 = vector.shape_cast %gt3A_25 : vector<1024x1xi1> to vector<1024x1xi1>
    %broadcast_in_dim3A_42 = vector.broadcast %broadcast_in_dim3A_41 : vector<1024x1xi1> to vector<1024x32xi1>
    %select_n3A_43 = arith.select %broadcast_in_dim3A_42, %get3A_37, %get3A_40 : vector<1024x32xi1>, vector<1024x32xf32>
    %get3A_44 = arith.constant 0 : index
    %get3A_45 = arith.constant 0 : index
    %get3A_46 = vector.load %arg7[%get3A_44, %get3A_45] : memref<1024x1xf32, #tpu.memory_space<vmem>>, vector<1024x1xf32>
    %get3A_47 = arith.constant 0 : index
    %get3A_48 = arith.constant 0 : index
    %get3A_49 = vector.load %arg5[%get3A_47, %get3A_48] : memref<1024x1xf32, #tpu.memory_space<vmem>>, vector<1024x1xf32>
    %sub3A = arith.subf %get3A_46, %get3A_49 : vector<1024x1xf32>
    %get3A_50 = arith.constant 0 : index
    %get3A_51 = arith.constant 0 : index
    %get3A_52 = vector.load %arg7[%get3A_50, %get3A_51] : memref<1024x1xf32, #tpu.memory_space<vmem>>, vector<1024x1xf32>
    %get3A_53 = arith.constant 0 : index
    %get3A_54 = arith.constant 0 : index
    %get3A_55 = vector.load %arg6[%get3A_53, %get3A_54] : memref<1024x1xf32, #tpu.memory_space<vmem>>, vector<1024x1xf32>
    %sub3A_56 = arith.subf %get3A_52, %get3A_55 : vector<1024x1xf32>
    %max3A = arith.constant 0.000000e+00 : f32
    %max3A_57 = vector.broadcast %max3A : f32 to vector<1024x1xf32>
    %max3A_58 = arith.maximumf %sub3A, %max3A_57 : vector<1024x1xf32>
    %log1p3A = math.log1p %max3A_58 : vector<1024x1xf32>
    %max3A_59 = arith.constant 0.000000e+00 : f32
    %max3A_60 = vector.broadcast %max3A_59 : f32 to vector<1024x1xf32>
    %max3A_61 = arith.maximumf %sub3A_56, %max3A_60 : vector<1024x1xf32>
    %log1p3A_62 = math.log1p %max3A_61 : vector<1024x1xf32>
    %get3A_63 = arith.constant 0 : index
    %get3A_64 = arith.constant 0 : index
    %get3A_65 = vector.load %arg25[%get3A_63, %get3A_64] : memref<1x32xf32, #tpu.memory_space<vmem>>, vector<1x32xf32>
    %mul3A = vector.broadcast %sub3A : vector<1024x1xf32> to vector<1024x32xf32>
    %mul3A_66 = vector.broadcast %get3A_65 : vector<1x32xf32> to vector<1024x32xf32>
    %mul3A_67 = arith.mulf %mul3A, %mul3A_66 : vector<1024x32xf32>
    %add3A = arith.constant 1.000000e+00 : f32
    %add3A_68 = vector.broadcast %add3A : f32 to vector<1024x32xf32>
    %add3A_69 = arith.addf %add3A_68, %mul3A_67 : vector<1024x32xf32>
    %mul3A_70 = arith.mulf %select_n3A, %add3A_69 : vector<1024x32xf32>
    %get3A_71 = arith.constant 0 : index
    %get3A_72 = arith.constant 0 : index
    %get3A_73 = vector.load %arg26[%get3A_71, %get3A_72] : memref<1x32xf32, #tpu.memory_space<vmem>>, vector<1x32xf32>
    %mul3A_74 = vector.broadcast %sub3A_56 : vector<1024x1xf32> to vector<1024x32xf32>
    %mul3A_75 = vector.broadcast %get3A_73 : vector<1x32xf32> to vector<1024x32xf32>
    %mul3A_76 = arith.mulf %mul3A_74, %mul3A_75 : vector<1024x32xf32>
    %add3A_77 = arith.constant 1.000000e+00 : f32
    %add3A_78 = vector.broadcast %add3A_77 : f32 to vector<1024x32xf32>
    %add3A_79 = arith.addf %add3A_78, %mul3A_76 : vector<1024x32xf32>
    %mul3A_80 = arith.mulf %select_n3A_34, %add3A_79 : vector<1024x32xf32>
    %get3A_81 = arith.constant 0 : index
    %get3A_82 = arith.constant 0 : index
    %get3A_83 = vector.load %arg9[%get3A_81, %get3A_82] : memref<32x32xf32, #tpu.memory_space<vmem>>, vector<32x32xf32>
    %dot_general3A = arith.constant dense<0.000000e+00> : vector<1024x32xf32>
    %dot_general3A_84 = tpu.matmul %mul3A_70, %get3A_83, %dot_general3A {dimension_numbers = #tpu.dot_dimension_numbers<[1], [0], [0], [1], [0, 0, 1, 1], [], []>, precision = #tpu.contract_precision<fp32>, transpose_lhs_hint = false} : vector<1024x32xf32>, vector<32x32xf32>, vector<1024x32xf32> -> vector<1024x32xf32>
    %get3A_85 = arith.constant 0 : index
    %get3A_86 = arith.constant 0 : index
    %get3A_87 = vector.load %arg10[%get3A_85, %get3A_86] : memref<32x32xf32, #tpu.memory_space<vmem>>, vector<32x32xf32>
    %dot_general3A_88 = arith.constant dense<0.000000e+00> : vector<1024x32xf32>
    %dot_general3A_89 = tpu.matmul %mul3A_80, %get3A_87, %dot_general3A_88 {dimension_numbers = #tpu.dot_dimension_numbers<[1], [0], [0], [1], [0, 0, 1, 1], [], []>, precision = #tpu.contract_precision<fp32>, transpose_lhs_hint = false} : vector<1024x32xf32>, vector<32x32xf32>, vector<1024x32xf32> -> vector<1024x32xf32>
    %add3A_90 = arith.addf %dot_general3A_84, %dot_general3A_89 : vector<1024x32xf32>
    %get3A_91 = arith.constant 0 : index
    %get3A_92 = arith.constant 0 : index
    %get3A_93 = vector.load %arg11[%get3A_91, %get3A_92] : memref<32x32xf32, #tpu.memory_space<vmem>>, vector<32x32xf32>
    %dot_general3A_94 = arith.constant dense<0.000000e+00> : vector<1024x32xf32>
    %dot_general3A_95 = tpu.matmul %select_n3A_19, %get3A_93, %dot_general3A_94 {dimension_numbers = #tpu.dot_dimension_numbers<[1], [0], [0], [1], [0, 0, 1, 1], [], []>, precision = #tpu.contract_precision<fp32>, transpose_lhs_hint = false} : vector<1024x32xf32>, vector<32x32xf32>, vector<1024x32xf32> -> vector<1024x32xf32>
    %add3A_96 = arith.addf %add3A_90, %dot_general3A_95 : vector<1024x32xf32>
    %get3A_97 = arith.constant 0 : index
    %get3A_98 = arith.constant 0 : index
    %get3A_99 = vector.load %arg12[%get3A_97, %get3A_98] : memref<32x32xf32, #tpu.memory_space<vmem>>, vector<32x32xf32>
    %dot_general3A_100 = arith.constant dense<0.000000e+00> : vector<1024x32xf32>
    %dot_general3A_101 = tpu.matmul %select_n3A_43, %get3A_99, %dot_general3A_100 {dimension_numbers = #tpu.dot_dimension_numbers<[1], [0], [0], [1], [0, 0, 1, 1], [], []>, precision = #tpu.contract_precision<fp32>, transpose_lhs_hint = false} : vector<1024x32xf32>, vector<32x32xf32>, vector<1024x32xf32> -> vector<1024x32xf32>
    %add3A_102 = arith.addf %add3A_96, %dot_general3A_101 : vector<1024x32xf32>
    %get3A_103 = arith.constant 0 : index
    %get3A_104 = arith.constant 0 : index
    %get3A_105 = vector.load %arg8[%get3A_103, %get3A_104] : memref<1024x16xf32, #tpu.memory_space<vmem>>, vector<1024x16xf32>
    %get3A_106 = arith.constant 0 : index
    %get3A_107 = arith.constant 0 : index
    %get3A_108 = vector.load %arg13[%get3A_106, %get3A_107] : memref<16x32xf32, #tpu.memory_space<vmem>>, vector<16x32xf32>
    %dot_general3A_109 = arith.constant dense<0.000000e+00> : vector<1024x32xf32>
    %dot_general3A_110 = tpu.matmul %get3A_105, %get3A_108, %dot_general3A_109 {dimension_numbers = #tpu.dot_dimension_numbers<[1], [0], [0], [1], [0, 0, 1, 1], [], []>, precision = #tpu.contract_precision<fp32>, transpose_lhs_hint = false} : vector<1024x16xf32>, vector<16x32xf32>, vector<1024x32xf32> -> vector<1024x32xf32>
    %add3A_111 = arith.addf %add3A_102, %dot_general3A_110 : vector<1024x32xf32>
    %get3A_112 = arith.constant 0 : index
    %get3A_113 = arith.constant 0 : index
    %get3A_114 = vector.load %arg14[%get3A_112, %get3A_113] : memref<1x32xf32, #tpu.memory_space<vmem>>, vector<1x32xf32>
    %mul3A_115 = vector.broadcast %log1p3A : vector<1024x1xf32> to vector<1024x32xf32>
    %mul3A_116 = vector.broadcast %get3A_114 : vector<1x32xf32> to vector<1024x32xf32>
    %mul3A_117 = arith.mulf %mul3A_115, %mul3A_116 : vector<1024x32xf32>
    %add3A_118 = arith.addf %add3A_111, %mul3A_117 : vector<1024x32xf32>
    %get3A_119 = arith.constant 0 : index
    %get3A_120 = arith.constant 0 : index
    %get3A_121 = vector.load %arg15[%get3A_119, %get3A_120] : memref<1x32xf32, #tpu.memory_space<vmem>>, vector<1x32xf32>
    %mul3A_122 = vector.broadcast %log1p3A_62 : vector<1024x1xf32> to vector<1024x32xf32>
    %mul3A_123 = vector.broadcast %get3A_121 : vector<1x32xf32> to vector<1024x32xf32>
    %mul3A_124 = arith.mulf %mul3A_122, %mul3A_123 : vector<1024x32xf32>
    %add3A_125 = arith.addf %add3A_118, %mul3A_124 : vector<1024x32xf32>
    %get3A_126 = arith.constant 0 : index
    %get3A_127 = arith.constant 0 : index
    %get3A_128 = vector.load %arg16[%get3A_126, %get3A_127] : memref<1x32xf32, #tpu.memory_space<vmem>>, vector<1x32xf32>
    %add3A_129 = vector.broadcast %get3A_128 : vector<1x32xf32> to vector<1024x32xf32>
    %add3A_130 = arith.addf %add3A_125, %add3A_129 : vector<1024x32xf32>
    %get3A_131 = arith.constant 0 : index
    %get3A_132 = arith.constant 0 : index
    %get3A_133 = vector.load %arg17[%get3A_131, %get3A_132] : memref<32x32xf32, #tpu.memory_space<vmem>>, vector<32x32xf32>
    %dot_general3A_134 = arith.constant dense<0.000000e+00> : vector<1024x32xf32>
    %dot_general3A_135 = tpu.matmul %mul3A_80, %get3A_133, %dot_general3A_134 {dimension_numbers = #tpu.dot_dimension_numbers<[1], [0], [0], [1], [0, 0, 1, 1], [], []>, precision = #tpu.contract_precision<fp32>, transpose_lhs_hint = false} : vector<1024x32xf32>, vector<32x32xf32>, vector<1024x32xf32> -> vector<1024x32xf32>
    %get3A_136 = arith.constant 0 : index
    %get3A_137 = arith.constant 0 : index
    %get3A_138 = vector.load %arg18[%get3A_136, %get3A_137] : memref<32x32xf32, #tpu.memory_space<vmem>>, vector<32x32xf32>
    %dot_general3A_139 = arith.constant dense<0.000000e+00> : vector<1024x32xf32>
    %dot_general3A_140 = tpu.matmul %mul3A_70, %get3A_138, %dot_general3A_139 {dimension_numbers = #tpu.dot_dimension_numbers<[1], [0], [0], [1], [0, 0, 1, 1], [], []>, precision = #tpu.contract_precision<fp32>, transpose_lhs_hint = false} : vector<1024x32xf32>, vector<32x32xf32>, vector<1024x32xf32> -> vector<1024x32xf32>
    %add3A_141 = arith.addf %dot_general3A_135, %dot_general3A_140 : vector<1024x32xf32>
    %get3A_142 = arith.constant 0 : index
    %get3A_143 = arith.constant 0 : index
    %get3A_144 = vector.load %arg19[%get3A_142, %get3A_143] : memref<32x32xf32, #tpu.memory_space<vmem>>, vector<32x32xf32>
    %dot_general3A_145 = arith.constant dense<0.000000e+00> : vector<1024x32xf32>
    %dot_general3A_146 = tpu.matmul %select_n3A_43, %get3A_144, %dot_general3A_145 {dimension_numbers = #tpu.dot_dimension_numbers<[1], [0], [0], [1], [0, 0, 1, 1], [], []>, precision = #tpu.contract_precision<fp32>, transpose_lhs_hint = false} : vector<1024x32xf32>, vector<32x32xf32>, vector<1024x32xf32> -> vector<1024x32xf32>
    %add3A_147 = arith.addf %add3A_141, %dot_general3A_146 : vector<1024x32xf32>
    %get3A_148 = arith.constant 0 : index
    %get3A_149 = arith.constant 0 : index
    %get3A_150 = vector.load %arg20[%get3A_148, %get3A_149] : memref<32x32xf32, #tpu.memory_space<vmem>>, vector<32x32xf32>
    %dot_general3A_151 = arith.constant dense<0.000000e+00> : vector<1024x32xf32>
    %dot_general3A_152 = tpu.matmul %select_n3A_19, %get3A_150, %dot_general3A_151 {dimension_numbers = #tpu.dot_dimension_numbers<[1], [0], [0], [1], [0, 0, 1, 1], [], []>, precision = #tpu.contract_precision<fp32>, transpose_lhs_hint = false} : vector<1024x32xf32>, vector<32x32xf32>, vector<1024x32xf32> -> vector<1024x32xf32>
    %add3A_153 = arith.addf %add3A_147, %dot_general3A_152 : vector<1024x32xf32>
    %get3A_154 = arith.constant 0 : index
    %get3A_155 = arith.constant 0 : index
    %get3A_156 = vector.load %arg8[%get3A_154, %get3A_155] : memref<1024x16xf32, #tpu.memory_space<vmem>>, vector<1024x16xf32>
    %get3A_157 = arith.constant 0 : index
    %get3A_158 = arith.constant 0 : index
    %get3A_159 = vector.load %arg21[%get3A_157, %get3A_158] : memref<16x32xf32, #tpu.memory_space<vmem>>, vector<16x32xf32>
    %dot_general3A_160 = arith.constant dense<0.000000e+00> : vector<1024x32xf32>
    %dot_general3A_161 = tpu.matmul %get3A_156, %get3A_159, %dot_general3A_160 {dimension_numbers = #tpu.dot_dimension_numbers<[1], [0], [0], [1], [0, 0, 1, 1], [], []>, precision = #tpu.contract_precision<fp32>, transpose_lhs_hint = false} : vector<1024x16xf32>, vector<16x32xf32>, vector<1024x32xf32> -> vector<1024x32xf32>
    %add3A_162 = arith.addf %add3A_153, %dot_general3A_161 : vector<1024x32xf32>
    %get3A_163 = arith.constant 0 : index
    %get3A_164 = arith.constant 0 : index
    %get3A_165 = vector.load %arg22[%get3A_163, %get3A_164] : memref<1x32xf32, #tpu.memory_space<vmem>>, vector<1x32xf32>
    %mul3A_166 = vector.broadcast %log1p3A_62 : vector<1024x1xf32> to vector<1024x32xf32>
    %mul3A_167 = vector.broadcast %get3A_165 : vector<1x32xf32> to vector<1024x32xf32>
    %mul3A_168 = arith.mulf %mul3A_166, %mul3A_167 : vector<1024x32xf32>
    %add3A_169 = arith.addf %add3A_162, %mul3A_168 : vector<1024x32xf32>
    %get3A_170 = arith.constant 0 : index
    %get3A_171 = arith.constant 0 : index
    %get3A_172 = vector.load %arg23[%get3A_170, %get3A_171] : memref<1x32xf32, #tpu.memory_space<vmem>>, vector<1x32xf32>
    %mul3A_173 = vector.broadcast %log1p3A : vector<1024x1xf32> to vector<1024x32xf32>
    %mul3A_174 = vector.broadcast %get3A_172 : vector<1x32xf32> to vector<1024x32xf32>
    %mul3A_175 = arith.mulf %mul3A_173, %mul3A_174 : vector<1024x32xf32>
    %add3A_176 = arith.addf %add3A_169, %mul3A_175 : vector<1024x32xf32>
    %get3A_177 = arith.constant 0 : index
    %get3A_178 = arith.constant 0 : index
    %get3A_179 = vector.load %arg24[%get3A_177, %get3A_178] : memref<1x32xf32, #tpu.memory_space<vmem>>, vector<1x32xf32>
    %add3A_180 = vector.broadcast %get3A_179 : vector<1x32xf32> to vector<1024x32xf32>
    %add3A_181 = arith.addf %add3A_176, %add3A_180 : vector<1024x32xf32>
    %tanh3A = math.tanh %add3A_130 : vector<1024x32xf32>
    %tanh3A_182 = math.tanh %add3A_181 : vector<1024x32xf32>
    %mul3A_183 = arith.mulf %tanh3A, %tanh3A : vector<1024x32xf32>
    %reduce_sum3A = arith.constant dense<0.000000e+00> : vector<1024xf32>
    %reduce_sum3A_184 = vector.multi_reduction <add>, %mul3A_183, %reduce_sum3A [1] : vector<1024x32xf32> to vector<1024xf32>
    %broadcast_in_dim3A_185 = vector.shape_cast %reduce_sum3A_184 : vector<1024xf32> to vector<1024x1xf32>
    %sqrt3A = math.sqrt %broadcast_in_dim3A_185 : vector<1024x1xf32>
    %max3A_186 = arith.constant 9.99999996E-13 : f32
    %max3A_187 = vector.broadcast %max3A_186 : f32 to vector<1024x1xf32>
    %max3A_188 = arith.maximumf %sqrt3A, %max3A_187 : vector<1024x1xf32>
    %div3A = vector.broadcast %max3A_188 : vector<1024x1xf32> to vector<1024x32xf32>
    %div3A_189 = arith.divf %tanh3A, %div3A : vector<1024x32xf32>
    %mul3A_190 = arith.mulf %tanh3A_182, %tanh3A_182 : vector<1024x32xf32>
    %reduce_sum3A_191 = arith.constant dense<0.000000e+00> : vector<1024xf32>
    %reduce_sum3A_192 = vector.multi_reduction <add>, %mul3A_190, %reduce_sum3A_191 [1] : vector<1024x32xf32> to vector<1024xf32>
    %broadcast_in_dim3A_193 = vector.shape_cast %reduce_sum3A_192 : vector<1024xf32> to vector<1024x1xf32>
    %sqrt3A_194 = math.sqrt %broadcast_in_dim3A_193 : vector<1024x1xf32>
    %max3A_195 = arith.constant 9.99999996E-13 : f32
    %max3A_196 = vector.broadcast %max3A_195 : f32 to vector<1024x1xf32>
    %max3A_197 = arith.maximumf %sqrt3A_194, %max3A_196 : vector<1024x1xf32>
    %div3A_198 = vector.broadcast %max3A_197 : vector<1024x1xf32> to vector<1024x32xf32>
    %div3A_199 = arith.divf %tanh3A_182, %div3A_198 : vector<1024x32xf32>
    %swap3A = arith.constant 0 : index
    %swap3A_200 = arith.constant 0 : index
    %swap3A_201 = vector.load %arg27[%swap3A, %swap3A_200] : memref<1024x32xf32, #tpu.memory_space<vmem>>, vector<1024x32xf32>
    tpu.vector_store %arg27[%swap3A, %swap3A_200], %div3A_189 {strides = array<i32>} : memref<1024x32xf32, #tpu.memory_space<vmem>>, vector<1024x32xf32>,
    %swap3A_202 = arith.constant 0 : index
    %swap3A_203 = arith.constant 0 : index
    %swap3A_204 = vector.load %arg28[%swap3A_202, %swap3A_203] : memref<1024x32xf32, #tpu.memory_space<vmem>>, vector<1024x32xf32>
    tpu.vector_store %arg28[%swap3A_202, %swap3A_203], %div3A_199 {strides = array<i32>} : memref<1024x32xf32, #tpu.memory_space<vmem>>, vector<1024x32xf32>,
    return
  }
  func.func @transform_0(%arg0: i32) -> (i32, i32) {
    %c0_i32 = arith.constant 0 : i32
    %c0_i32_0 = arith.constant 0 : i32
    return %arg0, %c0_i32 : i32, i32
  }
  func.func @transform_1(%arg0: i32) -> (i32, i32) {
    %c0_i32 = arith.constant 0 : i32
    %c0_i32_0 = arith.constant 0 : i32
    return %arg0, %c0_i32 : i32, i32
  }
  func.func @transform_2(%arg0: i32) -> (i32, i32) {
    %c0_i32 = arith.constant 0 : i32
    %c0_i32_0 = arith.constant 0 : i32
    return %arg0, %c0_i32 : i32, i32
  }
  func.func @transform_3(%arg0: i32) -> (i32, i32) {
    %c0_i32 = arith.constant 0 : i32
    %c0_i32_0 = arith.constant 0 : i32
    return %arg0, %c0_i32 : i32, i32
  }
  func.func @transform_4(%arg0: i32) -> (i32, i32) {
    %c0_i32 = arith.constant 0 : i32
    %c0_i32_0 = arith.constant 0 : i32
    return %arg0, %c0_i32 : i32, i32
  }
  func.func @transform_5(%arg0: i32) -> (i32, i32) {
    %c0_i32 = arith.constant 0 : i32
    %c0_i32_0 = arith.constant 0 : i32
    return %arg0, %c0_i32 : i32, i32
  }
  func.func @transform_6(%arg0: i32) -> (i32, i32) {
    %c0_i32 = arith.constant 0 : i32
    %c0_i32_0 = arith.constant 0 : i32
    return %arg0, %c0_i32 : i32, i32
  }
  func.func @transform_7(%arg0: i32) -> (i32, i32) {
    %c0_i32 = arith.constant 0 : i32
    %c0_i32_0 = arith.constant 0 : i32
    return %arg0, %c0_i32 : i32, i32
  }
  func.func @transform_8(%arg0: i32) -> (i32, i32) {
    %c0_i32 = arith.constant 0 : i32
    %c0_i32_0 = arith.constant 0 : i32
    %c0_i32_1 = arith.constant 0 : i32
    return %c0_i32, %c0_i32_0 : i32, i32
  }
  func.func @transform_9(%arg0: i32) -> (i32, i32) {
    %c0_i32 = arith.constant 0 : i32
    %c0_i32_0 = arith.constant 0 : i32
    %c0_i32_1 = arith.constant 0 : i32
    return %c0_i32, %c0_i32_0 : i32, i32
  }
  func.func @transform_10(%arg0: i32) -> (i32, i32) {
    %c0_i32 = arith.constant 0 : i32
    %c0_i32_0 = arith.constant 0 : i32
    %c0_i32_1 = arith.constant 0 : i32
    return %c0_i32, %c0_i32_0 : i32, i32
  }
  func.func @transform_11(%arg0: i32) -> (i32, i32) {
    %c0_i32 = arith.constant 0 : i32
    %c0_i32_0 = arith.constant 0 : i32
    %c0_i32_1 = arith.constant 0 : i32
    return %c0_i32, %c0_i32_0 : i32, i32
  }
  func.func @transform_12(%arg0: i32) -> (i32, i32) {
    %c0_i32 = arith.constant 0 : i32
    %c0_i32_0 = arith.constant 0 : i32
    %c0_i32_1 = arith.constant 0 : i32
    return %c0_i32, %c0_i32_0 : i32, i32
  }
  func.func @transform_13(%arg0: i32) -> (i32, i32) {
    %c0_i32 = arith.constant 0 : i32
    %c0_i32_0 = arith.constant 0 : i32
    %c0_i32_1 = arith.constant 0 : i32
    return %c0_i32, %c0_i32_0 : i32, i32
  }
  func.func @transform_14(%arg0: i32) -> (i32, i32) {
    %c0_i32 = arith.constant 0 : i32
    %c0_i32_0 = arith.constant 0 : i32
    %c0_i32_1 = arith.constant 0 : i32
    return %c0_i32, %c0_i32_0 : i32, i32
  }
  func.func @transform_15(%arg0: i32) -> (i32, i32) {
    %c0_i32 = arith.constant 0 : i32
    %c0_i32_0 = arith.constant 0 : i32
    %c0_i32_1 = arith.constant 0 : i32
    return %c0_i32, %c0_i32_0 : i32, i32
  }
  func.func @transform_16(%arg0: i32) -> (i32, i32) {
    %c0_i32 = arith.constant 0 : i32
    %c0_i32_0 = arith.constant 0 : i32
    %c0_i32_1 = arith.constant 0 : i32
    return %c0_i32, %c0_i32_0 : i32, i32
  }
  func.func @transform_17(%arg0: i32) -> (i32, i32) {
    %c0_i32 = arith.constant 0 : i32
    %c0_i32_0 = arith.constant 0 : i32
    %c0_i32_1 = arith.constant 0 : i32
    return %c0_i32, %c0_i32_0 : i32, i32
  }
  func.func @transform_18(%arg0: i32) -> (i32, i32) {
    %c0_i32 = arith.constant 0 : i32
    %c0_i32_0 = arith.constant 0 : i32
    %c0_i32_1 = arith.constant 0 : i32
    return %c0_i32, %c0_i32_0 : i32, i32
  }
  func.func @transform_19(%arg0: i32) -> (i32, i32) {
    %c0_i32 = arith.constant 0 : i32
    %c0_i32_0 = arith.constant 0 : i32
    %c0_i32_1 = arith.constant 0 : i32
    return %c0_i32, %c0_i32_0 : i32, i32
  }
  func.func @transform_20(%arg0: i32) -> (i32, i32) {
    %c0_i32 = arith.constant 0 : i32
    %c0_i32_0 = arith.constant 0 : i32
    %c0_i32_1 = arith.constant 0 : i32
    return %c0_i32, %c0_i32_0 : i32, i32
  }
  func.func @transform_21(%arg0: i32) -> (i32, i32) {
    %c0_i32 = arith.constant 0 : i32
    %c0_i32_0 = arith.constant 0 : i32
    %c0_i32_1 = arith.constant 0 : i32
    return %c0_i32, %c0_i32_0 : i32, i32
  }
  func.func @transform_22(%arg0: i32) -> (i32, i32) {
    %c0_i32 = arith.constant 0 : i32
    %c0_i32_0 = arith.constant 0 : i32
    %c0_i32_1 = arith.constant 0 : i32
    return %c0_i32, %c0_i32_0 : i32, i32
  }
  func.func @transform_23(%arg0: i32) -> (i32, i32) {
    %c0_i32 = arith.constant 0 : i32
    %c0_i32_0 = arith.constant 0 : i32
    %c0_i32_1 = arith.constant 0 : i32
    return %c0_i32, %c0_i32_0 : i32, i32
  }
  func.func @transform_24(%arg0: i32) -> (i32, i32) {
    %c0_i32 = arith.constant 0 : i32
    %c0_i32_0 = arith.constant 0 : i32
    %c0_i32_1 = arith.constant 0 : i32
    return %c0_i32, %c0_i32_0 : i32, i32
  }
  func.func @transform_25(%arg0: i32) -> (i32, i32) {
    %c0_i32 = arith.constant 0 : i32
    %c0_i32_0 = arith.constant 0 : i32
    %c0_i32_1 = arith.constant 0 : i32
    return %c0_i32, %c0_i32_0 : i32, i32
  }
  func.func @transform_26(%arg0: i32) -> (i32, i32) {
    %c0_i32 = arith.constant 0 : i32
    %c0_i32_0 = arith.constant 0 : i32
    return %arg0, %c0_i32 : i32, i32
  }
  func.func @transform_27(%arg0: i32) -> (i32, i32) {
    %c0_i32 = arith.constant 0 : i32
    %c0_i32_0 = arith.constant 0 : i32
    return %arg0, %c0_i32 : i32, i32
  }
}

</mosaic_0001>

<sc_bundles>
// kernel: kernel.5.cloned.1.call-start
scs
__scs_entry_jumppad:
0x0: {  	(pc) =	sbr.rel $0x88, $3  }
0x1: {  	(tag) =	ssettag $0x0;
	lr =	simm.s32 $0x1  }
0x2: {  	[smem:$0x3F8D] =	sst lr;
	_ =	strace $0xD0000000  }
0x3: {  	_ = 	snop  }
0x4: {  	_ = 	snop  }
0x5: {  	_ = 	snop  }
0x6: {  	_ = 	snop  }
0x7: {  	_ = 	snop  }
__scs_overlays_trampoline_lowered:
0x8: {  	[smem:$0x3F9C] =	sst s0  }
0x9: {  	[smem:$0x3F9D] =	sst s1  }
0xa: {  	[smem:$0x3F9E] =	sst s2  }
0xb: {  	[smem:$0x3F9F] =	sst s3  }
0xc: {  	[smem:$0x3FA0] =	sst s4  }
0xd: {  	[smem:$0x3FA1] =	sst s5  }
0xe: {  	[smem:$0x3FA2] =	sst s6  }
0xf: {  	[smem:$0x3FA3] =	sst s7  }
0x10: {  	[smem:$0x3FA4] =	sst s8  }
0x11: {  	[smem:$0x3FA5] =	sst s9;
	s0 =	simm.s32 @!p0 $0x0  }
0x12: {  	s1 =	sld [smem:$0x3F8B];
	s0 =	simm.s32 @p0 $0x1  }
0x13: {  	[smem:$0x3FA6] =	sst s0;
	s0 =	simm.s32 @!p1 $0x0  }
0x14: {  	s2 =	sld [smem:$0x3F8A];
	s0 =	simm.s32 @p1 $0x1  }
0x15: {  	[smem:$0x3FA7] =	sst s0;
	s0 =	simm.s32 @!p2 $0x0  }
0x16: {  	s3 =	sld [smem:$0x3FDB];
	s0 =	simm.s32 @p2 $0x1  }
0x17: {  	s4 =	simm.s32 $0x1BF5;
	[smem:$0x3FA9] =	sst s0  }
0x18: {  	s0 =	sld [smem:$0x3F8C];
	_ =	swait.ge [sflag:s4], $0x0  }
0x19: {  	s7 =	sld [smem:$0x3F8D]  }
0x1a: {  	s8 =	sadd.s32 $0xFFFFE003, lr  }
0x1b: {  	s9 =	sadd.s32 $0xFFFFFEF7, lr;
	s5 =	simm.s32 $0xFFFFFFFF;
	p2 =	slt.u32 s8, $0xFFFFF086  }
0x1c: {  	p1 =	slt.u32 s9, $0xF7A;
	s5 =	simm.s32 @!p2 $0x0  }
0x1d: {  	s5 =	simm.s32 @p1 $0x1;
	p0 =	seq.s32 s7, s2  }
0x1e: {  	s7 =	smul.u32 @!p0 $0xF7A, s2;
	p2 =	seq.s32 @!p0 s5, $0x0  }
0x1f: {  	s9 =	smul.u32 $0xF7A, s1;
	s8 =	simm.s32 @!p0 $0x1BF5;
	p2 =	por !p2, p0  }
0x20: {  	[sflag:s8] =	ssyncset.s32 @!p0 $0xFFFFF086;
	s6 =	sadd.s32 @!p0 s3, s7;
	s7 =	simm.s32 @!p0 $0x108  }
0x21: {  	s3 =	sadd.s32 s3, s9;
	s6 =	sadd.s32 @!p0 $0x88, s6;
	s7 =	simm.s32 @p2 $0x1082  }
0x22: {  	[simem:s7], [sflag:s8] =	dma.local @!p0 [hbm:s6], $0xF7A  }
0x23: {  	s9 =	sor.u32 $0xD0000000, s2;
	s6 =	simm.s32 $0x108;
	_ =	swait.ge @!p0 [sflag:s8], $0x0  }
0x24: {  	s3 =	sadd.s32 $0x88, s3;
	s6 =	simm.s32 @!p1 $0x1082;
	[sflag:s4] =	ssyncset.s32 $0xFFFFF086  }
0x25: {  	[simem:s6], [sflag:s4] =	dma.local [hbm:s3], $0xF7A  }
0x26: {  	[smem:$0x3F8D] =	sst s1;
	(tag) =	ssettag s2;
	_ =	strace s9  }
0x27: {  	s1 =	sld [smem:$0x3F9D]  }
0x28: {  	s2 =	sld [smem:$0x3F9E]  }
0x29: {  	s4 =	sld [smem:$0x3FA0]  }
0x2a: {  	p0 =	seq.s32 s5, $0x0;
	s5 =	sld [smem:$0x3FA1]  }
0x2b: {  	s6 =	sld [smem:$0x3FA2]  }
0x2c: {  	s7 =	sld [smem:$0x3FA3]  }
0x2d: {  	s3 =	simm.s32 $0x108;
	s8 =	sld [smem:$0x3FA4]  }
0x2e: {  	s3 =	simm.s32 @!p0 $0x1082;
	s9 =	sld [smem:$0x3FA5]  }
0x2f: {  	lr =	sadd.s32 s0, s3;
	s0 =	sld [smem:$0x3F9C]  }
0x30: {  	s3 =	sld [smem:$0x3F9F]  }
0x31: {  	[smem:$0x3FA8] =	sst s10  }
0x32: {  	s10 =	sld [smem:$0x3FA6];
	_ =	sdelay $0x3  }
0x33: {  	p0 =	seq.s32 s10, $0x1;
	s10 =	sld [smem:$0x3FA8];
	_ =	sdelay $0x3  }
0x34: {  	[smem:$0x3FA8] =	sst s10  }
0x35: {  	s10 =	sld [smem:$0x3FA7];
	_ =	sdelay $0x3  }
0x36: {  	p1 =	seq.s32 s10, $0x1;
	s10 =	sld [smem:$0x3FA8];
	_ =	sdelay $0x3  }
0x37: {  	[smem:$0x3FA8] =	sst s10  }
0x38: {  	s10 =	sld [smem:$0x3FA9]  }
0x39: {  	_ = 	snop;
	(pc) =	sbr.ind lr, $3  }
0x3a: {  	_ = 	snop  }
0x3b: {  	_ = 	snop  }
0x3c: {  	p2 =	seq.s32 s10, $0x1;
	s10 =	sld [smem:$0x3FA8]  }
0x3d: {  	_ =	shalt  }
0x3e: {  	_ =	shalt  }
0x3f: {  	_ =	shalt  }
0x40: {  	_ =	shalt  }
0x41: {  	_ =	shalt  }
0x42: {  	_ =	shalt  }
0x43: {  	_ =	shalt  }
0x44: {  	_ =	shalt  }
0x45: {  	_ =	shalt  }
0x46: {  	_ =	shalt  }
0x47: {  	_ =	shalt  }
0x48: {  	_ =	shalt  }
0x49: {  	_ =	shalt  }
0x4a: {  	_ =	shalt  }
0x4b: {  	_ =	shalt  }
0x4c: {  	_ =	shalt  }
0x4d: {  	_ =	shalt  }
0x4e: {  	_ =	shalt  }
0x4f: {  	_ =	shalt  }
0x50: {  	_ =	shalt  }
0x51: {  	_ =	shalt  }
0x52: {  	_ =	shalt  }
0x53: {  	_ =	shalt  }
0x54: {  	_ =	shalt  }
0x55: {  	_ =	shalt  }
0x56: {  	_ =	shalt  }
0x57: {  	_ =	shalt  }
0x58: {  	_ =	shalt  }
0x59: {  	_ =	shalt  }
0x5a: {  	_ =	shalt  }
0x5b: {  	_ =	shalt  }
0x5c: {  	_ =	shalt  }
0x5d: {  	_ =	shalt  }
0x5e: {  	_ =	shalt  }
0x5f: {  	_ =	shalt  }
0x60: {  	_ =	shalt  }
0x61: {  	_ =	shalt  }
0x62: {  	_ =	shalt  }
0x63: {  	_ =	shalt  }
0x64: {  	_ =	shalt  }
0x65: {  	_ =	shalt  }
0x66: {  	_ =	shalt  }
0x67: {  	_ =	shalt  }
0x68: {  	_ =	shalt  }
0x69: {  	_ =	shalt  }
0x6a: {  	_ =	shalt  }
0x6b: {  	_ =	shalt  }
0x6c: {  	_ =	shalt  }
0x6d: {  	_ =	shalt  }
0x6e: {  	_ =	shalt  }
0x6f: {  	_ =	shalt  }
0x70: {  	_ =	shalt  }
0x71: {  	_ =	shalt  }
0x72: {  	_ =	shalt  }
0x73: {  	_ =	shalt  }
0x74: {  	_ =	shalt  }
0x75: {  	_ =	shalt  }
0x76: {  	_ =	shalt  }
0x77: {  	_ =	shalt  }
0x78: {  	_ =	shalt  }
0x79: {  	_ =	shalt  }
0x7a: {  	_ =	shalt  }
0x7b: {  	_ =	shalt  }
0x7c: {  	_ =	shalt  }
0x7d: {  	_ =	shalt  }
0x7e: {  	_ =	shalt  }
0x7f: {  	_ =	shalt  }
0x80: {  	_ =	shalt  }
0x81: {  	_ =	shalt  }
0x82: {  	_ =	shalt  }
0x83: {  	_ =	shalt  }
0x84: {  	_ =	shalt  }
0x85: {  	_ =	shalt  }
0x86: {  	_ =	shalt  }
0x87: {  	_ =	shalt  }
.Lfunc_end0:
.L_simem_size_0:
called_computation.2_lowered:
.L_overlay_start_0:
0x88: {  	s2 =	sld [smem:$0x3FD9]  }
0x89: {  	s3 =	sld [smem:$0x3FFE];
	_ =	sdelay $0x1  }
0x8a: {  	s1 =	srdreg.scid  }
0x8b: {  	s0 =	sand.u32 $0x1, s1  }
0x8c: {  	s14 =	sshll.u32 s0, $0xA;
	s2 =	sadd.s32 s3, s2  }
0x8d: {  	s2 =	sadd.s32 s2, s14  }
0x8e: {  	[smem:$0x3FB4] =	sst s2  }
0x8f: {  	_ = 	snop  }
0x90: {  	s2 =	sld [smem:$0x3FD0];
	_ =	sdelay $0x1  }
0x91: {  	s15 =	sld [smem:$0x3FC9]  }
0x92: {  	s5 =	simm.s32 $0xA;
	s6 =	simm.s32 $0x10;
	s4 =	sld [smem:$0x3FC8]  }
0x93: {  	[smem:s6], [sflag:s5] =	dma.local [hbm:s2], $0x1  }
0x94: {  	_ =	swait.eq [sflag:s5], $0x1  }
0x95: {  	s16 =	sld [smem:$0x10]  }
0x96: {  	s17 =	sld [smem:$0x11];
	[sflag:s5] =	ssyncset.done $0x0  }
0x97: {  	s7 =	sld [smem:$0x14];
	[sflag:s5] =	ssyncadd.s32 $0xFFFFFFFF  }
0x98: {  	s18 =	sld [smem:$0x15];
	(tm) =	ssettm $0x1  }
0x99: {  	s8 =	sld [smem:$0x3FFB];
	_ =	sdelay $0x3  }
0x9a: {  	_ =	strace s8  }
0x9b: {  	s8 =	sld [smem:$0x3FFC];
	_ =	sdelay $0x3  }
0x9c: {  	_ =	strace s8  }
0x9d: {  	s8 =	sld [smem:$0x3FFD];
	_ =	sdelay $0x3  }
0x9e: {  	_ =	strace s8  }
0x9f: {  	_ =	strace $0x8FFFFFFF  }
0xa0: {  	s19 =	sld [smem:$0x3FDB];
	_ =	sdelay $0x1  }
0xa1: {  	s9 =	simm.s32 $_scs_section_size  }
0xa2: {  	s10 =	simm.s32 $_size__tile_overlayer_lowered;
	s11 =	simm.s32 $_tile_overlayer_lowered  }
0xa3: {  	s22 =	simm.s32 $0x1BFF;
	s21 =	sshll.u32 s11, $0x1;
	s8 =	sadd.s32 s9, s19  }
0xa4: {  	s12 =	simm.s32 $0x0;
	s20 =	sshll.u32 s10, $0x1;
	s10 =	sadd.s32 s21, s8  }
0xa5: {  	[timem:s12], [sflag:s22] =	dma.local [hbm:s10], s20  }
0xa6: {  	_ =	swait.ge [sflag:s22], s20  }
0xa7: {  	s9 =	ssub.s32 $0x0, s20;
	[sflag:s22] =	ssyncset.done $0x0  }
0xa8: {  	[sflag:s22] =	ssyncadd.s32 s9;
	_ =	sdelay $0x1  }
0xa9: {  	s23 =	simm.s32 $0x1B8B  }
0xaa: {  	_ =	swait.ge [sflag:s23], $0x1  }
0xab: {  	[sflag:s23] =	ssyncset.done $0x0  }
0xac: {  	s25 =	simm.s32 $0x1B8E;
	s24 =	sld [smem:$0x3FFE];
	[sflag:s23] =	ssyncadd.s32 $0xFFFFFFFF  }
0xad: {  	s26 =	simm.s32 $execute0_lowered;
	[smem:$0x3FD2] =	sst s25  }
0xae: {  	s10 =	sshll.u32 s26, $0x1;
	_ =	strace $0x80000049;
	[dreg:$0x1] =	wrdreg $0xFFFFFFFF  }
0xaf: {  	s28 =	simm.s32 $_size_execute0_lowered;
	s8 =	sadd.s32 s8, s10;
	[dreg:$0x0] =	wrdreg $0x0  }
0xb0: {  	s10 =	sshll.u32 s28, $0x1;
	[dreg:$0x2] =	wrdreg s8  }
0xb1: {  	[dreg:$0x3] =	wrdreg s10  }
0xb2: {  	[dreg:$0x4] =	wrdreg $0xC0  }
0xb3: {  	_ =	task [dreg:s12], $0x5FFFF  }
0xb4: {  	[dreg:$0x1] =	wrdreg $0xFFFFFFFF  }
0xb5: {  	[dreg:$0x0] =	wrdreg $0x60  }
0xb6: {  	[dreg:$0x2] =	wrdreg s15  }
0xb7: {  	[dreg:$0x3] =	wrdreg s4  }
0xb8: {  	[dreg:$0x4] =	wrdreg s24  }
0xb9: {  	[dreg:$0x5] =	wrdreg s7  }
0xba: {  	[dreg:$0x6] =	wrdreg s18  }
0xbb: {  	[dreg:$0x7] =	wrdreg s17  }
0xbc: {  	[dreg:$0x8] =	wrdreg s16  }
0xbd: {  	[dreg:$0x9] =	wrdreg $0x9  }
0xbe: {  	_ =	task.clear_ibuf [dreg:s12], $0xAFFFF;
	_ =	strace $0x90000049  }
0xbf: {  	s29 =	simm.s32 $0x9;
	_ =	strace $0x8000004B  }
0xc0: {  	_ =	swait.ge [sflag:s29], $0x1  }
0xc1: {  	[sflag:s29] =	ssyncadd.s32 $0xFFFFFFFF  }
0xc2: {  	_ =	strace $0x9000004B  }
0xc3: {  	_ =	sfence  }
0xc4: {  	s30 =	sld [smem:$0x0];
	_ =	sdelay $0x2  }
0xc5: {  	s31 =	sshll.u32 s1, $0xD;
	s1 =	sshrl.u32 s1, $0x2  }
0xc6: {  	s3 =	sand.u32 $0x4000, s31;
	s1 =	sadd.s32 s1, s30  }
0xc7: {  	s0 =	sor.u32 s3, s0;
	s1 =	sshll.u32 s1, $0x11  }
0xc8: {  	s0 =	sor.u32 s1, s0  }
0xc9: {  	s0 =	sadd.s32 $0x8F2B, s0  }
0xca: {  	[sflag:s0] =	ssyncadd.remote.s32 $0x1  }
0xcb: {  	_ =	sfence.sel $0xFFFF  }
0xcc: {  	[dreg:$0x0] =	wrdreg $0xFFFFFFFF;
	(pc) =	sbr.abs _section_cstart, $3  }
0xcd: {  	[dreg:$0x1] =	wrdreg $0xFFFFFFFF  }
0xce: {  	_ =	task.clear_ibuf [dreg:s12], $0x2FFFF;
	_ =	strace $0x9FFFFFFF  }
0xcf: {  	(tm) =	ssettm $0x7FFFFFFF  }
tec
execute0_lowered:
.L_overlay_start_1:
0x0: {  	(tag) =	ssettag $0x1  }
0x1: {  	s14 =	rddreg [dreg:$0x0]  }
0x2: {  	s15 =	rddreg [dreg:$0x1]  }
0x3: {  	s0 =	rddreg [dreg:$0x2]  }
0x4: {  	s1 =	rddreg [dreg:$0x5]  }
0x5: {  	s2 =	rddreg [dreg:$0x6];
	s6 =	simm.s32 $0x0;
	s3 =	srdreg.scid  }
0x6: {  	s4 =	stileid.u32;
	s28 =	simm.s32 $0x100;
	s29 =	simm.s32 $0x4200  }
0x7: {  	s30 =	simm.s32 $0x13E20;
	s31 =	simm.s32 $0x1;
	[smem:$0x7FF] =	sst s6  }
0x8: {  	s7 =	sadd.s32 $0x5A00, s0;
	s3 =	sand.u32 $0x1, s3;
	s8 =	sadd.s32 $0x16E9200, s0  }
0x9: {  	s4 =	sshll.u32 s4, $0x1;
	s5 =	sadd.s32 $0x7A6C00, s0;
	s9 =	sadd.s32 $0x7E6C00, s0  }
0xa: {  	_ =	strace $0x8000004A;
	s4 =	sor.u32 s3, s4;
	s3 =	ssub.s32 $0x2, s3  }
0xb: {  	s10 =	sshll.u32 s4, $0xB;
	s19 =	sshrl.u32 s3, $0x1;
	s12 =	sshll.u32 s4, $0xD  }
0xc: {  	s13 =	sshll.u32 s4, $0x6;
	s11 =	sadd.s32 s10, s0;
	s0 =	sadd.s32 s4, s0  }
0xd: {  	s3 =	ssub.s32 s3, s19;
	s20 =	sadd.s32 s14, s13;
	s10 =	smul.u32 $0x7A12, s4  }
0xe: {  	s1 =	sadd.s32 s1, s13;
	s24 =	sadd.s32 s15, s13;
	s18 =	sadd.s32 s2, s13  }
0xf: {  	s19 =	smul.u32 $0xC35, s4;
	s26 =	sor.u32 $0x1000, s12;
	[dreg:$0x8] =	wrdreg s20  }
0x10: {  	v0 =	vimm.s32 $0xFFEDCBA9;
	s4 =	simm.s32 $0xBE20;
	s2 =	simm.s32 $0x0;
	[dreg:$0xa] =	wrdreg s1  }
0x11: {  	v1 =	vimm.s32 $0x87654321;
	s21 =	sadd.s32 $0x826C00, s11;
	s22 =	sadd.s32 $0x836C00, s11;
	[dreg:$0xd] =	wrdreg s24  }
0x12: {  	v0 =	vunpack.c.l.s4.s8 v0;
	v1 =	vunpack.c.l.s4.s8 v1;
	s23 =	sadd.s32 $0x846C00, s11;
	s25 =	sadd.s32 $0x856C00, s11;
	[dreg:$0x9] =	wrdreg s21  }
0x13: {  	s17 =	sadd.s32 $0x866C00, s0;
	s20 =	smax.u32 s3, $0x1;
	[dreg:$0xb] =	wrdreg s22  }
0x14: {  	v4 =	vunpack.c.0.s8.s32 v0;
	v5 =	vunpack.c.0.s8.s32 v1;
	s24 =	sadd.s32 s9, s26;
	s1 =	simm.s32 $0x4300;
	[dreg:$0xc] =	wrdreg s23  }
0x15: {  	v2 =	vimm.s32 $0xFFFFFFFF;
	v3 =	vlaneseq.u32;
	vm0 =	vcmask $0x3F3C;
	s3 =	simm.s32 $0x1BE20;
	s0 =	simm.s32 $0xFE20;
	[dreg:$0xe] =	wrdreg s25  }
0x16: {  	vm1 =	vcmask $0x300;
	vm2 =	vcmask $0x704;
	v4 =	vcombine.low v5, v4;
	s21 =	sadd.s32 s5, s12;
	s22 =	sadd.s32 s5, s26;
	s23 =	sadd.s32 s9, s12  }
0x17: {  	v5 =	vimm.s32 $0x0;
	s25 =	simm.s32 $0x2;
	s26 =	simm.s32 $0x4000;
	v0 =	vmov s10;
	v1 =	vmov s19;
	s5 =	simm.s32 $0x200  }
.LBB2_1:
0x18: {  	s9 =	rddreg [dreg:$0x0]  }
0x19: {  	[tilespmem:s6], [sflag:$0x2] =	stream.linear.gather [hbm4b:s9+s6], $0x4000, $0x38;
	[tilespmem:$0x1C030] =	vst v63  }
0x1a: {  	_ =	swait.ge [sflag:s25], $0x4000  }
0x1b: {  	[sflag:s25] =	ssyncset.done $0x0  }
0x1c: {  	s16 =	rddreg [dreg:$0x8];
	[sflag:s25] =	ssyncadd.s32 $0xFFFFC000  }
0x1d: {  	[tilespmem:s26], [sflag:$0x2] =	stream.linear.gather [hbm4b:s16+s6], $0x200, $0x38;
	[tilespmem:$0x1C030] =	vst v63  }
0x1e: {  	_ =	swait.ge [sflag:s25], $0x200  }
0x1f: {  	[sflag:s25] =	ssyncset.done $0x0  }
0x20: {  	s9 =	simm.s32 $0x0;
	[sflag:s25] =	ssyncadd.s32 $0xFFFFFE00  }
0x21: {  	s11 =	simm.s32 $0x40;
	v6 =	vld [tilespmem:s9+$0x4000]  }
.LBB2_2:
0x22: {  	p0 =	sne.s32 s11, $0x7C0  }
.Ltmp0:
0x23: {  	_ = 	snop;
	(pc) =	sbr.rel @p0 .LBB2_2-.Ltmp0, $3  }
0x24: {  	_ =	sdelay $0x1  }
0x25: {  	s12 =	sshra.s32 s11, $0x2;
	s11 =	sadd.s32 $0x40, s11;
	v7 =	vshrl.u32 v6, $0x1  }
0x26: {  	v6 =	vld [tilespmem:s12+$0x4000];
	[tilespmem:s9+$0x4200] =	vst v7;
	s9 =	smov.u32 s12  }
0x27: {  	_ =	sdelay $0x3  }
0x28: {  	v6 =	vshrl.u32 v6, $0x1  }
0x29: {  	[tilespmem:s9+$0x4200] =	vst v6  }
0x2a: {  	[tilespmem:s30], [sflag:$0x1] =	stream.indirect.gather [hbm4b:s7+s28], $0x80, s29, s28, $0xb8;
	[tilespmem:$0x1C030] =	vst v63  }
0x2b: {  	_ =	swait.ge [sflag:s31], $0x8000  }
0x2c: {  	[sflag:s31] =	ssyncset.done $0x0  }
0x2d: {  	s9 =	simm.s32 $0x0;
	[sflag:s31] =	ssyncadd.s32 $0xFFFF8000  }
0x2e: {  	[hbm4b:s21+s9] =	stream.linear.scatter [tilespmem:s30], [sflag:$0x2], $0x8000, $0x38;
	[tilespmem:$0x1C030] =	vst v63  }
0x2f: {  	_ =	swait.ge [sflag:s25], $0x8000  }
0x30: {  	[sflag:s25] =	ssyncset.done $0x0  }
0x31: {  	[sflag:s25] =	ssyncadd.s32 $0xFFFF8000  }
0x32: {  	[tilespmem:s30], [sflag:$0x1] =	stream.indirect.gather [hbm4b:s7+s28], $0x80, s1, s28, $0xb8;
	[tilespmem:$0x1C030] =	vst v63  }
0x33: {  	_ =	swait.ge [sflag:s31], $0x8000  }
0x34: {  	[sflag:s31] =	ssyncset.done $0x0  }
0x35: {  	[sflag:s31] =	ssyncadd.s32 $0xFFFF8000  }
0x36: {  	[hbm4b:s22+s9] =	stream.linear.scatter [tilespmem:s30], [sflag:$0x2], $0x8000, $0x38;
	[tilespmem:$0x1C030] =	vst v63  }
0x37: {  	_ =	swait.ge [sflag:s25], $0x8000  }
0x38: {  	[sflag:s25] =	ssyncset.done $0x0  }
0x39: {  	[sflag:s25] =	ssyncadd.s32 $0xFFFF8000  }
0x3a: {  	s11 =	rddreg [dreg:$0x3]  }
0x3b: {  	[tilespmem:s3], [sflag:$0x1] =	stream.indirect.gather [hbm4b:s11+s5], $0x1, s26, s5, $0xb8;
	[tilespmem:$0x1C030] =	vst v63  }
0x3c: {  	_ =	swait.ge [sflag:s31], $0x200  }
0x3d: {  	[sflag:s31] =	ssyncset.done $0x0  }
0x3e: {  	s16 =	rddreg [dreg:$0xa];
	[sflag:s31] =	ssyncadd.s32 $0xFFFFFE00  }
0x3f: {  	[hbm4b:s16+s9] =	stream.linear.scatter [tilespmem:s3], [sflag:$0x2], $0x200, $0x38;
	[tilespmem:$0x1C030] =	vst v63  }
0x40: {  	_ =	swait.ge [sflag:s25], $0x200  }
0x41: {  	[sflag:s25] =	ssyncset.done $0x0  }
0x42: {  	s12 =	simm.s32 $0x0;
	s11 =	simm.s32 $0x40;
	[sflag:s25] =	ssyncadd.s32 $0xFFFFFE00  }
.LBB2_4:
0x43: {  	p0 =	sne.s32 s11, $0x1E840;
	[tilespmem:s12+$0x4400] =	vst v2;
	s12 =	smov.u32 s11;
	s11 =	sadd.s32 $0x40, s11  }
.Ltmp1:
0x44: {  	(pc) =	sbr.rel @p0 .LBB2_4-.Ltmp1, $2  }
0x45: {  	_ =	sdelay $0x2  }
0x46: {  	s12 =	sshra.s32 s12, $0x2  }
0x47: {  	[tilespmem:s12+$0x4400] =	vst v2;
	s11 =	simm.s32 $0x0  }
.LBB2_6:
0x48: {  	v6 =	vld [tilespmem:s9+$0x0];
	_ =	sdelay $0x4  }
0x49: {  	v6 =	vsub.s32 v6, v0  }
0x4a: {  	v7 =	vor.u32 s11, v3;
	v8 =	vshll.u32 v6, $0xE  }
0x4b: {  	v8 =	vadd.s32 v7, v8  }
0x4c: {  	vm3 =	vlt.u32 v6, $0x7A12;
	v6 =	vxor.u32 $0x80000000, v8  }
0x4d: {  	v6 =	vnsel vm3, $0xFFFFFFFF, v6  }
0x4e: {  	(xrf1) =	vsort.ascd.msk.u32 $0xffff, v6, v7;
	_ =	sdelay $0xd  }
0x4f: {  	v6, _, _ =	vpop (xrf1)  }
0x50: {  	v7 =	vshrl.u32 v6, $0xE  }
0x51: {  	v7 =	vxor.u32 $0x20000, v7  }
0x52: {  	v63 =	vperm.xlane v7, v4;
	_ =	sdelay $0x1  }
0x53: {  	vm3 =	vne.s32 v7, v63  }
0x54: {  	vm4 =	vne.s32 v6, $0xFFFFFFFF;
	vm3 =	vmor vm3, vm0  }
0x55: {  	vm3 =	vmand vm4, vm3  }
0x56: {  	p0 =	sne.s32 s11, $0x3FF0;
	v7 =	vnsel vm3, $0x0, v7  }
.Ltmp2:
0x57: {  	_ = 	snop;
	(pc) =	sbr.rel @p0 .LBB2_6-.Ltmp2, $3  }
0x58: {  	_ =	sdelay $0x1  }
0x59: {  	s12 =	simm.s32 $0x4400;
	v6 =	vand.u32 $0x3FFF, v6  }
0x5a: {  	s9 =	sadd.s32 $0x10, s9;
	s11 =	sadd.s32 $0x10, s11;
	[tilespmem:v7+s12+$0x0] =	vst.idx.msk vm3, v6  }
0x5b: {  	v6 =	vld [tilespmem:s12+$0x0];
	_ =	sdelay $0x4  }
0x5c: {  	vm3 =	vgt.s32 v6, $0xFFFFFFFF  }
0x5d: {  	v7 =	vsel vm3, $0x1, v5  }
0x5e: {  	(xrf0) =	vadd.scan.msk.s32 $0xffff, v7;
	_ =	sdelay $0x1  }
0x5f: {  	s9 =	simm.s32 $0x0  }
0x60: {  	v7 =	vmov s9  }
0x61: {  	v7 =	vadd.s32 $0xFFFFFFFF, v7  }
0x62: {  	v7 =	vbroadcast v7, $0x0  }
0x63: {  	v8, _, _ =	vpop (xrf0)  }
0x64: {  	v9 =	vxor.u32 $0x80000000, v8;
	v7 =	vadd.s32 v8, v7  }
0x65: {  	(xrf0) =	vmax.scan.msk.u32 $0xffff, v9;
	v7 =	vnsel vm3, $0x0, v7;
	_ =	sdelay $0x3  }
0x66: {  	v8 =	vor.u32 s9, v3  }
0x67: {  	v63 =	vadd.s32 v0, v8;
	[tilespmem:v7+s4+$0x0] =	vst.idx.msk vm3, v6  }
0x68: {  	[tilespmem:v7+s0+$0x0] =	vst.idx.msk vm3, v63;
	v7, _, _ =	vpop (xrf0)  }
0x69: {  	(v2sf) =	vpush v7, $0xF;
	_ =	sdelay $0x1  }
0x6a: {  	v8 =	vshll.u32 v8, $0xE  }
0x6b: {  	s13 =	simm.s32 $0x4410;
	v6 =	vor.u32 v8, v6  }
0x6c: {  	s12 =	simm.s32 $0x10;
	s14 =	simm.s32 $0x20;
	s11 =	simm.s32 $0x0;
	v6 =	vxor.u32 $0x80000000, v6;
	v7 =	vld [tilespmem:s13+$0x0]  }
.LBB2_8:
0x6d: {  	p0 =	sne.s32 s14, $0x7A10;
	v6 =	vnsel vm3, $0x7FFFFFFF, v6  }
0x6e: {  	(xrf0) =	vmax.scan.msk.u32 $0xffff, v6;
	_ =	sdelay $0x2  }
0x6f: {  	vm3 =	vgt.s32 v7, $0xFFFFFFFF  }
0x70: {  	v8 =	vsel vm3, $0x1, v5  }
0x71: {  	(xrf0) =	vadd.scan.msk.s32 $0xffff, v8  }
0x72: {  	v6, _, _ =	vpop (xrf0)  }
0x73: {  	(v2sf) =	vpush v6, $0xF;
	_ =	sdelay $0x1  }
0x74: {  	s15 =	spop (v2sf)  }
0x75: {  	s11 =	sadd.s32 s15, s11  }
0x76: {  	v6, _, _ =	vpop (xrf0);
	s11 =	sadd.s32 $0x80000000, s11  }
0x77: {  	v8 =	vxor.u32 $0x80000000, v6;
	v9 =	vmov s11  }
0x78: {  	v9 =	vadd.s32 $0xFFFFFFFF, v9;
	(xrf0) =	vmax.scan.msk.u32 $0xffff, v8  }
0x79: {  	v8 =	vbroadcast v9, $0x0;
	_ =	sdelay $0x1  }
0x7a: {  	v6 =	vadd.s32 v6, v8  }
0x7b: {  	v6 =	vnsel vm3, $0x0, v6;
	_ =	sdelay $0x1  }
0x7c: {  	v8, _, _ =	vpop (xrf0)  }
.Ltmp3:
0x7d: {  	(v2sf) =	vpush v8, $0xF;
	(pc) =	sbr.rel @p0 .LBB2_8-.Ltmp3, $4  }
0x7e: {  	v8 =	vor.u32 s12, v3;
	s12 =	smov.u32 s14  }
0x7f: {  	v9 =	vadd.s32 v0, v8;
	v8 =	vshll.u32 v8, $0xE;
	[tilespmem:v6+s4+$0x0] =	vst.idx.msk vm3, v7;
	s15 =	spop (v2sf)  }
0x80: {  	s13 =	sadd.s32 $0x10, s13;
	[tilespmem:v6+s0+$0x0] =	vst.idx.msk vm3, v9;
	v6 =	vor.u32 v8, v7;
	s16 =	sxor.u32 $0x80000000, s15;
	p1 =	slt.s32 s15, $0x0  }
0x81: {  	s14 =	sadd.s32 $0x10, s14;
	v7 =	vld [tilespmem:s13+$0x0];
	v6 =	vxor.u32 $0x80000000, v6;
	s9 =	smov.u32 @p1 s16  }
0x82: {  	_ =	sdelay $0x3  }
0x83: {  	v6 =	vnsel vm3, $0x7FFFFFFF, v6;
	vm3 =	vgt.s32 v7, $0xFFFFFFFF  }
0x84: {  	(xrf0) =	vmax.scan.msk.u32 $0xffff, v6;
	v6 =	vsel vm3, $0x1, v5  }
0x85: {  	(xrf0) =	vadd.scan.msk.s32 $0xffff, v6;
	_ =	sdelay $0x4  }
0x86: {  	v8 =	vor.u32 s12, v3;
	v6, _, _ =	vpop (xrf0)  }
0x87: {  	v10 =	vshll.u32 v8, $0xE;
	v9, _, _ =	vpop (xrf0)  }
0x88: {  	v10 =	vor.u32 v10, v7;
	v11 =	vxor.u32 $0x80000000, v9  }
0x89: {  	v10 =	vxor.u32 $0x80000000, v10;
	(xrf0) =	vmax.scan.msk.u32 $0xffff, v11  }
0x8a: {  	v10 =	vnsel vm3, $0x7FFFFFFF, v10  }
0x8b: {  	(xrf0) =	vmax.scan.msk.u32 $0xffff, v10;
	_ =	sdelay $0x3  }
0x8c: {  	(v2sf) =	vpush v6, $0xF;
	v6, _, _ =	vpop (xrf0)  }
0x8d: {  	(v2sf) =	vpush v6, $0xF  }
0x8e: {  	v6, _, _ =	vpop (xrf0)  }
0x8f: {  	(v2sf) =	vpush v6, $0xF;
	_ =	sdelay $0x5  }
0x90: {  	s14 =	spop (v2sf)  }
0x91: {  	s11 =	sadd.s32 s14, s11  }
0x92: {  	s11 =	sadd.s32 $0x80000000, s11  }
0x93: {  	v6 =	vmov s11  }
0x94: {  	v6 =	vadd.s32 $0xFFFFFFFF, v6  }
0x95: {  	v6 =	vbroadcast v6, $0x0  }
0x96: {  	s15 =	spop (v2sf)  }
0x97: {  	v6 =	vadd.s32 v9, v6;
	s13 =	spop (v2sf)  }
0x98: {  	p0 =	slt.s32 s15, $0x0;
	s12 =	sxor.u32 $0x80000000, s15;
	v9 =	vnsel vm3, $0x0, v6;
	s11 =	sadd.s32 s13, s11  }
0x99: {  	s9 =	smov.u32 @p0 s12;
	s16 =	spop (v2sf);
	s11 =	sadd.s32 $0x80000000, s11  }
0x9a: {  	s13 =	sxor.u32 $0x80000000, s16;
	p0 =	slt.s32 s16, $0x0;
	s14 =	sadd.s32 $0x1FF, s11  }
0x9b: {  	s9 =	smov.u32 @p0 s13;
	s15 =	sadd.s32 $0x0, s11;
	s12 =	sand.u32 $0xFFFFFE00, s14  }
0x9c: {  	s16 =	sand.u32 $0x3FFF, s9;
	s9 =	sshrl.u32 s9, $0xE;
	v10 =	vadd.s32 s15, v3;
	v6 =	vmov s12  }
0x9d: {  	v8 =	vadd.s32 v0, v8;
	[tilespmem:v9+s4+$0x0] =	vst.idx.msk vm3, v7;
	s9 =	sadd.s32 s10, s9;
	v7 =	vmov s16;
	vm4 =	vlt.s32 v10, v6  }
0x9e: {  	[tilespmem:v9+s0+$0x0] =	vst.idx.msk vm3, v8;
	v8 =	vmov s9;
	s9 =	simm.s32 $0x10;
	v9 =	vnsel vm4, $0x0, v10;
	vm3 =	vmmov vm4  }
.LBB2_10:
0x9f: {  	p0 =	sne.s32 s9, $0x1F0  }
.Ltmp4:
0xa0: {  	_ = 	snop;
	(pc) =	sbr.rel @p0 .LBB2_10-.Ltmp4, $4  }
0xa1: {  	s12 =	sadd.s32 s11, s9  }
0xa2: {  	v10 =	vadd.s32 s12, v3  }
0xa3: {  	[tilespmem:v9+s4+$0x0] =	vst.idx.msk vm4, v7;
	vm4 =	vlt.s32 v10, v6  }
0xa4: {  	s9 =	sadd.s32 $0x10, s9;
	[tilespmem:v9+s0+$0x0] =	vst.idx.msk vm3, v8;
	v9 =	vnsel vm4, $0x0, v10;
	vm3 =	vmmov vm4  }
0xa5: {  	_ =	sdelay $0x4  }
0xa6: {  	[tilespmem:v9+s4+$0x0] =	vst.idx.msk vm4, v7  }
0xa7: {  	s9 =	simm.s32 $0x0;
	s11 =	rddreg [dreg:$0x9];
	[tilespmem:v9+s0+$0x0] =	vst.idx.msk vm3, v8  }
0xa8: {  	[hbm4b:s11+s9] =	stream.linear.scatter [tilespmem:s4], [sflag:$0x2], $0x4000, $0x38;
	[tilespmem:$0x1C030] =	vst v63  }
0xa9: {  	_ =	swait.ge [sflag:s25], $0x4000  }
0xaa: {  	[sflag:s25] =	ssyncset.done $0x0  }
0xab: {  	s14 =	rddreg [dreg:$0xb];
	[sflag:s25] =	ssyncadd.s32 $0xFFFFC000  }
0xac: {  	[hbm4b:s14+s9] =	stream.linear.scatter [tilespmem:s0], [sflag:$0x2], $0x4000, $0x38;
	[tilespmem:$0x1C030] =	vst v63  }
0xad: {  	_ =	swait.ge [sflag:s25], $0x4000  }
0xae: {  	[sflag:s25] =	ssyncset.done $0x0  }
0xaf: {  	[sflag:s25] =	ssyncadd.s32 $0xFFFFC000  }
0xb0: {  	s15 =	rddreg [dreg:$0x1]  }
0xb1: {  	[tilespmem:s9], [sflag:$0x2] =	stream.linear.gather [hbm4b:s15+s9], $0x4000, $0x38;
	[tilespmem:$0x1C030] =	vst v63  }
0xb2: {  	_ =	swait.ge [sflag:s25], $0x4000  }
0xb3: {  	[sflag:s25] =	ssyncset.done $0x0  }
0xb4: {  	s16 =	rddreg [dreg:$0xd];
	[sflag:s25] =	ssyncadd.s32 $0xFFFFC000  }
0xb5: {  	[tilespmem:s26], [sflag:$0x2] =	stream.linear.gather [hbm4b:s16+s9], $0x200, $0x38;
	[tilespmem:$0x1C030] =	vst v63  }
0xb6: {  	_ =	swait.ge [sflag:s25], $0x200  }
0xb7: {  	[sflag:s25] =	ssyncset.done $0x0  }
0xb8: {  	s9 =	simm.s32 $0x0;
	[sflag:s25] =	ssyncadd.s32 $0xFFFFFE00  }
0xb9: {  	s11 =	simm.s32 $0x40;
	v7 =	vld [tilespmem:s9+$0x4000]  }
.LBB2_12:
0xba: {  	p0 =	sne.s32 s11, $0x7C0  }
.Ltmp5:
0xbb: {  	_ = 	snop;
	(pc) =	sbr.rel @p0 .LBB2_12-.Ltmp5, $3  }
0xbc: {  	_ =	sdelay $0x1  }
0xbd: {  	s12 =	sshra.s32 s11, $0x2;
	s11 =	sadd.s32 $0x40, s11;
	v8 =	vshrl.u32 v7, $0x1  }
0xbe: {  	v7 =	vld [tilespmem:s12+$0x4000];
	[tilespmem:s9+$0x4200] =	vst v8;
	s9 =	smov.u32 s12  }
0xbf: {  	_ =	sdelay $0x3  }
0xc0: {  	v7 =	vshrl.u32 v7, $0x1  }
0xc1: {  	[tilespmem:s9+$0x4200] =	vst v7  }
0xc2: {  	[tilespmem:s30], [sflag:$0x1] =	stream.indirect.gather [hbm4b:s8+s28], $0x80, s29, s28, $0xb8;
	[tilespmem:$0x1C030] =	vst v63  }
0xc3: {  	_ =	swait.ge [sflag:s31], $0x8000  }
0xc4: {  	[sflag:s31] =	ssyncset.done $0x0  }
0xc5: {  	s9 =	simm.s32 $0x0;
	[sflag:s31] =	ssyncadd.s32 $0xFFFF8000  }
0xc6: {  	[hbm4b:s23+s9] =	stream.linear.scatter [tilespmem:s30], [sflag:$0x2], $0x8000, $0x38;
	[tilespmem:$0x1C030] =	vst v63  }
0xc7: {  	_ =	swait.ge [sflag:s25], $0x8000  }
0xc8: {  	[sflag:s25] =	ssyncset.done $0x0  }
0xc9: {  	[sflag:s25] =	ssyncadd.s32 $0xFFFF8000  }
0xca: {  	[tilespmem:s30], [sflag:$0x1] =	stream.indirect.gather [hbm4b:s8+s28], $0x80, s1, s28, $0xb8;
	[tilespmem:$0x1C030] =	vst v63  }
0xcb: {  	_ =	swait.ge [sflag:s31], $0x8000  }
0xcc: {  	[sflag:s31] =	ssyncset.done $0x0  }
0xcd: {  	[sflag:s31] =	ssyncadd.s32 $0xFFFF8000  }
0xce: {  	[hbm4b:s24+s9] =	stream.linear.scatter [tilespmem:s30], [sflag:$0x2], $0x8000, $0x38;
	[tilespmem:$0x1C030] =	vst v63  }
0xcf: {  	_ =	swait.ge [sflag:s25], $0x8000  }
0xd0: {  	[sflag:s25] =	ssyncset.done $0x0  }
0xd1: {  	[sflag:s25] =	ssyncadd.s32 $0xFFFF8000  }
0xd2: {  	s11 =	rddreg [dreg:$0x4]  }
0xd3: {  	[tilespmem:s3], [sflag:$0x1] =	stream.indirect.gather [hbm4b:s11+s5], $0x1, s26, s5, $0xb8;
	[tilespmem:$0x1C030] =	vst v63  }
0xd4: {  	_ =	swait.ge [sflag:s31], $0x200  }
0xd5: {  	[sflag:s31] =	ssyncset.done $0x0  }
0xd6: {  	[sflag:s31] =	ssyncadd.s32 $0xFFFFFE00  }
0xd7: {  	[hbm4b:s18+s9] =	stream.linear.scatter [tilespmem:s3], [sflag:$0x2], $0x200, $0x38;
	[tilespmem:$0x1C030] =	vst v63  }
0xd8: {  	_ =	swait.ge [sflag:s25], $0x200  }
0xd9: {  	[sflag:s25] =	ssyncset.done $0x0  }
0xda: {  	s12 =	simm.s32 $0x0;
	s11 =	simm.s32 $0x40;
	[sflag:s25] =	ssyncadd.s32 $0xFFFFFE00  }
.LBB2_14:
0xdb: {  	p0 =	sne.s32 s11, $0x30C0;
	[tilespmem:s12+$0x4400] =	vst v2;
	s12 =	smov.u32 s11;
	s11 =	sadd.s32 $0x40, s11  }
.Ltmp6:
0xdc: {  	(pc) =	sbr.rel @p0 .LBB2_14-.Ltmp6, $2  }
0xdd: {  	_ =	sdelay $0x2  }
0xde: {  	s12 =	sshra.s32 s12, $0x2  }
0xdf: {  	[tilespmem:s12+$0x4400] =	vst v2;
	s11 =	simm.s32 $0x0  }
.LBB2_16:
0xe0: {  	v7 =	vld [tilespmem:s9+$0x0];
	_ =	sdelay $0x4  }
0xe1: {  	v7 =	vsub.s32 v7, v1  }
0xe2: {  	v8 =	vor.u32 s11, v3;
	v9 =	vshll.u32 v7, $0xE  }
0xe3: {  	v9 =	vadd.s32 v8, v9  }
0xe4: {  	vm3 =	vlt.u32 v7, $0xC35;
	v7 =	vxor.u32 $0x80000000, v9  }
0xe5: {  	v7 =	vnsel vm3, $0xFFFFFFFF, v7  }
0xe6: {  	(xrf1) =	vsort.ascd.msk.u32 $0xffff, v7, v8;
	_ =	sdelay $0xd  }
0xe7: {  	v7, _, _ =	vpop (xrf1)  }
0xe8: {  	v8 =	vshrl.u32 v7, $0xE  }
0xe9: {  	v8 =	vxor.u32 $0x20000, v8  }
0xea: {  	v63 =	vperm.xlane v8, v4;
	_ =	sdelay $0x1  }
0xeb: {  	vm3 =	vne.s32 v8, v63  }
0xec: {  	vm4 =	vne.s32 v7, $0xFFFFFFFF;
	vm3 =	vmor vm3, vm0  }
0xed: {  	vm3 =	vmand vm4, vm3  }
0xee: {  	p0 =	sne.s32 s11, $0x3FF0;
	v8 =	vnsel vm3, $0x0, v8  }
.Ltmp7:
0xef: {  	_ = 	snop;
	(pc) =	sbr.rel @p0 .LBB2_16-.Ltmp7, $3  }
0xf0: {  	_ =	sdelay $0x1  }
0xf1: {  	s12 =	simm.s32 $0x4400;
	v7 =	vand.u32 $0x3FFF, v7  }
0xf2: {  	s9 =	sadd.s32 $0x10, s9;
	s11 =	sadd.s32 $0x10, s11;
	[tilespmem:v8+s12+$0x0] =	vst.idx.msk vm3, v7  }
0xf3: {  	v7 =	vld [tilespmem:s12+$0x0];
	_ =	sdelay $0x4  }
0xf4: {  	vm3 =	vgt.s32 v7, $0xFFFFFFFF  }
0xf5: {  	v8 =	vsel vm3, $0x1, v5  }
0xf6: {  	(xrf0) =	vadd.scan.msk.s32 $0xffff, v8;
	_ =	sdelay $0x1  }
0xf7: {  	s9 =	simm.s32 $0x0  }
0xf8: {  	v8 =	vmov s9  }
0xf9: {  	v8 =	vadd.s32 $0xFFFFFFFF, v8  }
0xfa: {  	v8 =	vbroadcast v8, $0x0  }
0xfb: {  	v9, _, _ =	vpop (xrf0)  }
0xfc: {  	v10 =	vxor.u32 $0x80000000, v9;
	v8 =	vadd.s32 v9, v8  }
0xfd: {  	(xrf0) =	vmax.scan.msk.u32 $0xffff, v10;
	v8 =	vnsel vm3, $0x0, v8;
	_ =	sdelay $0x3  }
0xfe: {  	v9 =	vor.u32 s9, v3  }
0xff: {  	v10 =	vadd.s32 v1, v9;
	[tilespmem:v8+s4+$0x0] =	vst.idx.msk vm3, v7  }
0x100: {  	[tilespmem:v8+s0+$0x0] =	vst.idx.msk vm3, v10;
	v8, _, _ =	vpop (xrf0)  }
0x101: {  	(v2sf) =	vpush v8, $0xF;
	_ =	sdelay $0x1  }
0x102: {  	v9 =	vshll.u32 v9, $0xE  }
0x103: {  	s13 =	simm.s32 $0x4410;
	v9 =	vor.u32 v9, v7  }
0x104: {  	s12 =	simm.s32 $0x10;
	s14 =	simm.s32 $0x20;
	s11 =	simm.s32 $0x0;
	v7 =	vld [tilespmem:s13+$0x0];
	v8 =	vxor.u32 $0x80000000, v9  }
.LBB2_18:
0x105: {  	p0 =	sne.s32 s14, $0xC30;
	v8 =	vnsel vm3, $0x7FFFFFFF, v8  }
0x106: {  	(xrf0) =	vmax.scan.msk.u32 $0xffff, v8;
	_ =	sdelay $0x2  }
0x107: {  	vm3 =	vgt.s32 v7, $0xFFFFFFFF  }
0x108: {  	v9 =	vsel vm3, $0x1, v5  }
0x109: {  	(xrf0) =	vadd.scan.msk.s32 $0xffff, v9  }
0x10a: {  	v8, _, _ =	vpop (xrf0)  }
0x10b: {  	(v2sf) =	vpush v8, $0xF;
	_ =	sdelay $0x1  }
0x10c: {  	s15 =	spop (v2sf)  }
0x10d: {  	s11 =	sadd.s32 s15, s11  }
0x10e: {  	v8, _, _ =	vpop (xrf0);
	s11 =	sadd.s32 $0x80000000, s11  }
0x10f: {  	v9 =	vxor.u32 $0x80000000, v8;
	v10 =	vmov s11  }
0x110: {  	v10 =	vadd.s32 $0xFFFFFFFF, v10;
	(xrf0) =	vmax.scan.msk.u32 $0xffff, v9  }
0x111: {  	v9 =	vbroadcast v10, $0x0;
	_ =	sdelay $0x1  }
0x112: {  	v8 =	vadd.s32 v8, v9  }
0x113: {  	v8 =	vnsel vm3, $0x0, v8;
	_ =	sdelay $0x1  }
0x114: {  	v9, _, _ =	vpop (xrf0)  }
.Ltmp8:
0x115: {  	(v2sf) =	vpush v9, $0xF;
	(pc) =	sbr.rel @p0 .LBB2_18-.Ltmp8, $4  }
0x116: {  	v9 =	vor.u32 s12, v3;
	s12 =	smov.u32 s14  }
0x117: {  	v10 =	vadd.s32 v1, v9;
	v9 =	vshll.u32 v9, $0xE;
	[tilespmem:v8+s4+$0x0] =	vst.idx.msk vm3, v7;
	s15 =	spop (v2sf)  }
0x118: {  	s13 =	sadd.s32 $0x10, s13;
	[tilespmem:v8+s0+$0x0] =	vst.idx.msk vm3, v10;
	v8 =	vor.u32 v9, v7;
	s16 =	sxor.u32 $0x80000000, s15;
	p1 =	slt.s32 s15, $0x0  }
0x119: {  	s14 =	sadd.s32 $0x10, s14;
	v7 =	vld [tilespmem:s13+$0x0];
	v8 =	vxor.u32 $0x80000000, v8;
	s9 =	smov.u32 @p1 s16  }
0x11a: {  	_ =	sdelay $0x3  }
0x11b: {  	v8 =	vnsel vm3, $0x7FFFFFFF, v8;
	vm3 =	vgt.s32 v7, $0xFFFFFFFF  }
0x11c: {  	(xrf0) =	vmax.scan.msk.u32 $0xffff, v8;
	v8 =	vsel vm3, $0x1, v5  }
0x11d: {  	(xrf0) =	vadd.scan.msk.s32 $0xffff, v8;
	_ =	sdelay $0x4  }
0x11e: {  	v9 =	vor.u32 s12, v3;
	v8, _, _ =	vpop (xrf0)  }
0x11f: {  	v11 =	vshll.u32 v9, $0xE;
	v10, _, _ =	vpop (xrf0)  }
0x120: {  	v11 =	vor.u32 v11, v7;
	v12 =	vxor.u32 $0x80000000, v10  }
0x121: {  	v11 =	vxor.u32 $0x80000000, v11;
	(xrf0) =	vmax.scan.msk.u32 $0xffff, v12  }
0x122: {  	v11 =	vnsel vm3, $0x7FFFFFFF, v11  }
0x123: {  	(xrf0) =	vmax.scan.msk.u32 $0xffff, v11;
	_ =	sdelay $0x3  }
0x124: {  	(v2sf) =	vpush v8, $0xF;
	v8, _, _ =	vpop (xrf0)  }
0x125: {  	(v2sf) =	vpush v8, $0xF  }
0x126: {  	v8, _, _ =	vpop (xrf0)  }
0x127: {  	(v2sf) =	vpush v8, $0xF;
	_ =	sdelay $0x5  }
0x128: {  	s14 =	spop (v2sf)  }
0x129: {  	s11 =	sadd.s32 s14, s11  }
0x12a: {  	s11 =	sadd.s32 $0x80000000, s11  }
0x12b: {  	v8 =	vmov s11  }
0x12c: {  	v8 =	vadd.s32 $0xFFFFFFFF, v8  }
0x12d: {  	v8 =	vbroadcast v8, $0x0  }
0x12e: {  	s15 =	spop (v2sf)  }
0x12f: {  	v8 =	vadd.s32 v10, v8;
	s13 =	spop (v2sf)  }
0x130: {  	p0 =	slt.s32 s15, $0x0;
	s12 =	sxor.u32 $0x80000000, s15;
	v10 =	vnsel vm3, $0x0, v8;
	s11 =	sadd.s32 s13, s11  }
0x131: {  	s9 =	smov.u32 @p0 s12;
	s16 =	spop (v2sf);
	s12 =	sadd.s32 $0x80000000, s11  }
0x132: {  	s13 =	sxor.u32 $0x80000000, s16;
	p0 =	slt.s32 s16, $0x0;
	s14 =	sadd.s32 $0x1FF, s12  }
0x133: {  	s9 =	smov.u32 @p0 s13;
	s15 =	sadd.s32 $0x0, s12;
	s11 =	sand.u32 $0xFFFFFE00, s14  }
0x134: {  	v11 =	vadd.s32 s15, v3;
	s16 =	sand.u32 $0x3FFF, s9;
	s9 =	sshrl.u32 s9, $0xE;
	v8 =	vmov s11  }
0x135: {  	v9 =	vadd.s32 v1, v9;
	[tilespmem:v10+s4+$0x0] =	vst.idx.msk vm3, v7;
	s9 =	sadd.s32 s19, s9;
	v7 =	vmov s16;
	vm4 =	vlt.s32 v11, v8  }
0x136: {  	[tilespmem:v10+s0+$0x0] =	vst.idx.msk vm3, v9;
	v9 =	vmov s9;
	s9 =	simm.s32 $0x10;
	v10 =	vnsel vm4, $0x0, v11;
	vm3 =	vmmov vm4  }
.LBB2_20:
0x137: {  	p0 =	sne.s32 s9, $0x1F0  }
.Ltmp9:
0x138: {  	_ = 	snop;
	(pc) =	sbr.rel @p0 .LBB2_20-.Ltmp9, $4  }
0x139: {  	s13 =	sadd.s32 s12, s9  }
0x13a: {  	v11 =	vadd.s32 s13, v3  }
0x13b: {  	[tilespmem:v10+s4+$0x0] =	vst.idx.msk vm4, v7;
	vm4 =	vlt.s32 v11, v8  }
0x13c: {  	s9 =	sadd.s32 $0x10, s9;
	[tilespmem:v10+s0+$0x0] =	vst.idx.msk vm3, v9;
	v10 =	vnsel vm4, $0x0, v11;
	vm3 =	vmmov vm4  }
0x13d: {  	_ =	sdelay $0x4  }
0x13e: {  	[tilespmem:v10+s4+$0x0] =	vst.idx.msk vm4, v7  }
0x13f: {  	s9 =	rddreg [dreg:$0xc];
	[tilespmem:v10+s0+$0x0] =	vst.idx.msk vm3, v9  }
0x140: {  	[hbm4b:s9+s6] =	stream.linear.scatter [tilespmem:s4], [sflag:$0x2], $0x4000, $0x38;
	[tilespmem:$0x1C030] =	vst v63  }
0x141: {  	_ =	swait.ge [sflag:s25], $0x4000  }
0x142: {  	[sflag:s25] =	ssyncset.done $0x0  }
0x143: {  	s15 =	rddreg [dreg:$0xe];
	[sflag:s25] =	ssyncadd.s32 $0xFFFFC000  }
0x144: {  	[hbm4b:s15+s6] =	stream.linear.scatter [tilespmem:s0], [sflag:$0x2], $0x4000, $0x38;
	[tilespmem:$0x1C030] =	vst v63  }
0x145: {  	_ =	swait.ge [sflag:s25], $0x4000  }
0x146: {  	v6 =	vnsel vm1, $0x0, v6;
	s2 =	sadd.s32 $0x1, s2;
	[sflag:s25] =	ssyncset.done $0x0  }
0x147: {  	v6 =	vsel vm2, s11, v6;
	p0 =	sne.s32 s2, s20;
	[sflag:s25] =	ssyncadd.s32 $0xFFFFC000  }
.Ltmp10:
0x148: {  	s16 =	simm.s32 $0x1C020;
	[tilespmem:$0x1C020] =	vst v6;
	(pc) =	sbr.rel @p0 .LBB2_1-.Ltmp10, $4  }
0x149: {  	[hbm4b:s17+s6] =	stream.linear.scatter [tilespmem:s16], [sflag:$0x2], $0x8, $0x38;
	[tilespmem:$0x1C030] =	vst v63  }
0x14a: {  	_ =	swait.ge [sflag:s25], $0x8  }
0x14b: {  	[sflag:s25] =	ssyncset.done $0x0  }
0x14c: {  	[sflag:s25] =	ssyncadd.s32 $0xFFFFFFF8  }
0x14d: {  	_ =	sfence.sel $0x180000  }
0x14e: {  	[bflag:$0x0] =	sbarrier.arrive $0xFFFF  }
0x14f: {  	_ =	strace $0x9000004A  }
0x150: {  	s0 =	stileid.u32;
	[bflag:$0x2] =	sbarrier.arrive $0xFFFF  }
0x151: {  	p0 =	sne.s32 s0, $0x0;
	s0 =	rddreg [dreg:$0x7]  }
0x152: {  	s0 =	sadd.s32 @!p0 $0x100000, s0  }
0x153: {  	[sflag:s0] =	ssyncadd.tile.s32 @!p0 $0x1;
	_ =	shalt  }
.Lfunc_end2:
_tile_overlayer_lowered:
.L_overlay_start_2:
0x154: {  	(tag) =	ssettag $0x2  }
0x155: {  	s0 =	rddreg [dreg:$0x0];
	s2 =	stileid.u32  }
0x156: {  	s1 =	rddreg [dreg:$0x1];
	p0 =	sne.s32 s2, $0x0  }
0x157: {  	s3 =	rddreg [dreg:$0x2];
	[bflag:$0x3] =	sbarrier.arrive $0xFFFF;
	s2 =	simm.s32 @!p0 $0x1C02  }
0x158: {  	[timem:s3], [sflag:s2] =	dma.local @!p0 [hbm:s0], s1  }
0x159: {  	s0 =	simm.s32 @!p0 $0x2  }
0x15a: {  	_ =	swait.ge @!p0 [sflag:s0], s1  }
0x15b: {  	s1 =	ssub.s32 @!p0 $0x0, s1;
	[sflag:s0] =	ssyncset.done @!p0 $0x0  }
0x15c: {  	[sflag:s0] =	ssyncadd.s32 @!p0 s1  }
0x15d: {  	[bflag:$0x3] =	sbarrier.arrive $0xFFFF  }
0x15e: {  	_ =	shalt  }

// kernel: kernel.8.cloned.1.call-start
scs
__scs_entry_jumppad:
0x0: {  	(pc) =	sbr.rel $0x88, $3  }
0x1: {  	(tag) =	ssettag $0x0;
	lr =	simm.s32 $0x1  }
0x2: {  	[smem:$0x3F8D] =	sst lr;
	_ =	strace $0xD0000000  }
0x3: {  	_ = 	snop  }
0x4: {  	_ = 	snop  }
0x5: {  	_ = 	snop  }
0x6: {  	_ = 	snop  }
0x7: {  	_ = 	snop  }
__scs_overlays_trampoline_lowered:
0x8: {  	[smem:$0x3F9C] =	sst s0  }
0x9: {  	[smem:$0x3F9D] =	sst s1  }
0xa: {  	[smem:$0x3F9E] =	sst s2  }
0xb: {  	[smem:$0x3F9F] =	sst s3  }
0xc: {  	[smem:$0x3FA0] =	sst s4  }
0xd: {  	[smem:$0x3FA1] =	sst s5  }
0xe: {  	[smem:$0x3FA2] =	sst s6  }
0xf: {  	[smem:$0x3FA3] =	sst s7  }
0x10: {  	[smem:$0x3FA4] =	sst s8  }
0x11: {  	[smem:$0x3FA5] =	sst s9;
	s0 =	simm.s32 @!p0 $0x0  }
0x12: {  	s1 =	sld [smem:$0x3F8B];
	s0 =	simm.s32 @p0 $0x1  }
0x13: {  	[smem:$0x3FA6] =	sst s0;
	s0 =	simm.s32 @!p1 $0x0  }
0x14: {  	s2 =	sld [smem:$0x3F8A];
	s0 =	simm.s32 @p1 $0x1  }
0x15: {  	[smem:$0x3FA7] =	sst s0;
	s0 =	simm.s32 @!p2 $0x0  }
0x16: {  	s3 =	sld [smem:$0x3FDB];
	s0 =	simm.s32 @p2 $0x1  }
0x17: {  	s4 =	simm.s32 $0x1BF5;
	[smem:$0x3FA9] =	sst s0  }
0x18: {  	s0 =	sld [smem:$0x3F8C];
	_ =	swait.ge [sflag:s4], $0x0  }
0x19: {  	s7 =	sld [smem:$0x3F8D]  }
0x1a: {  	s8 =	sadd.s32 $0xFFFFE003, lr  }
0x1b: {  	s9 =	sadd.s32 $0xFFFFFEF7, lr;
	s5 =	simm.s32 $0xFFFFFFFF;
	p2 =	slt.u32 s8, $0xFFFFF086  }
0x1c: {  	p1 =	slt.u32 s9, $0xF7A;
	s5 =	simm.s32 @!p2 $0x0  }
0x1d: {  	s5 =	simm.s32 @p1 $0x1;
	p0 =	seq.s32 s7, s2  }
0x1e: {  	s7 =	smul.u32 @!p0 $0xF7A, s2;
	p2 =	seq.s32 @!p0 s5, $0x0  }
0x1f: {  	s9 =	smul.u32 $0xF7A, s1;
	s8 =	simm.s32 @!p0 $0x1BF5;
	p2 =	por !p2, p0  }
0x20: {  	[sflag:s8] =	ssyncset.s32 @!p0 $0xFFFFF086;
	s6 =	sadd.s32 @!p0 s3, s7;
	s7 =	simm.s32 @!p0 $0x108  }
0x21: {  	s3 =	sadd.s32 s3, s9;
	s6 =	sadd.s32 @!p0 $0x88, s6;
	s7 =	simm.s32 @p2 $0x1082  }
0x22: {  	[simem:s7], [sflag:s8] =	dma.local @!p0 [hbm:s6], $0xF7A  }
0x23: {  	s9 =	sor.u32 $0xD0000000, s2;
	s6 =	simm.s32 $0x108;
	_ =	swait.ge @!p0 [sflag:s8], $0x0  }
0x24: {  	s3 =	sadd.s32 $0x88, s3;
	s6 =	simm.s32 @!p1 $0x1082;
	[sflag:s4] =	ssyncset.s32 $0xFFFFF086  }
0x25: {  	[simem:s6], [sflag:s4] =	dma.local [hbm:s3], $0xF7A  }
0x26: {  	[smem:$0x3F8D] =	sst s1;
	(tag) =	ssettag s2;
	_ =	strace s9  }
0x27: {  	s1 =	sld [smem:$0x3F9D]  }
0x28: {  	s2 =	sld [smem:$0x3F9E]  }
0x29: {  	s4 =	sld [smem:$0x3FA0]  }
0x2a: {  	p0 =	seq.s32 s5, $0x0;
	s5 =	sld [smem:$0x3FA1]  }
0x2b: {  	s6 =	sld [smem:$0x3FA2]  }
0x2c: {  	s7 =	sld [smem:$0x3FA3]  }
0x2d: {  	s3 =	simm.s32 $0x108;
	s8 =	sld [smem:$0x3FA4]  }
0x2e: {  	s3 =	simm.s32 @!p0 $0x1082;
	s9 =	sld [smem:$0x3FA5]  }
0x2f: {  	lr =	sadd.s32 s0, s3;
	s0 =	sld [smem:$0x3F9C]  }
0x30: {  	s3 =	sld [smem:$0x3F9F]  }
0x31: {  	[smem:$0x3FA8] =	sst s10  }
0x32: {  	s10 =	sld [smem:$0x3FA6];
	_ =	sdelay $0x3  }
0x33: {  	p0 =	seq.s32 s10, $0x1;
	s10 =	sld [smem:$0x3FA8];
	_ =	sdelay $0x3  }
0x34: {  	[smem:$0x3FA8] =	sst s10  }
0x35: {  	s10 =	sld [smem:$0x3FA7];
	_ =	sdelay $0x3  }
0x36: {  	p1 =	seq.s32 s10, $0x1;
	s10 =	sld [smem:$0x3FA8];
	_ =	sdelay $0x3  }
0x37: {  	[smem:$0x3FA8] =	sst s10  }
0x38: {  	s10 =	sld [smem:$0x3FA9]  }
0x39: {  	_ = 	snop;
	(pc) =	sbr.ind lr, $3  }
0x3a: {  	_ = 	snop  }
0x3b: {  	_ = 	snop  }
0x3c: {  	p2 =	seq.s32 s10, $0x1;
	s10 =	sld [smem:$0x3FA8]  }
0x3d: {  	_ =	shalt  }
0x3e: {  	_ =	shalt  }
0x3f: {  	_ =	shalt  }
0x40: {  	_ =	shalt  }
0x41: {  	_ =	shalt  }
0x42: {  	_ =	shalt  }
0x43: {  	_ =	shalt  }
0x44: {  	_ =	shalt  }
0x45: {  	_ =	shalt  }
0x46: {  	_ =	shalt  }
0x47: {  	_ =	shalt  }
0x48: {  	_ =	shalt  }
0x49: {  	_ =	shalt  }
0x4a: {  	_ =	shalt  }
0x4b: {  	_ =	shalt  }
0x4c: {  	_ =	shalt  }
0x4d: {  	_ =	shalt  }
0x4e: {  	_ =	shalt  }
0x4f: {  	_ =	shalt  }
0x50: {  	_ =	shalt  }
0x51: {  	_ =	shalt  }
0x52: {  	_ =	shalt  }
0x53: {  	_ =	shalt  }
0x54: {  	_ =	shalt  }
0x55: {  	_ =	shalt  }
0x56: {  	_ =	shalt  }
0x57: {  	_ =	shalt  }
0x58: {  	_ =	shalt  }
0x59: {  	_ =	shalt  }
0x5a: {  	_ =	shalt  }
0x5b: {  	_ =	shalt  }
0x5c: {  	_ =	shalt  }
0x5d: {  	_ =	shalt  }
0x5e: {  	_ =	shalt  }
0x5f: {  	_ =	shalt  }
0x60: {  	_ =	shalt  }
0x61: {  	_ =	shalt  }
0x62: {  	_ =	shalt  }
0x63: {  	_ =	shalt  }
0x64: {  	_ =	shalt  }
0x65: {  	_ =	shalt  }
0x66: {  	_ =	shalt  }
0x67: {  	_ =	shalt  }
0x68: {  	_ =	shalt  }
0x69: {  	_ =	shalt  }
0x6a: {  	_ =	shalt  }
0x6b: {  	_ =	shalt  }
0x6c: {  	_ =	shalt  }
0x6d: {  	_ =	shalt  }
0x6e: {  	_ =	shalt  }
0x6f: {  	_ =	shalt  }
0x70: {  	_ =	shalt  }
0x71: {  	_ =	shalt  }
0x72: {  	_ =	shalt  }
0x73: {  	_ =	shalt  }
0x74: {  	_ =	shalt  }
0x75: {  	_ =	shalt  }
0x76: {  	_ =	shalt  }
0x77: {  	_ =	shalt  }
0x78: {  	_ =	shalt  }
0x79: {  	_ =	shalt  }
0x7a: {  	_ =	shalt  }
0x7b: {  	_ =	shalt  }
0x7c: {  	_ =	shalt  }
0x7d: {  	_ =	shalt  }
0x7e: {  	_ =	shalt  }
0x7f: {  	_ =	shalt  }
0x80: {  	_ =	shalt  }
0x81: {  	_ =	shalt  }
0x82: {  	_ =	shalt  }
0x83: {  	_ =	shalt  }
0x84: {  	_ =	shalt  }
0x85: {  	_ =	shalt  }
0x86: {  	_ =	shalt  }
0x87: {  	_ =	shalt  }
.Lfunc_end0:
.L_simem_size_0:
called_computation.3_lowered:
.L_overlay_start_0:
0x88: {  	s2 =	sld [smem:$0x3FD9]  }
0x89: {  	s3 =	sld [smem:$0x3FFE];
	_ =	sdelay $0x1  }
0x8a: {  	s1 =	srdreg.scid  }
0x8b: {  	s0 =	sand.u32 $0x1, s1  }
0x8c: {  	s14 =	sshll.u32 s0, $0xA;
	s2 =	sadd.s32 s3, s2  }
0x8d: {  	s2 =	sadd.s32 s2, s14  }
0x8e: {  	[smem:$0x3FB4] =	sst s2  }
0x8f: {  	_ = 	snop  }
0x90: {  	s2 =	sld [smem:$0x3FD0];
	_ =	sdelay $0x2  }
0x91: {  	s4 =	simm.s32 $0xA;
	s5 =	simm.s32 $0x10;
	s15 =	sld [smem:$0x3FC7]  }
0x92: {  	[smem:s5], [sflag:s4] =	dma.local [hbm:s2], $0x1  }
0x93: {  	_ =	swait.eq [sflag:s4], $0x1  }
0x94: {  	s16 =	sld [smem:$0x10]  }
0x95: {  	s17 =	sld [smem:$0x11]  }
0x96: {  	s6 =	sld [smem:$0x12]  }
0x97: {  	s7 =	sld [smem:$0x13];
	[sflag:s4] =	ssyncset.done $0x0  }
0x98: {  	s8 =	sld [smem:$0x14];
	[sflag:s4] =	ssyncadd.s32 $0xFFFFFFFF  }
0x99: {  	s18 =	sld [smem:$0x15];
	(tm) =	ssettm $0x1  }
0x9a: {  	s9 =	sld [smem:$0x3FFB];
	_ =	sdelay $0x3  }
0x9b: {  	_ =	strace s9  }
0x9c: {  	s9 =	sld [smem:$0x3FFC];
	_ =	sdelay $0x3  }
0x9d: {  	_ =	strace s9  }
0x9e: {  	s9 =	sld [smem:$0x3FFD];
	_ =	sdelay $0x3  }
0x9f: {  	_ =	strace s9  }
0xa0: {  	_ =	strace $0x8FFFFFFF  }
0xa1: {  	s19 =	sld [smem:$0x3FDB];
	_ =	sdelay $0x1  }
0xa2: {  	s10 =	simm.s32 $_scs_section_size  }
0xa3: {  	s11 =	simm.s32 $_size__tile_overlayer_lowered;
	s12 =	simm.s32 $_tile_overlayer_lowered  }
0xa4: {  	s22 =	simm.s32 $0x1BFF;
	s21 =	sshll.u32 s12, $0x1;
	s9 =	sadd.s32 s10, s19  }
0xa5: {  	s13 =	simm.s32 $0x0;
	s20 =	sshll.u32 s11, $0x1;
	s11 =	sadd.s32 s21, s9  }
0xa6: {  	[timem:s13], [sflag:s22] =	dma.local [hbm:s11], s20  }
0xa7: {  	_ =	swait.ge [sflag:s22], s20  }
0xa8: {  	s10 =	ssub.s32 $0x0, s20;
	[sflag:s22] =	ssyncset.done $0x0  }
0xa9: {  	[sflag:s22] =	ssyncadd.s32 s10;
	_ =	sdelay $0x1  }
0xaa: {  	s23 =	simm.s32 $0x1B8B  }
0xab: {  	_ =	swait.ge [sflag:s23], $0x1  }
0xac: {  	[sflag:s23] =	ssyncset.done $0x0  }
0xad: {  	s25 =	simm.s32 $0x1B8E;
	s24 =	sld [smem:$0x3FFE];
	[sflag:s23] =	ssyncadd.s32 $0xFFFFFFFF  }
0xae: {  	s26 =	simm.s32 $execute0_lowered;
	[smem:$0x3FD2] =	sst s25  }
0xaf: {  	s11 =	sshll.u32 s26, $0x1;
	_ =	strace $0x8000004C;
	[dreg:$0x1] =	wrdreg $0xFFFFFFFF  }
0xb0: {  	s28 =	simm.s32 $_size_execute0_lowered;
	s9 =	sadd.s32 s9, s11;
	[dreg:$0x0] =	wrdreg $0x0  }
0xb1: {  	s11 =	sshll.u32 s28, $0x1;
	[dreg:$0x2] =	wrdreg s9  }
0xb2: {  	[dreg:$0x3] =	wrdreg s11  }
0xb3: {  	[dreg:$0x4] =	wrdreg $0xC0  }
0xb4: {  	_ =	task [dreg:s13], $0x5FFFF  }
0xb5: {  	[dreg:$0x1] =	wrdreg $0xFFFFFFFF  }
0xb6: {  	[dreg:$0x0] =	wrdreg $0x60  }
0xb7: {  	[dreg:$0x2] =	wrdreg s17  }
0xb8: {  	[dreg:$0x3] =	wrdreg s16  }
0xb9: {  	[dreg:$0x4] =	wrdreg s15  }
0xba: {  	[dreg:$0x5] =	wrdreg s24  }
0xbb: {  	[dreg:$0x6] =	wrdreg s6  }
0xbc: {  	[dreg:$0x7] =	wrdreg s7  }
0xbd: {  	[dreg:$0x8] =	wrdreg s8  }
0xbe: {  	[dreg:$0x9] =	wrdreg s18  }
0xbf: {  	[dreg:$0xa] =	wrdreg $0x9  }
0xc0: {  	_ =	task.clear_ibuf [dreg:s13], $0xBFFFF;
	_ =	strace $0x9000004C  }
0xc1: {  	s29 =	simm.s32 $0x9;
	_ =	strace $0x8000004E  }
0xc2: {  	_ =	swait.ge [sflag:s29], $0x1  }
0xc3: {  	[sflag:s29] =	ssyncadd.s32 $0xFFFFFFFF  }
0xc4: {  	_ =	strace $0x9000004E  }
0xc5: {  	_ =	sfence  }
0xc6: {  	s30 =	sld [smem:$0x0];
	_ =	sdelay $0x2  }
0xc7: {  	s31 =	sshll.u32 s1, $0xD;
	s1 =	sshrl.u32 s1, $0x2  }
0xc8: {  	s3 =	sand.u32 $0x4000, s31;
	s1 =	sadd.s32 s1, s30  }
0xc9: {  	s0 =	sor.u32 s3, s0;
	s1 =	sshll.u32 s1, $0x11  }
0xca: {  	s0 =	sor.u32 s1, s0  }
0xcb: {  	s0 =	sadd.s32 $0x8F2B, s0  }
0xcc: {  	[sflag:s0] =	ssyncadd.remote.s32 $0x1  }
0xcd: {  	_ =	sfence.sel $0xFFFF  }
0xce: {  	[dreg:$0x0] =	wrdreg $0xFFFFFFFF;
	(pc) =	sbr.abs _section_cstart, $3  }
0xcf: {  	[dreg:$0x1] =	wrdreg $0xFFFFFFFF  }
0xd0: {  	_ =	task.clear_ibuf [dreg:s13], $0x2FFFF;
	_ =	strace $0x9FFFFFFF  }
0xd1: {  	(tm) =	ssettm $0x7FFFFFFF  }
tec
execute0_lowered:
.L_overlay_start_1:
0x0: {  	(tag) =	ssettag $0x1  }
0x1: {  	s0 =	rddreg [dreg:$0x0]  }
0x2: {  	s1 =	rddreg [dreg:$0x1]  }
0x3: {  	s2 =	rddreg [dreg:$0x2]  }
0x4: {  	s10 =	rddreg [dreg:$0x3]  }
0x5: {  	s4 =	rddreg [dreg:$0x4]  }
0x6: {  	s5 =	rddreg [dreg:$0x5]  }
0x7: {  	s7 =	rddreg [dreg:$0x6];
	s6 =	srdreg.scid  }
0x8: {  	s3 =	stileid.u32;
	s8 =	rddreg [dreg:$0x7]  }
0x9: {  	s9 =	simm.s32 $0x0;
	s16 =	simm.s32 $0x2;
	s17 =	simm.s32 $0x14200  }
0xa: {  	s11 =	sand.u32 $0x1, s6;
	s12 =	sshll.u32 s3, $0x1;
	[smem:$0x7FF] =	sst s9  }
0xb: {  	s18 =	simm.s32 $0x0;
	s12 =	sor.u32 s11, s12;
	_ =	strace $0x8000004D  }
0xc: {  	s11 =	ssub.s32 $0x2, s11;
	s13 =	sshll.u32 s12, $0xB;
	s14 =	sadd.s32 s12, s10  }
0xd: {  	s31 =	sshrl.u32 s11, $0x1;
	s13 =	sadd.s32 s13, s10;
	s14 =	sadd.s32 $0x866C00, s14  }
0xe: {  	s15 =	ssub.s32 s11, s31;
	s10 =	sadd.s32 $0x826C00, s13;
	s11 =	sadd.s32 $0x836C00, s13  }
0xf: {  	vm0 =	vmmov $0x1;
	vm1 =	vcmask $0x308;
	s12 =	sadd.s32 $0x846C00, s13;
	s13 =	sadd.s32 $0x856C00, s13;
	s15 =	smax.u32 s15, $0x1  }
.LBB2_1:
0x10: {  	[tilespmem:s9], [sflag:$0x2] =	stream.linear.gather [hbm4b:s10+s9], $0x4000, $0x38;
	[tilespmem:$0x14210] =	vst v63  }
0x11: {  	_ =	swait.ge [sflag:s16], $0x4000  }
0x12: {  	[sflag:s16] =	ssyncset.done $0x0  }
0x13: {  	s23 =	simm.s32 $0x4000;
	[sflag:s16] =	ssyncadd.s32 $0xFFFFC000  }
0x14: {  	[tilespmem:s23], [sflag:$0x2] =	stream.linear.gather [hbm4b:s11+s9], $0x4000, $0x38;
	[tilespmem:$0x14210] =	vst v63  }
0x15: {  	_ =	swait.ge [sflag:s16], $0x4000  }
0x16: {  	[sflag:s16] =	ssyncset.done $0x0  }
0x17: {  	s22 =	simm.s32 $0x8000;
	[sflag:s16] =	ssyncadd.s32 $0xFFFFC000  }
0x18: {  	[tilespmem:s22], [sflag:$0x2] =	stream.linear.gather [hbm4b:s12+s9], $0x4000, $0x38;
	[tilespmem:$0x14210] =	vst v63  }
0x19: {  	_ =	swait.ge [sflag:s16], $0x4000  }
0x1a: {  	[sflag:s16] =	ssyncset.done $0x0  }
0x1b: {  	s21 =	simm.s32 $0xC000;
	[sflag:s16] =	ssyncadd.s32 $0xFFFFC000  }
0x1c: {  	[tilespmem:s21], [sflag:$0x2] =	stream.linear.gather [hbm4b:s13+s9], $0x4000, $0x38;
	[tilespmem:$0x14210] =	vst v63  }
0x1d: {  	_ =	swait.ge [sflag:s16], $0x4000  }
0x1e: {  	[sflag:s16] =	ssyncset.done $0x0  }
0x1f: {  	[sflag:s16] =	ssyncadd.s32 $0xFFFFC000  }
0x20: {  	[tilespmem:s17], [sflag:$0x2] =	stream.linear.gather [hbm4b:s14+s9], $0x8, $0x38;
	[tilespmem:$0x14210] =	vst v63  }
0x21: {  	_ =	swait.ge [sflag:s16], $0x8  }
0x22: {  	[sflag:s16] =	ssyncset.done $0x0  }
0x23: {  	[sflag:s16] =	ssyncadd.s32 $0xFFFFFFF8  }
0x24: {  	v0 =	vld [tilespmem:$0x14200];
	_ =	sdelay $0x4  }
0x25: {  	v1 =	vnsel vm0, $0x0, v0  }
0x26: {  	v1 =	vxor.u32 $0x80000000, v1  }
0x27: {  	v0 =	vsel vm1, $0x0, v0;
	(xrf0) =	vmax.scan.msk.u32 $0xffff, v1  }
0x28: {  	v0 =	vxor.u32 $0x80000000, v0  }
0x29: {  	(xrf0) =	vmax.scan.msk.u32 $0xffff, v0;
	_ =	sdelay $0x3  }
0x2a: {  	v62, _, _ =	vpop (xrf0)  }
0x2b: {  	(v2sf) =	vpush v62, $0xF  }
0x2c: {  	v63, _, _ =	vpop (xrf0)  }
0x2d: {  	(v2sf) =	vpush v63, $0xF;
	_ =	sdelay $0xc  }
0x2e: {  	s19 =	spop (v2sf)  }
0x2f: {  	s20 =	sxor.u32 $0x80000000, s19  }
0x30: {  	s31 =	spop (v2sf);
	p1 =	sle.s32 s20, $0x0  }
0x31: {  	s24 =	simm.s32 @!p1 $0x200;
	s25 =	simm.s32 @!p1 $0x10000;
	s26 =	simm.s32 @!p1 $0x1  }
0x32: {  	[tilespmem:s25], [sflag:$0x1] =	stream.indirect.gather @!p1 [hbm4b:s0+s24], $0x20, s9, s24, $0xb8;
	[tilespmem:$0x14210] =	vst v63  }
0x33: {  	_ =	swait.ge @!p1 [sflag:s26], $0x4000  }
0x34: {  	[sflag:s26] =	ssyncset.done @!p1 $0x0  }
0x35: {  	[sflag:s26] =	ssyncadd.s32 @!p1 $0xFFFFC000  }
0x36: {  	[hbm4b:s4+s24] =	stream.indirect.scatter @!p1 [tilespmem:s25], [sflag:$0x1], $0x20, s23, s24, $0xb8;
	[tilespmem:$0x14210] =	vst v63  }
0x37: {  	_ =	swait.ge @!p1 [sflag:s26], $0x4000  }
0x38: {  	[sflag:s26] =	ssyncset.done @!p1 $0x0  }
0x39: {  	s25 =	simm.s32 @!p1 $0x14000;
	[sflag:s26] =	ssyncadd.s32 @!p1 $0xFFFFC000  }
0x3a: {  	[tilespmem:s25], [sflag:$0x1] =	stream.indirect.gather @!p1 [hbm4b:s2+s24], $0x1, s9, s24, $0xb8;
	[tilespmem:$0x14210] =	vst v63  }
0x3b: {  	_ =	swait.ge @!p1 [sflag:s26], $0x200  }
0x3c: {  	[sflag:s26] =	ssyncset.done @!p1 $0x0  }
0x3d: {  	s19 =	sxor.u32 $0x80000000, s31;
	[sflag:s26] =	ssyncadd.s32 @!p1 $0xFFFFFE00  }
0x3e: {  	[hbm4b:s7+s24] =	stream.indirect.scatter @!p1 [tilespmem:s25], [sflag:$0x1], $0x1, s23, s24, $0xb8;
	[tilespmem:$0x14210] =	vst v63  }
0x3f: {  	p0 =	sle.s32 s19, $0x0;
	_ =	swait.ge @!p1 [sflag:s26], $0x200  }
0x40: {  	s28 =	simm.s32 @!p0 $0x1;
	[sflag:s26] =	ssyncset.done @!p1 $0x0  }
0x41: {  	s24 =	simm.s32 @!p0 $0x200;
	s23 =	simm.s32 @!p0 $0x10000;
	[sflag:s26] =	ssyncadd.s32 @!p1 $0xFFFFFE00  }
0x42: {  	[tilespmem:s23], [sflag:$0x1] =	stream.indirect.gather @!p0 [hbm4b:s1+s24], $0x20, s22, s24, $0xb8;
	[tilespmem:$0x14210] =	vst v63  }
0x43: {  	_ =	swait.ge @!p0 [sflag:s28], $0x4000  }
0x44: {  	[sflag:s28] =	ssyncset.done @!p0 $0x0  }
0x45: {  	[sflag:s28] =	ssyncadd.s32 @!p0 $0xFFFFC000  }
0x46: {  	[hbm4b:s5+s24] =	stream.indirect.scatter @!p0 [tilespmem:s23], [sflag:$0x1], $0x20, s21, s24, $0xb8;
	[tilespmem:$0x14210] =	vst v63  }
0x47: {  	_ =	swait.ge @!p0 [sflag:s28], $0x4000  }
0x48: {  	[sflag:s28] =	ssyncset.done @!p0 $0x0  }
0x49: {  	s25 =	simm.s32 @!p0 $0x14000;
	[sflag:s28] =	ssyncadd.s32 @!p0 $0xFFFFC000  }
0x4a: {  	[tilespmem:s25], [sflag:$0x1] =	stream.indirect.gather @!p0 [hbm4b:s2+s24], $0x1, s22, s24, $0xb8;
	[tilespmem:$0x14210] =	vst v63  }
0x4b: {  	_ =	swait.ge @!p0 [sflag:s28], $0x200  }
0x4c: {  	[sflag:s28] =	ssyncset.done @!p0 $0x0  }
0x4d: {  	s26 =	simm.s32 $0x400;
	[sflag:s28] =	ssyncadd.s32 @!p0 $0xFFFFFE00  }
0x4e: {  	[hbm4b:s8+s24] =	stream.indirect.scatter @!p0 [tilespmem:s25], [sflag:$0x1], $0x1, s21, s24, $0xb8;
	[tilespmem:$0x14210] =	vst v63  }
0x4f: {  	s23 =	simm.s32 $0x200;
	s22 =	simm.s32 $0x8200;
	s24 =	simm.s32 $0x4200  }
0x50: {  	s21 =	simm.s32 $0xC200;
	s25 =	simm.s32 $0x200;
	_ =	swait.ge @!p0 [sflag:s28], $0x200  }
.LBB2_2:
0x51: {  	p2 =	sge.s32 s23, s20  }
0x52: {  	[sflag:s28] =	ssyncset.done @!p0 $0x0;
	s29 =	smov.u32 s26;
	s26 =	sadd.s32 $0x200, s26  }
0x53: {  	s30 =	simm.s32 @!p2 $0x200;
	s31 =	simm.s32 @!p2 $0x10000;
	s6 =	simm.s32 @!p2 $0x1  }
0x54: {  	p1 =	sne.s32 s26, $0x4000;
	[sflag:s28] =	ssyncadd.s32 @!p0 $0xFFFFFE00  }
0x55: {  	[tilespmem:s31], [sflag:$0x1] =	stream.indirect.gather @!p2 [hbm4b:s0+s30], $0x20, s25, s30, $0xb8;
	[tilespmem:$0x14210] =	vst v63  }
0x56: {  	_ =	swait.ge @!p2 [sflag:s6], $0x4000  }
0x57: {  	[sflag:s6] =	ssyncset.done @!p2 $0x0  }
0x58: {  	[sflag:s6] =	ssyncadd.s32 @!p2 $0xFFFFC000  }
0x59: {  	[hbm4b:s4+s30] =	stream.indirect.scatter @!p2 [tilespmem:s31], [sflag:$0x1], $0x20, s24, s30, $0xb8;
	[tilespmem:$0x14210] =	vst v63  }
0x5a: {  	_ =	swait.ge @!p2 [sflag:s6], $0x4000  }
0x5b: {  	s28 =	simm.s32 @!p2 $0x14000;
	[sflag:s6] =	ssyncset.done @!p2 $0x0  }
0x5c: {  	[sflag:s6] =	ssyncadd.s32 @!p2 $0xFFFFC000  }
0x5d: {  	[tilespmem:s28], [sflag:$0x1] =	stream.indirect.gather @!p2 [hbm4b:s2+s30], $0x1, s25, s30, $0xb8;
	[tilespmem:$0x14210] =	vst v63  }
0x5e: {  	_ =	swait.ge @!p2 [sflag:s6], $0x200  }
0x5f: {  	[sflag:s6] =	ssyncset.done @!p2 $0x0  }
0x60: {  	[sflag:s6] =	ssyncadd.s32 @!p2 $0xFFFFFE00  }
0x61: {  	[hbm4b:s7+s30] =	stream.indirect.scatter @!p2 [tilespmem:s28], [sflag:$0x1], $0x1, s24, s30, $0xb8;
	[tilespmem:$0x14210] =	vst v63  }
0x62: {  	p0 =	sge.s32 s23, s19;
	s23 =	smov.u32 s29;
	_ =	swait.ge @!p2 [sflag:s6], $0x200  }
0x63: {  	s29 =	simm.s32 @!p0 $0x200;
	s30 =	simm.s32 @!p0 $0x10000;
	[sflag:s6] =	ssyncset.done @!p2 $0x0  }
0x64: {  	s28 =	simm.s32 @!p0 $0x1;
	[sflag:s6] =	ssyncadd.s32 @!p2 $0xFFFFFE00  }
0x65: {  	[tilespmem:s30], [sflag:$0x1] =	stream.indirect.gather @!p0 [hbm4b:s1+s29], $0x20, s22, s29, $0xb8;
	[tilespmem:$0x14210] =	vst v63  }
0x66: {  	_ =	swait.ge @!p0 [sflag:s28], $0x4000  }
0x67: {  	[sflag:s28] =	ssyncset.done @!p0 $0x0  }
0x68: {  	[sflag:s28] =	ssyncadd.s32 @!p0 $0xFFFFC000  }
0x69: {  	[hbm4b:s5+s29] =	stream.indirect.scatter @!p0 [tilespmem:s30], [sflag:$0x1], $0x20, s21, s29, $0xb8;
	[tilespmem:$0x14210] =	vst v63  }
0x6a: {  	_ =	swait.ge @!p0 [sflag:s28], $0x4000  }
0x6b: {  	s6 =	simm.s32 @!p0 $0x14000;
	[sflag:s28] =	ssyncset.done @!p0 $0x0  }
0x6c: {  	[sflag:s28] =	ssyncadd.s32 @!p0 $0xFFFFC000  }
0x6d: {  	[tilespmem:s6], [sflag:$0x1] =	stream.indirect.gather @!p0 [hbm4b:s2+s29], $0x1, s22, s29, $0xb8;
	[tilespmem:$0x14210] =	vst v63  }
.Ltmp0:
0x6e: {  	_ =	swait.ge @!p0 [sflag:s28], $0x200;
	(pc) =	sbr.rel @p1 .LBB2_2-.Ltmp0, $4  }
0x6f: {  	[sflag:s28] =	ssyncset.done @!p0 $0x0  }
0x70: {  	s25 =	sadd.s32 $0x200, s25;
	s24 =	sadd.s32 $0x200, s24;
	[sflag:s28] =	ssyncadd.s32 @!p0 $0xFFFFFE00  }
0x71: {  	[hbm4b:s8+s29] =	stream.indirect.scatter @!p0 [tilespmem:s6], [sflag:$0x1], $0x1, s21, s29, $0xb8;
	[tilespmem:$0x14210] =	vst v63  }
0x72: {  	s22 =	sadd.s32 $0x200, s22;
	s21 =	sadd.s32 $0x200, s21;
	_ =	swait.ge @!p0 [sflag:s28], $0x200  }
0x73: {  	p1 =	sge.s32 s23, s20  }
0x74: {  	[sflag:s28] =	ssyncset.done @!p0 $0x0;
	s6 =	simm.s32 @!p1 $0x200  }
0x75: {  	s20 =	simm.s32 @!p1 $0x10000;
	s26 =	simm.s32 @!p1 $0x1;
	[sflag:s28] =	ssyncadd.s32 @!p0 $0xFFFFFE00  }
0x76: {  	[tilespmem:s20], [sflag:$0x1] =	stream.indirect.gather @!p1 [hbm4b:s0+s6], $0x20, s25, s6, $0xb8;
	[tilespmem:$0x14210] =	vst v63  }
0x77: {  	_ =	swait.ge @!p1 [sflag:s26], $0x4000  }
0x78: {  	[sflag:s26] =	ssyncset.done @!p1 $0x0  }
0x79: {  	[sflag:s26] =	ssyncadd.s32 @!p1 $0xFFFFC000  }
0x7a: {  	[hbm4b:s4+s6] =	stream.indirect.scatter @!p1 [tilespmem:s20], [sflag:$0x1], $0x20, s24, s6, $0xb8;
	[tilespmem:$0x14210] =	vst v63  }
0x7b: {  	_ =	swait.ge @!p1 [sflag:s26], $0x4000  }
0x7c: {  	[sflag:s26] =	ssyncset.done @!p1 $0x0  }
0x7d: {  	s20 =	simm.s32 @!p1 $0x14000;
	[sflag:s26] =	ssyncadd.s32 @!p1 $0xFFFFC000  }
0x7e: {  	[tilespmem:s20], [sflag:$0x1] =	stream.indirect.gather @!p1 [hbm4b:s2+s6], $0x1, s25, s6, $0xb8;
	[tilespmem:$0x14210] =	vst v63  }
0x7f: {  	_ =	swait.ge @!p1 [sflag:s26], $0x200  }
0x80: {  	[sflag:s26] =	ssyncset.done @!p1 $0x0  }
0x81: {  	[sflag:s26] =	ssyncadd.s32 @!p1 $0xFFFFFE00  }
0x82: {  	[hbm4b:s7+s6] =	stream.indirect.scatter @!p1 [tilespmem:s20], [sflag:$0x1], $0x1, s24, s6, $0xb8;
	[tilespmem:$0x14210] =	vst v63  }
0x83: {  	p0 =	sge.s32 s23, s19;
	_ =	swait.ge @!p1 [sflag:s26], $0x200  }
0x84: {  	s19 =	simm.s32 @!p0 $0x10000;
	[sflag:s26] =	ssyncset.done @!p1 $0x0  }
0x85: {  	s6 =	simm.s32 @!p0 $0x200;
	s20 =	simm.s32 @!p0 $0x1;
	[sflag:s26] =	ssyncadd.s32 @!p1 $0xFFFFFE00  }
0x86: {  	[tilespmem:s19], [sflag:$0x1] =	stream.indirect.gather @!p0 [hbm4b:s1+s6], $0x20, s22, s6, $0xb8;
	[tilespmem:$0x14210] =	vst v63  }
0x87: {  	_ =	swait.ge @!p0 [sflag:s20], $0x4000  }
0x88: {  	[sflag:s20] =	ssyncset.done @!p0 $0x0  }
0x89: {  	[sflag:s20] =	ssyncadd.s32 @!p0 $0xFFFFC000  }
0x8a: {  	[hbm4b:s5+s6] =	stream.indirect.scatter @!p0 [tilespmem:s19], [sflag:$0x1], $0x20, s21, s6, $0xb8;
	[tilespmem:$0x14210] =	vst v63  }
0x8b: {  	_ =	swait.ge @!p0 [sflag:s20], $0x4000  }
0x8c: {  	[sflag:s20] =	ssyncset.done @!p0 $0x0  }
0x8d: {  	s19 =	simm.s32 @!p0 $0x14000;
	[sflag:s20] =	ssyncadd.s32 @!p0 $0xFFFFC000  }
0x8e: {  	[tilespmem:s19], [sflag:$0x1] =	stream.indirect.gather @!p0 [hbm4b:s2+s6], $0x1, s22, s6, $0xb8;
	[tilespmem:$0x14210] =	vst v63  }
0x8f: {  	s18 =	sadd.s32 $0x1, s18;
	_ =	swait.ge @!p0 [sflag:s20], $0x200  }
0x90: {  	p1 =	sne.s32 s18, s15;
	[sflag:s20] =	ssyncset.done @!p0 $0x0  }
.Ltmp1:
0x91: {  	[sflag:s20] =	ssyncadd.s32 @!p0 $0xFFFFFE00;
	(pc) =	sbr.rel @p1 .LBB2_1-.Ltmp1, $4  }
0x92: {  	[hbm4b:s8+s6] =	stream.indirect.scatter @!p0 [tilespmem:s19], [sflag:$0x1], $0x1, s21, s6, $0xb8;
	[tilespmem:$0x14210] =	vst v63  }
0x93: {  	_ =	swait.ge @!p0 [sflag:s20], $0x200  }
0x94: {  	[sflag:s20] =	ssyncset.done @!p0 $0x0  }
0x95: {  	[sflag:s20] =	ssyncadd.s32 @!p0 $0xFFFFFE00  }
0x96: {  	_ =	sfence.sel $0x180000  }
0x97: {  	[bflag:$0x0] =	sbarrier.arrive $0xFFFF  }
0x98: {  	_ =	strace $0x9000004D  }
0x99: {  	[bflag:$0x2] =	sbarrier.arrive $0xFFFF  }
0x9a: {  	p0 =	sne.s32 s3, $0x0;
	s0 =	rddreg [dreg:$0x8]  }
0x9b: {  	s0 =	sadd.s32 @!p0 $0x100000, s0  }
0x9c: {  	[sflag:s0] =	ssyncadd.tile.s32 @!p0 $0x1;
	_ =	shalt  }
.Lfunc_end2:
_tile_overlayer_lowered:
.L_overlay_start_2:
0x9d: {  	(tag) =	ssettag $0x2  }
0x9e: {  	s0 =	rddreg [dreg:$0x0];
	s2 =	stileid.u32  }
0x9f: {  	s1 =	rddreg [dreg:$0x1];
	p0 =	sne.s32 s2, $0x0  }
0xa0: {  	s3 =	rddreg [dreg:$0x2];
	[bflag:$0x3] =	sbarrier.arrive $0xFFFF;
	s2 =	simm.s32 @!p0 $0x1C02  }
0xa1: {  	[timem:s3], [sflag:s2] =	dma.local @!p0 [hbm:s0], s1  }
0xa2: {  	s0 =	simm.s32 @!p0 $0x2  }
0xa3: {  	_ =	swait.ge @!p0 [sflag:s0], s1  }
0xa4: {  	s1 =	ssub.s32 @!p0 $0x0, s1;
	[sflag:s0] =	ssyncset.done @!p0 $0x0  }
0xa5: {  	[sflag:s0] =	ssyncadd.s32 @!p0 s1  }
0xa6: {  	[bflag:$0x3] =	sbarrier.arrive $0xFFFF  }
0xa7: {  	_ =	shalt  }

// kernel: sparse-core-data-format-call.1.cloned.1.call-start
scs
called_computation.1_lowered:
.L_overlay_start_0:
0x0: {  	s1 =	sld [smem:$0x3FD9]  }
0x1: {  	s2 =	sld [smem:$0x3FFE];
	_ =	sdelay $0x1  }
0x2: {  	s3 =	srdreg.scid  }
0x3: {  	s0 =	sand.u32 $0x1, s3  }
0x4: {  	s17 =	sshll.u32 s0, $0xA;
	s1 =	sadd.s32 s2, s1  }
0x5: {  	s1 =	sadd.s32 s1, s17  }
0x6: {  	[smem:$0x3FB4] =	sst s1  }
0x7: {  	_ = 	snop  }
0x8: {  	(tm) =	ssettm $0x1  }
0x9: {  	s18 =	sld [smem:$0x3FFB];
	_ =	sdelay $0x3  }
0xa: {  	_ =	strace s18  }
0xb: {  	s1 =	sld [smem:$0x3FFC];
	_ =	sdelay $0x3  }
0xc: {  	_ =	strace s1  }
0xd: {  	s1 =	sld [smem:$0x3FFD];
	_ =	sdelay $0x3  }
0xe: {  	_ =	strace s1  }
0xf: {  	_ =	strace $0x8FFFFFFF  }
0x10: {  	s19 =	sld [smem:$0x3FDB];
	_ =	sdelay $0x1  }
0x11: {  	s20 =	simm.s32 $_scs_section_size  }
0x12: {  	s4 =	simm.s32 $_size__tile_overlayer_lowered;
	s5 =	simm.s32 $_tile_overlayer_lowered  }
0x13: {  	s23 =	simm.s32 $0x1BFF;
	s22 =	sshll.u32 s5, $0x1;
	s1 =	sadd.s32 s20, s19  }
0x14: {  	s6 =	simm.s32 $0x0;
	s21 =	sshll.u32 s4, $0x1;
	s4 =	sadd.s32 s22, s1  }
0x15: {  	[timem:s6], [sflag:s23] =	dma.local [hbm:s4], s21  }
0x16: {  	_ =	swait.ge [sflag:s23], s21  }
0x17: {  	s2 =	ssub.s32 $0x0, s21;
	[sflag:s23] =	ssyncset.done $0x0  }
0x18: {  	[sflag:s23] =	ssyncadd.s32 s2;
	_ =	sdelay $0x1  }
0x19: {  	s24 =	simm.s32 $0x1B8B  }
0x1a: {  	_ =	swait.ge [sflag:s24], $0x1  }
0x1b: {  	[sflag:s24] =	ssyncset.done $0x0  }
0x1c: {  	s26 =	simm.s32 $0x1B8E;
	s25 =	sld [smem:$0x3FFE];
	[sflag:s24] =	ssyncadd.s32 $0xFFFFFFFF  }
0x1d: {  	s27 =	simm.s32 $execute0_lowered;
	[smem:$0x3FD2] =	sst s26  }
0x1e: {  	s4 =	sshll.u32 s27, $0x1;
	_ =	strace $0x80000046;
	[dreg:$0x1] =	wrdreg $0xFFFFFFFF  }
0x1f: {  	s28 =	simm.s32 $_size_execute0_lowered;
	s1 =	sadd.s32 s1, s4;
	[dreg:$0x0] =	wrdreg $0x0  }
0x20: {  	s4 =	sshll.u32 s28, $0x1;
	[dreg:$0x2] =	wrdreg s1  }
0x21: {  	[dreg:$0x3] =	wrdreg s4  }
0x22: {  	[dreg:$0x4] =	wrdreg $0xC0  }
0x23: {  	_ =	task [dreg:s6], $0x5FFFF  }
0x24: {  	[dreg:$0x1] =	wrdreg $0xFFFFFFFF  }
0x25: {  	[dreg:$0x0] =	wrdreg $0x60  }
0x26: {  	[dreg:$0x2] =	wrdreg s25  }
0x27: {  	[dreg:$0x3] =	wrdreg $0x9  }
0x28: {  	_ =	task.clear_ibuf [dreg:s6], $0x4FFFF;
	_ =	strace $0x90000046  }
0x29: {  	s29 =	simm.s32 $0x9;
	_ =	strace $0x80000048  }
0x2a: {  	_ =	swait.ge [sflag:s29], $0x1  }
0x2b: {  	[sflag:s29] =	ssyncadd.s32 $0xFFFFFFFF  }
0x2c: {  	_ =	strace $0x90000048  }
0x2d: {  	_ =	sfence  }
0x2e: {  	s30 =	sld [smem:$0x0];
	_ =	sdelay $0x2  }
0x2f: {  	s31 =	sshll.u32 s3, $0xD;
	s3 =	sshrl.u32 s3, $0x2  }
0x30: {  	s2 =	sand.u32 $0x4000, s31;
	s1 =	sadd.s32 s3, s30  }
0x31: {  	s0 =	sor.u32 s2, s0;
	s1 =	sshll.u32 s1, $0x11  }
0x32: {  	s0 =	sor.u32 s1, s0  }
0x33: {  	s0 =	sadd.s32 $0x8F2B, s0  }
0x34: {  	[sflag:s0] =	ssyncadd.remote.s32 $0x1  }
0x35: {  	_ =	sfence.sel $0xFFFF  }
0x36: {  	[dreg:$0x0] =	wrdreg $0xFFFFFFFF;
	(pc) =	sbr.abs _section_cstart, $3  }
0x37: {  	[dreg:$0x1] =	wrdreg $0xFFFFFFFF  }
0x38: {  	_ =	task.clear_ibuf [dreg:s6], $0x2FFFF;
	_ =	strace $0x9FFFFFFF  }
0x39: {  	(tm) =	ssettm $0x7FFFFFFF  }
tec
execute0_lowered:
.L_overlay_start_1:
0x0: {  	(tag) =	ssettag $0x1  }
0x1: {  	s0 =	srdreg.scid  }
0x2: {  	s5 =	rddreg [dreg:$0x0];
	s1 =	stileid.u32;
	s4 =	simm.s32 $0x1  }
0x3: {  	s6 =	simm.s32 $0x2;
	s15 =	simm.s32 $0x0;
	p0 =	por $0x0, $0x0  }
0x4: {  	s8 =	simm.s32 $0x80;
	s14 =	simm.s32 $0x0;
	s2 =	sshll.u32 s0, $0x4  }
0x5: {  	s9 =	simm.s32 $0x0;
	s10 =	simm.s32 $0x0;
	s2 =	sand.u32 $0x10, s2  }
.Ltmp0:
0x6: {  	s12 =	simm.s32 $0x0;
	s3 =	sor.u32 s1, s2;
	(pc) =	sbr.rel .LBB1_1-.Ltmp0, $4  }
0x7: {  	s0 =	rddreg [dreg:$0x1];
	_ =	strace $0x80000047;
	s3 =	sshll.u32 s3, $0x7  }
0x8: {  	s13 =	simm.s32 $0x0;
	[sflag:s4] =	ssyncpa.u1 $0x0;
	s7 =	ssub.s32 $0xF4200, s3  }
0x9: {  	s2 =	sadd.s32 $0x5A00, s5;
	[sflag:s6] =	ssyncpa.u1 $0x0;
	s6 =	sshrl.u32 s7, $0xC  }
0xa: {  	s5 =	sadd.s32 $0x7A6E00, s5;
	s11 =	smov.u32 s3;
	s7 =	sadd.s32 $0x2, s6  }
.LBB1_5:
0xb: {  	p1 =	slt.u32 s13, $0x2  }
0xc: {  	s17 =	smov.u32 s15;
	p2 =	sgt.s32 @!p1 s15, $0xF41C0;
	s16 =	sshra.s32 @!p1 s15, $0x1F  }
0xd: {  	p3 =	sgt.s32 @!p1 s14, $0x40;
	s18 =	sshra.s32 @!p1 s14, $0x1F;
	p2 =	por !p2, p1  }
0xe: {  	s15 =	sand.u32 @!p1 s16, s15;
	p3 =	por !p3, p1;
	s16 =	smov.u32 s14  }
0xf: {  	s14 =	sand.u32 @!p1 s18, s14;
	s17 =	simm.s32 @p2 $0xF41C0;
	s16 =	simm.s32 @p3 $0x40  }
0x10: {  	s15 =	ssub.s32 @!p1 s17, s15;
	s14 =	ssub.s32 @!p1 s16, s14  }
0x11: {  	s18 =	smov.u32 s12;
	s16 =	sadd.s32 @!p1 $0xFFF0BE40, s15;
	s17 =	sadd.s32 @!p1 $0xFFFFFFC0, s14  }
0x12: {  	s15 =	ssub.s32 @!p1 $0xF4240, s15;
	p2 =	sgt.s32 @!p1 s16, $0x7F;
	p3 =	sgt.s32 @!p1 s17, $0x3F  }
0x13: {  	s14 =	ssub.s32 @!p1 $0x80, s14;
	p2 =	por !p2, p1;
	p3 =	por !p3, p1  }
0x14: {  	s16 =	sadd.s32 $0x1000, s11;
	s15 =	simm.s32 @!p2 $0x0;
	s14 =	simm.s32 @!p3 $0x0  }
0x15: {  	p2 =	sgt.s32 s16, $0xF423F;
	s14 =	smul.u32 @!p1 s14, s15;
	s15 =	sadd.s32 $0x40, s12  }
0x16: {  	s18 =	smov.u32 @p2 s15  }
0x17: {  	s16 =	smov.u32 @p2 s3;
	p2 =	sgt.s32 s18, $0x3F  }
0x18: {  	s18 =	simm.s32 @p2 $0x0;
	p2 =	sne.s32 s13, s7  }
.Ltmp1:
0x19: {  	p0 =	por !p0, !p0;
	s17 =	simm.s32 @!p1 $0x2;
	(pc) =	sbr.rel @!p2 .LBB1_6-.Ltmp1, $4  }
0x1a: {  	s15 =	smov.u32 s9;
	s9 =	smov.u32 s11;
	s14 =	sand.u32 @!p1 $0x3FFFFFFF, s14  }
0x1b: {  	s11 =	smov.u32 s16;
	_ =	swait.ge @!p1 [sflag:s17], s14;
	s19 =	ssub.s32 @!p1 $0x0, s14  }
0x1c: {  	s14 =	smov.u32 s10;
	s13 =	sadd.s32 $0x1, s13;
	[sflag:s17] =	ssyncset.done @!p1 $0x0  }
0x1d: {  	s10 =	smov.u32 s12;
	s12 =	smov.u32 s18;
	[sflag:s17] =	ssyncadd.s32 @!p1 s19  }
.LBB1_1:
0x1e: {  	p1 =	sgt.u32 s13, s6  }
0x1f: {  	s16 =	sshrl.u32 @!p1 s12, $0x3  }
0x20: {  	s17 =	sshll.u32 @!p1 s11, $0x3;
	s16 =	smul.u32 @!p1 $0x7A1400, s16  }
0x21: {  	s18 =	sshll.u32 @!p1 s12, $0x7;
	s17 =	sand.u32 @!p1 $0xFFFFFC00, s17  }
0x22: {  	s16 =	sadd.s32 @!p1 s16, s17;
	s17 =	sand.u32 @!p1 $0x380, s18  }
0x23: {  	s18 =	sand.u32 @!p1 $0x7F, s11;
	s16 =	sor.u32 @!p1 s17, s16  }
0x24: {  	s17 =	sor.u32 @!p1 s18, s16  }
0x25: {  	s18 =	smulhi.u32 @!p1 $0x218D6287, s17;
	_ =	sdelay $0x1  }
0x26: {  	s16 =	smulhi.u32 @!p1 $0x218D6287, s16;
	s18 =	sshrl.u32 @!p1 s18, $0x11  }
0x27: {  	s18 =	smul.u32 @!p1 $0xF4280, s18  }
0x28: {  	s19 =	sxor.u32 @!p1 $0xFFFFFFFF, s13;
	s16 =	sshrl.u32 @!p1 s16, $0x11  }
0x29: {  	s19 =	sshll.u32 @!p1 s19, $0xD;
	s16 =	sand.u32 @!p1 $0x3F, s16;
	s17 =	ssub.s32 @!p1 s17, s18  }
0x2a: {  	s16 =	smul.u32 @!p1 $0x1E850, s16;
	s18 =	sshrl.u32 @!p1 s17, $0x3;
	s17 =	sand.u32 @!p1 $0x7, s17  }
0x2b: {  	s19 =	sand.u32 @!p1 $0x2000, s19;
	s18 =	sadd.s32 @!p1 s2, s18;
	s17 =	sshll.u32 @!p1 s17, $0x12  }
0x2c: {  	s16 =	sadd.s32 @!p1 s16, s18;
	s17 =	sor.u32 @!p1 $0x400, s17;
	s18 =	simm.s32 @!p1 $0x7A1400  }
0x2d: {  	[tilespmem:s19], [sflag:$0x1] =	stream.strided.gather @!p1 [hbm4b:s16+s17], $0x2000, s18, s17, $0x38;
	[tilespmem:$0x8100] =	vst v63  }
0x2e: {  	p1 =	seq.s32 s13, $0x0  }
0x2f: {  	p2 =	sge.u32 @!p1 s13, s7  }
0x30: {  	p1 =	por p1, p2  }
.Ltmp2:
0x31: {  	_ = 	snop;
	(pc) =	sbr.rel @p1 .LBB1_5-.Ltmp2, $1  }
0x32: {  	_ =	sdelay $0x3  }
0x33: {  	s16 =	simm.s32 $0x1  }
0x34: {  	_ =	swait.ge [sflag:s4], $0x2000;
	s16 =	simm.s32 @!p0 $0x0  }
0x35: {  	[sflag:s4] =	ssyncset.done $0x0;
	s17 =	sshll.u32 s16, $0xD  }
0x36: {  	[sflag:s4] =	ssyncadd.s32 $0xFFFFE000;
	s17 =	sor.u32 $0x40, s17  }
0x37: {  	s16 =	smul.u32 $0x8200, s16;
	v0 =	vld [tilespmem:s17+$0x30]  }
0x38: {  	v1 =	vld [tilespmem:s17+$0xFFFFFFD0]  }
0x39: {  	s16 =	sshrl.u32 s16, $0x2;
	v5 =	vld [tilespmem:s17+$0xFFFFFFE0]  }
0x3a: {  	v6 =	vld [tilespmem:s17+$0xFFFFFFF0];
	s19 =	sor.u32 $0x4000, s16  }
0x3b: {  	s31 =	sand.u32 $0x1, s13;
	v4 =	vld [tilespmem:s17+$0x0];
	s18 =	sadd.s32 $0x0, s19  }
0x3c: {  	v3 =	vld [tilespmem:s17+$0x10];
	s16 =	smul.u32 $0x8200, s31;
	[tilespmem:s18+$0x1C70 ss:$0x41] =	vst.msk $0xffff, v0  }
0x3d: {  	v2 =	vld [tilespmem:s17+$0x20];
	[tilespmem:s18+$0x410 ss:$0x41] =	vst.msk $0xffff, v1  }
0x3e: {  	s16 =	sshrl.u32 s16, $0x2;
	v1 =	vld [tilespmem:s17+$0xFFFFFFC0];
	[tilespmem:s18+$0x820 ss:$0x41] =	vst.msk $0xffff, v5;
	s17 =	sadd.s32 $0x80, s17  }
0x3f: {  	s20 =	simm.s32 $0x4;
	s21 =	simm.s32 $0x8;
	s16 =	sor.u32 $0x4000, s16;
	[tilespmem:s18+$0xC30 ss:$0x41] =	vst.msk $0xffff, v6;
	v0 =	vld [tilespmem:s17+$0x30]  }
.LBB1_3:
0x40: {  	p1 =	sne.s32 s21, $0xFC;
	v5 =	vld [tilespmem:s17+$0xFFFFFFD0];
	[tilespmem:s18+$0x1040 ss:$0x41] =	vst.msk $0xffff, v4  }
0x41: {  	v6 =	vld [tilespmem:s17+$0xFFFFFFE0];
	[tilespmem:s18+$0x1450 ss:$0x41] =	vst.msk $0xffff, v3  }
0x42: {  	s22 =	sshra.s32 s20, $0x2;
	s20 =	smov.u32 s21;
	v7 =	vld [tilespmem:s17+$0xFFFFFFF0];
	[tilespmem:s18+$0x1860 ss:$0x41] =	vst.msk $0xffff, v2  }
.Ltmp3:
0x43: {  	v4 =	vld [tilespmem:s17+$0x0];
	[tilespmem:s18+$0x0 ss:$0x41] =	vst.msk $0xffff, v1;
	s18 =	sadd.s32 s22, s19;
	(pc) =	sbr.rel @p1 .LBB1_3-.Ltmp3, $4  }
0x44: {  	v3 =	vld [tilespmem:s17+$0x10];
	[tilespmem:s18+$0x1C70 ss:$0x41] =	vst.msk $0xffff, v0  }
0x45: {  	[tilespmem:s18+$0x410 ss:$0x41] =	vst.msk $0xffff, v5;
	v2 =	vld [tilespmem:s17+$0x20]  }
0x46: {  	v1 =	vld [tilespmem:s17+$0xFFFFFFC0];
	[tilespmem:s18+$0x820 ss:$0x41] =	vst.msk $0xffff, v6;
	s17 =	sadd.s32 $0x80, s17  }
0x47: {  	s21 =	sadd.s32 $0x4, s21;
	v0 =	vld [tilespmem:s17+$0x30];
	[tilespmem:s18+$0xC30 ss:$0x41] =	vst.msk $0xffff, v7  }
0x48: {  	s21 =	sshll.u32 s9, $0x7;
	s22 =	sshll.u32 s10, $0x3;
	s20 =	sshra.s32 s20, $0x2  }
0x49: {  	p1 =	sgt.s32 s9, $0xF41C0;
	s30 =	sshra.s32 s9, $0x1F;
	s25 =	sshra.s32 s10, $0x1F  }
0x4a: {  	v5 =	vld [tilespmem:s17+$0xFFFFFFD0];
	s28 =	sshrl.u32 s10, $0x3;
	s23 =	sand.u32 $0xFFFFFC00, s21;
	s22 =	sand.u32 $0xFFFFFC00, s22  }
0x4b: {  	[tilespmem:s18+$0x1040 ss:$0x41] =	vst.msk $0xffff, v4;
	v58 =	vld [tilespmem:s17+$0xFFFFFFE0];
	s21 =	sand.u32 $0x380, s21;
	s19 =	sadd.s32 s20, s19;
	s22 =	sadd.s32 s22, s23  }
0x4c: {  	v59 =	vld [tilespmem:s17+$0xFFFFFFF0];
	[tilespmem:s18+$0x1450 ss:$0x41] =	vst.msk $0xffff, v3;
	s29 =	sor.u32 s21, s22;
	s21 =	smov.u32 s9;
	s22 =	sand.u32 s30, s9  }
0x4d: {  	v60 =	vld [tilespmem:s17+$0x0];
	[tilespmem:s18+$0x1860 ss:$0x41] =	vst.msk $0xffff, v2;
	s30 =	sand.u32 $0x7, s10;
	s20 =	sshrl.u32 s29, $0x7;
	s21 =	simm.s32 @!p1 $0xF41C0  }
0x4e: {  	v61 =	vld [tilespmem:s17+$0x10];
	[tilespmem:s18+$0x0 ss:$0x41] =	vst.msk $0xffff, v1;
	p1 =	sgt.s32 s10, $0x40;
	s24 =	ssub.s32 s21, s22;
	s21 =	smov.u32 s10  }
0x4f: {  	v62 =	vld [tilespmem:s17+$0x20];
	[tilespmem:s19+$0x1C70 ss:$0x41] =	vst.msk $0xffff, v0;
	s31 =	smulhi.u32 $0x218DEF5, s20;
	s22 =	sand.u32 s25, s10;
	s21 =	simm.s32 @!p1 $0x40  }
0x50: {  	v63 =	vld [tilespmem:s17+$0xFFFFFFC0];
	[tilespmem:s19+$0x410 ss:$0x41] =	vst.msk $0xffff, v5;
	s26 =	sadd.s32 $0xFFF0BE40, s24;
	s17 =	ssub.s32 $0xF4240, s24;
	s21 =	ssub.s32 s21, s22  }
0x51: {  	[tilespmem:s19+$0x820 ss:$0x41] =	vst.msk $0xffff, v58;
	s23 =	sshrl.u32 s31, $0xD;
	p1 =	sgt.s32 s26, $0x7F;
	s27 =	sadd.s32 $0xFFFFFFC0, s21  }
0x52: {  	[tilespmem:s19+$0xC30 ss:$0x41] =	vst.msk $0xffff, v59;
	s23 =	smul.u32 $0xF4240, s23;
	s18 =	ssub.s32 $0x80, s21;
	p2 =	sgt.s32 s27, $0x3F  }
.Ltmp4:
0x53: {  	[tilespmem:s19+$0x1040 ss:$0x41] =	vst.msk $0xffff, v60;
	s17 =	simm.s32 @p1 $0x0;
	s18 =	simm.s32 @p2 $0x0;
	(pc) =	sbr.rel .LBB1_5-.Ltmp4, $4  }
0x54: {  	s29 =	sand.u32 $0xF, s28;
	[tilespmem:s19+$0x1450 ss:$0x41] =	vst.msk $0xffff, v61;
	s20 =	ssub.s32 s20, s23;
	s17 =	smul.u32 s18, s17  }
0x55: {  	[tilespmem:s19+$0x1860 ss:$0x41] =	vst.msk $0xffff, v62;
	s21 =	sshll.u32 s30, $0x12;
	s20 =	sshll.u32 s20, $0x4;
	s18 =	sadd.s32 s5, s29  }
0x56: {  	[tilespmem:s19+$0x0 ss:$0x41] =	vst.msk $0xffff, v63;
	s31 =	sor.u32 $0x40, s21;
	s18 =	sadd.s32 s20, s18;
	s17 =	sand.u32 $0x3FFFFFFF, s17  }
0x57: {  	[hbm4b:s18+s31] =	stream.strided.scatter [tilespmem:s16], [sflag:$0x2], s17, s8, s31, $0x18;
	[tilespmem:$0x8100] =	vst v63  }
.LBB1_6:
0x58: {  	_ =	sfence.sel $0x180000  }
0x59: {  	s2 =	simm.s32 $0x1;
	[bflag:$0x0] =	sbarrier.arrive $0xFFFF  }
0x5a: {  	s31 =	simm.s32 $0x2;
	[sflag:s2] =	ssyncpa.u1 $0x1  }
0x5b: {  	[sflag:s31] =	ssyncpa.u1 $0x1  }
0x5c: {  	p0 =	sne.s32 s1, $0x0;
	_ =	strace $0x90000047  }
0x5d: {  	s0 =	sadd.s32 @!p0 $0x100000, s0;
	[bflag:$0x2] =	sbarrier.arrive $0xFFFF  }
0x5e: {  	[sflag:s0] =	ssyncadd.tile.s32 @!p0 $0x1;
	_ =	shalt  }
.Lfunc_end1:
_tile_overlayer_lowered:
.L_overlay_start_2:
0x5f: {  	(tag) =	ssettag $0x2  }
0x60: {  	s0 =	rddreg [dreg:$0x0];
	s2 =	stileid.u32  }
0x61: {  	s1 =	rddreg [dreg:$0x1];
	p0 =	sne.s32 s2, $0x0  }
0x62: {  	s3 =	rddreg [dreg:$0x2];
	[bflag:$0x3] =	sbarrier.arrive $0xFFFF;
	s2 =	simm.s32 @!p0 $0x1C01  }
0x63: {  	[timem:s3], [sflag:s2] =	dma.local @!p0 [hbm:s0], s1  }
0x64: {  	s0 =	simm.s32 @!p0 $0x1  }
0x65: {  	_ =	swait.ge @!p0 [sflag:s0], s1  }
0x66: {  	s1 =	ssub.s32 @!p0 $0x0, s1;
	[sflag:s0] =	ssyncset.done @!p0 $0x0  }
0x67: {  	[sflag:s0] =	ssyncadd.s32 @!p0 s1  }
0x68: {  	[bflag:$0x3] =	sbarrier.arrive $0xFFFF  }
0x69: {  	_ =	shalt  }

// kernel: sparse-core-data-format-call.cloned.1.call-start
scs
called_computation_lowered:
.L_overlay_start_0:
0x0: {  	s2 =	sld [smem:$0x3FD9]  }
0x1: {  	s3 =	sld [smem:$0x3FFE];
	_ =	sdelay $0x1  }
0x2: {  	s1 =	srdreg.scid  }
0x3: {  	s0 =	sand.u32 $0x1, s1  }
0x4: {  	s15 =	sshll.u32 s0, $0xA;
	s2 =	sadd.s32 s3, s2  }
0x5: {  	s2 =	sadd.s32 s2, s15  }
0x6: {  	[smem:$0x3FB4] =	sst s2  }
0x7: {  	_ = 	snop  }
0x8: {  	s2 =	sld [smem:$0x3FD0];
	_ =	sdelay $0x2  }
0x9: {  	s16 =	simm.s32 $0xA;
	s4 =	simm.s32 $0x10  }
0xa: {  	[smem:s4], [sflag:s16] =	dma.local [hbm:s2], $0x1  }
0xb: {  	_ =	swait.eq [sflag:s16], $0x1  }
0xc: {  	[sflag:s16] =	ssyncset.done $0x0  }
0xd: {  	[sflag:s16] =	ssyncadd.s32 $0xFFFFFFFF  }
0xe: {  	s17 =	sld [smem:$0x12];
	(tm) =	ssettm $0x1  }
0xf: {  	s18 =	sld [smem:$0x3FFB];
	_ =	sdelay $0x3  }
0x10: {  	_ =	strace s18  }
0x11: {  	s3 =	sld [smem:$0x3FFC];
	_ =	sdelay $0x3  }
0x12: {  	_ =	strace s3  }
0x13: {  	s3 =	sld [smem:$0x3FFD];
	_ =	sdelay $0x3  }
0x14: {  	_ =	strace s3  }
0x15: {  	_ =	strace $0x8FFFFFFF  }
0x16: {  	s19 =	sld [smem:$0x3FDB];
	_ =	sdelay $0x1  }
0x17: {  	s20 =	simm.s32 $_scs_section_size  }
0x18: {  	s5 =	simm.s32 $_size__tile_overlayer_lowered;
	s6 =	simm.s32 $_tile_overlayer_lowered  }
0x19: {  	s23 =	simm.s32 $0x1BFF;
	s22 =	sshll.u32 s6, $0x1;
	s3 =	sadd.s32 s20, s19  }
0x1a: {  	s7 =	simm.s32 $0x0;
	s21 =	sshll.u32 s5, $0x1;
	s5 =	sadd.s32 s22, s3  }
0x1b: {  	[timem:s7], [sflag:s23] =	dma.local [hbm:s5], s21  }
0x1c: {  	_ =	swait.ge [sflag:s23], s21  }
0x1d: {  	s4 =	ssub.s32 $0x0, s21;
	[sflag:s23] =	ssyncset.done $0x0  }
0x1e: {  	[sflag:s23] =	ssyncadd.s32 s4;
	_ =	sdelay $0x1  }
0x1f: {  	s24 =	simm.s32 $0x1B8B  }
0x20: {  	_ =	swait.ge [sflag:s24], $0x1  }
0x21: {  	[sflag:s24] =	ssyncset.done $0x0  }
0x22: {  	s26 =	simm.s32 $0x1B8E;
	s25 =	sld [smem:$0x3FFE];
	[sflag:s24] =	ssyncadd.s32 $0xFFFFFFFF  }
0x23: {  	s27 =	simm.s32 $execute0_lowered;
	[smem:$0x3FD2] =	sst s26  }
0x24: {  	s5 =	sshll.u32 s27, $0x1;
	_ =	strace $0x8000004F;
	[dreg:$0x1] =	wrdreg $0xFFFFFFFF  }
0x25: {  	s28 =	simm.s32 $_size_execute0_lowered;
	s3 =	sadd.s32 s3, s5;
	[dreg:$0x0] =	wrdreg $0x0  }
0x26: {  	s5 =	sshll.u32 s28, $0x1;
	[dreg:$0x2] =	wrdreg s3  }
0x27: {  	[dreg:$0x3] =	wrdreg s5  }
0x28: {  	[dreg:$0x4] =	wrdreg $0xC0  }
0x29: {  	_ =	task [dreg:s7], $0x5FFFF  }
0x2a: {  	[dreg:$0x1] =	wrdreg $0xFFFFFFFF  }
0x2b: {  	[dreg:$0x0] =	wrdreg $0x60  }
0x2c: {  	[dreg:$0x2] =	wrdreg s25  }
0x2d: {  	[dreg:$0x3] =	wrdreg s17  }
0x2e: {  	[dreg:$0x4] =	wrdreg $0x9  }
0x2f: {  	_ =	task.clear_ibuf [dreg:s7], $0x5FFFF;
	_ =	strace $0x9000004F  }
0x30: {  	s29 =	simm.s32 $0x9;
	_ =	strace $0x80000051  }
0x31: {  	_ =	swait.ge [sflag:s29], $0x1  }
0x32: {  	[sflag:s29] =	ssyncadd.s32 $0xFFFFFFFF  }
0x33: {  	_ =	strace $0x90000051  }
0x34: {  	_ =	sfence  }
0x35: {  	s30 =	sld [smem:$0x0];
	_ =	sdelay $0x2  }
0x36: {  	s31 =	sshll.u32 s1, $0xD;
	s1 =	sshrl.u32 s1, $0x2  }
0x37: {  	s3 =	sand.u32 $0x4000, s31;
	s1 =	sadd.s32 s1, s30  }
0x38: {  	s0 =	sor.u32 s3, s0;
	s1 =	sshll.u32 s1, $0x11  }
0x39: {  	s0 =	sor.u32 s1, s0  }
0x3a: {  	s0 =	sadd.s32 $0x8F2B, s0  }
0x3b: {  	[sflag:s0] =	ssyncadd.remote.s32 $0x1  }
0x3c: {  	_ =	sfence.sel $0xFFFF  }
0x3d: {  	[dreg:$0x0] =	wrdreg $0xFFFFFFFF;
	(pc) =	sbr.abs _section_cstart, $3  }
0x3e: {  	[dreg:$0x1] =	wrdreg $0xFFFFFFFF  }
0x3f: {  	_ =	task.clear_ibuf [dreg:s7], $0x2FFFF;
	_ =	strace $0x9FFFFFFF  }
0x40: {  	(tm) =	ssettm $0x7FFFFFFF  }
0x41: {  	_ =	shalt  }
tec
execute0_lowered:
.L_overlay_start_1:
0x0: {  	(tag) =	ssettag $0x1  }
0x1: {  	s4 =	rddreg [dreg:$0x0]  }
0x2: {  	s0 =	srdreg.scid;
	s2 =	rddreg [dreg:$0x1]  }
0x3: {  	s1 =	stileid.u32;
	s5 =	simm.s32 $0x1;
	s0 =	sshll.u32 s0, $0x4  }
0x4: {  	s7 =	simm.s32 $0x2;
	s11 =	simm.s32 $0x0;
	s3 =	sand.u32 $0x10, s0  }
.Ltmp0:
0x5: {  	p0 =	por $0x0, $0x0;
	s3 =	sor.u32 s1, s3;
	(pc) =	sbr.rel .LBB1_1-.Ltmp0, $4  }
0x6: {  	s8 =	simm.s32 $0x7A1400;
	s10 =	simm.s32 $0x0;
	s3 =	sshll.u32 s3, $0x7  }
0x7: {  	s0 =	rddreg [dreg:$0x2];
	_ =	strace $0x80000050;
	s6 =	ssub.s32 $0xF4200, s3  }
0x8: {  	s4 =	sadd.s32 $0x85A00, s4;
	[sflag:s5] =	ssyncpa.u1 $0x0;
	s6 =	sshrl.u32 s6, $0xC  }
0x9: {  	[sflag:s7] =	ssyncpa.u1 $0x0;
	s9 =	smov.u32 s3;
	s7 =	sadd.s32 $0x2, s6  }
.LBB1_5:
0xa: {  	s13 =	sadd.s32 $0x1000, s9  }
0xb: {  	p2 =	sgt.s32 s13, $0xF423F  }
0xc: {  	s13 =	smov.u32 @p2 s3;
	p2 =	sne.s32 s10, s7  }
.Ltmp1:
0xd: {  	p1 =	slt.u32 s10, $0x2;
	(pc) =	sbr.rel @!p2 .LBB1_6-.Ltmp1, $4  }
0xe: {  	s12 =	simm.s32 @!p1 $0x2  }
0xf: {  	s14 =	sadd.s32 $0x1, s10;
	_ =	swait.ge @!p1 [sflag:s12], $0x1000  }
0x10: {  	s11 =	smov.u32 s9;
	p0 =	por !p0, !p0;
	[sflag:s12] =	ssyncset.done @!p1 $0x0  }
0x11: {  	s10 =	smov.u32 s14;
	s9 =	smov.u32 s13;
	[sflag:s12] =	ssyncadd.s32 @!p1 $0xFFFFF000  }
.LBB1_1:
0x12: {  	p1 =	sgt.u32 s10, s6  }
0x13: {  	s13 =	smov.u32 s9;
	p2 =	sgt.s32 @!p1 s9, $0xF41C0  }
0x14: {  	s12 =	sand.u32 @!p1 $0x1FFFFFF, s9;
	s14 =	sshra.s32 @!p1 s9, $0x1F;
	p2 =	por !p2, p1  }
0x15: {  	s15 =	smulhi.u32 @!p1 $0x218DEF5, s12;
	s14 =	sand.u32 @!p1 s14, s9;
	s13 =	simm.s32 @p2 $0xF41C0  }
0x16: {  	s13 =	ssub.s32 @!p1 s13, s14  }
0x17: {  	s14 =	sshrl.u32 @!p1 s15, $0xD;
	s13 =	sadd.s32 @!p1 $0xFFF0BE40, s13  }
0x18: {  	s15 =	sxor.u32 @!p1 $0xFFFFFFFF, s10;
	s14 =	smul.u32 @!p1 $0xF4240, s14;
	s16 =	sshll.u32 @!p1 s13, $0x7  }
0x19: {  	s15 =	sshll.u32 @!p1 s15, $0xC;
	p2 =	sgt.s32 @!p1 s13, $0x7F;
	s13 =	ssub.s32 @!p1 $0x4000, s16  }
0x1a: {  	s12 =	ssub.s32 @!p1 s12, s14;
	p2 =	por !p2, p1;
	s14 =	sand.u32 @!p1 $0x1000, s15  }
0x1b: {  	s15 =	simm.s32 @!p1 $0x20;
	s13 =	sshrl.u32 @!p1 s13, $0x2;
	s12 =	sshll.u32 @!p1 s12, $0x4  }
0x1c: {  	s16 =	simm.s32 @!p1 $0x80;
	s13 =	simm.s32 @!p2 $0x0;
	s12 =	sadd.s32 @!p1 s4, s12  }
0x1d: {  	[tilespmem:s14], [sflag:$0x1] =	stream.strided.gather @!p1 [hbm4b:s12+s15], s13, s16, s15, $0x38;
	[tilespmem:$0x4040] =	vst v63  }
0x1e: {  	p1 =	seq.s32 s10, $0x0  }
0x1f: {  	p2 =	sge.u32 @!p1 s10, s7  }
0x20: {  	p1 =	por p1, p2  }
.Ltmp2:
0x21: {  	_ = 	snop;
	(pc) =	sbr.rel @p1 .LBB1_5-.Ltmp2, $1  }
0x22: {  	_ =	sdelay $0x3  }
0x23: {  	p1 =	sgt.s32 s11, $0xF41C0;
	s12 =	smov.u32 s11;
	s13 =	sshra.s32 s11, $0x1F  }
0x24: {  	s12 =	simm.s32 @!p1 $0xF41C0;
	s13 =	sand.u32 s13, s11  }
0x25: {  	s12 =	ssub.s32 s12, s13  }
0x26: {  	s12 =	sadd.s32 $0xFFF0BE40, s12  }
0x27: {  	s28 =	sshll.u32 s12, $0x7  }
0x28: {  	s13 =	ssub.s32 $0x4000, s28  }
0x29: {  	p1 =	sgt.s32 s12, $0x7F;
	s12 =	sshrl.u32 s13, $0x2  }
0x2a: {  	s13 =	simm.s32 $0x1;
	s12 =	simm.s32 @p1 $0x0  }
0x2b: {  	s13 =	simm.s32 @!p0 $0x0;
	_ =	swait.ge [sflag:s5], s12  }
0x2c: {  	s14 =	sshll.u32 s13, $0xC;
	s12 =	ssub.s32 $0x0, s12;
	[sflag:s5] =	ssyncset.done $0x0  }
0x2d: {  	s16 =	sor.u32 $0x10, s14;
	[sflag:s5] =	ssyncadd.s32 s12  }
0x2e: {  	s29 =	smul.u32 $0x4080, s13;
	v1 =	vld [tilespmem:s16+$0x0]  }
0x2f: {  	s30 =	sand.u32 $0x1, s10;
	v0 =	vld [tilespmem:s16+$0xFFFFFFF0]  }
0x30: {  	s13 =	smul.u32 $0x4080, s30;
	s12 =	sshrl.u32 s29, $0x2  }
0x31: {  	s14 =	sor.u32 $0x2000, s12  }
0x32: {  	s31 =	sshrl.u32 s13, $0x2;
	s13 =	sadd.s32 $0x0, s14  }
0x33: {  	s15 =	simm.s32 $0x4;
	s12 =	sor.u32 $0x2000, s31;
	s16 =	sadd.s32 $0x20, s16;
	[tilespmem:s13+$0x810 ss:$0x81] =	vst.msk $0xffff, v1  }
.LBB1_3:
0x34: {  	v1 =	vld [tilespmem:s16+$0x0];
	p1 =	sne.s32 s15, $0x1FC;
	[tilespmem:s13+$0x0 ss:$0x81] =	vst.msk $0xffff, v0;
	s13 =	smov.u32 s15;
	s15 =	sadd.s32 $0x4, s15  }
.Ltmp3:
0x35: {  	v0 =	vld [tilespmem:s16+$0xFFFFFFF0];
	(pc) =	sbr.rel @p1 .LBB1_3-.Ltmp3, $4  }
0x36: {  	_ = 	snop  }
0x37: {  	s13 =	sshra.s32 s13, $0x2  }
0x38: {  	s13 =	sadd.s32 s13, s14  }
0x39: {  	s16 =	sadd.s32 $0x20, s16;
	[tilespmem:s13+$0x810 ss:$0x81] =	vst.msk $0xffff, v1  }
0x3a: {  	s14 =	sshll.u32 s11, $0x3  }
0x3b: {  	s30 =	sand.u32 $0x7F, s11;
	s14 =	sand.u32 $0xFFFFFC00, s14  }
0x3c: {  	s11 =	sor.u32 s30, s14  }
0x3d: {  	s15 =	smulhi.u32 $0x218D6287, s11;
	_ =	sdelay $0x1  }
0x3e: {  	s14 =	smulhi.u32 $0x218D6287, s14;
	s15 =	sshrl.u32 s15, $0x11  }
0x3f: {  	s15 =	smul.u32 $0xF4280, s15  }
0x40: {  	s14 =	sshrl.u32 s14, $0x11  }
.Ltmp4:
0x41: {  	s14 =	sand.u32 $0x1F, s14;
	s11 =	ssub.s32 s11, s15;
	(pc) =	sbr.rel .LBB1_5-.Ltmp4, $4  }
0x42: {  	s14 =	smul.u32 $0x1E850, s14;
	s15 =	sshrl.u32 s11, $0x3;
	s11 =	sand.u32 $0x7, s11  }
0x43: {  	s15 =	sadd.s32 s2, s15;
	s11 =	sshll.u32 s11, $0x12  }
0x44: {  	[tilespmem:s13+$0x0 ss:$0x81] =	vst.msk $0xffff, v0;
	s31 =	sadd.s32 s14, s15;
	s11 =	sor.u32 $0x400, s11  }
0x45: {  	[hbm4b:s31+s11] =	stream.strided.scatter [tilespmem:s12], [sflag:$0x2], $0x1000, s8, s11, $0x20;
	[tilespmem:$0x4040] =	vst v63  }
.LBB1_6:
0x46: {  	_ =	sfence.sel $0x180000  }
0x47: {  	s2 =	simm.s32 $0x1;
	[bflag:$0x0] =	sbarrier.arrive $0xFFFF  }
0x48: {  	s31 =	simm.s32 $0x2;
	[sflag:s2] =	ssyncpa.u1 $0x1  }
0x49: {  	[sflag:s31] =	ssyncpa.u1 $0x1  }
0x4a: {  	p0 =	sne.s32 s1, $0x0;
	_ =	strace $0x90000050  }
0x4b: {  	s0 =	sadd.s32 @!p0 $0x100000, s0;
	[bflag:$0x2] =	sbarrier.arrive $0xFFFF  }
0x4c: {  	[sflag:s0] =	ssyncadd.tile.s32 @!p0 $0x1;
	_ =	shalt  }
.Lfunc_end1:
_tile_overlayer_lowered:
.L_overlay_start_2:
0x4d: {  	(tag) =	ssettag $0x2  }
0x4e: {  	s0 =	rddreg [dreg:$0x0];
	s2 =	stileid.u32  }
0x4f: {  	s1 =	rddreg [dreg:$0x1];
	p0 =	sne.s32 s2, $0x0  }
0x50: {  	s3 =	rddreg [dreg:$0x2];
	[bflag:$0x3] =	sbarrier.arrive $0xFFFF;
	s2 =	simm.s32 @!p0 $0x1C01  }
0x51: {  	[timem:s3], [sflag:s2] =	dma.local @!p0 [hbm:s0], s1  }
0x52: {  	s0 =	simm.s32 @!p0 $0x1  }
0x53: {  	_ =	swait.ge @!p0 [sflag:s0], s1  }
0x54: {  	s1 =	ssub.s32 @!p0 $0x0, s1;
	[sflag:s0] =	ssyncset.done @!p0 $0x0  }
0x55: {  	[sflag:s0] =	ssyncadd.s32 @!p0 s1  }
0x56: {  	[bflag:$0x3] =	sbarrier.arrive $0xFFFF  }
0x57: {  	_ =	shalt  }

</sc_bundles>
